<compile_context>
chip_gen: v7x
topology: tpu7x:2x2x1
jax: 0.10.2.dev20260603
libtpu: 0.0.44.dev20260713+nightly
codegen_flags: <defaults>
</compile_context>

<pallas_src>
import functools
import math

import numpy as np
import jax
import jax.numpy as jnp
from jax import lax
from jax.experimental import pallas as pl
from jax.experimental.pallas import tpu as pltpu
from jax.experimental.pallas import tpu_sc as plsc

VOCAB = 64
D = 512
SEQ = 512
BATCH = 128
NW = 32
POS_PER_W = SEQ // NW
HALF = BATCH // 2
NVEC = D // 16
SCALE = math.sqrt(float(D))


def _pos_encoding_np():
    depth = D / 2
    positions = np.arange(SEQ)[:, np.newaxis]
    depths = np.arange(depth)[np.newaxis, :] / depth
    angle_rates = 1 / 10000 ** depths
    angle_rads = positions * angle_rates
    return np.concatenate([np.sin(angle_rads), np.cos(angle_rads)],
                          axis=-1).astype(np.float32)


_POS_NP = _pos_encoding_np()


def _sc_body(xt_hbm, pos_hbm, table_hbm, out_hbm,
             table_v, pos_v, x_v2, out_v0, out_v1, idx_v0, idx_v1,
             sem0, sem1):
    w = lax.axis_index("s") * 2 + lax.axis_index("c")
    s0 = w * POS_PER_W
    bufs = ((out_v0, idx_v0, sem0), (out_v1, idx_v1, sem1))

    pltpu.sync_copy(table_hbm, table_v)
    def scale_row(r, _):
        for j in range(NVEC):
            sl = pl.ds(16 * j, 16)
            table_v[r, sl] = table_v[r, sl] * SCALE
        return 0
    lax.fori_loop(0, VOCAB, scale_row, 0)

    pltpu.sync_copy(pos_hbm.at[pl.ds(s0, POS_PER_W)], pos_v)
    pltpu.sync_copy(xt_hbm.at[:, pl.ds(128 * (w // 8), 128)],
                    x_v2.at[pl.ds(0, BATCH)])
    woff = s0 % 128

    lane = lax.iota(jnp.int32, 16)

    def pos_body(p, _):
        s = s0 + p
        pj = [pos_v[p, pl.ds(16 * j, 16)] for j in range(NVEC)]
        for h in range(2):
            out_v, idx_v, sem = bufs[h]
            b0 = h * HALF

            @pl.when(p > 0)
            def _():
                pltpu.make_async_copy(out_v, out_hbm.at[idx_v], sem).wait()

            @plsc.parallel_loop(0, HALF, unroll=1)
            def _(t):
                xv = x_v2[b0 + t, pl.ds(woff + p, 16)]
                v = xv[0]
                for j in range(NVEC):
                    sl = pl.ds(16 * j, 16)
                    out_v[t, sl] = table_v[v, sl] + pj[j]

            for c in range(4):
                idx_v[pl.ds(16 * c, 16)] = (lane + (b0 + 16 * c)) * SEQ + s
            pltpu.async_copy(out_v, out_hbm.at[idx_v], sem)
        return 0
    lax.fori_loop(0, POS_PER_W, pos_body, 0)

    for h in range(2):
        out_v, idx_v, sem = bufs[h]
        pltpu.make_async_copy(out_v, out_hbm.at[idx_v], sem).wait()


@jax.jit
def _sc_call(xt, pos, table):
    kfn = pl.kernel(
        _sc_body,
        out_type=jax.ShapeDtypeStruct((BATCH * SEQ, D), jnp.float32),
        mesh=plsc.VectorSubcoreMesh(core_axis_name="c", subcore_axis_name="s"),
        scratch_types=[
            pltpu.VMEM((VOCAB, D), jnp.float32),
            pltpu.VMEM((POS_PER_W, D), jnp.float32),
            pltpu.VMEM((BATCH + 1, 128), jnp.int32),
            pltpu.VMEM((HALF, D), jnp.float32),
            pltpu.VMEM((HALF, D), jnp.float32),
            pltpu.VMEM((HALF,), jnp.int32),
            pltpu.VMEM((HALF,), jnp.int32),
            pltpu.SemaphoreType.DMA,
            pltpu.SemaphoreType.DMA,
        ],
    )
    return kfn(xt, pos, table)


def kernel(x, table):
    out = _sc_call(x.astype(jnp.int32), jnp.asarray(_POS_NP), table)
    return out.reshape(BATCH, SEQ, D)

# --- scband reference (transcript-rebuilt; emitter-appended) ---
"""Pipeline reference for scband-positional-encoding-180388627220 (READ-ONLY COPY).

The authoritative reference and input builder live on the scoring server;
editing this copy changes nothing except your own understanding.
"""

import jax, jax.numpy as jnp
import numpy as np

VOCAB_SIZE = 64
EMBED_SIZE = 512
SEQ_LEN = 512
BATCH = 128

def positional_encoding(length, depth):
    depth = depth / 2
    positions = np.arange(length)[:, np.newaxis]
    depths = np.arange(depth)[np.newaxis, :] / depth
    angle_rates = 1 / 10000 ** depths
    angle_rads = positions * angle_rates
    pos_encoding = np.concatenate([np.sin(angle_rads), np.cos(angle_rads)], axis=-1)
    return jnp.asarray(pos_encoding, dtype=jnp.float32)

def setup_inputs(seed: int = 0) -> dict:
    key = jax.random.key(seed)
    k1, k2 = jax.random.split(key)
    x = jax.random.randint(k1, (BATCH, SEQ_LEN), 0, VOCAB_SIZE, dtype=jnp.int64 if jax.config.jax_enable_x64 else jnp.int32)
    table = jax.random.normal(k2, (VOCAB_SIZE, EMBED_SIZE), dtype=jnp.float32) * 0.02
    return {"x": x, "table": table}

def reference(x, table):
    length = x.shape[1]
    pos_encoding = positional_encoding(SEQ_LEN, EMBED_SIZE)
    emb = jnp.take(table, x, axis=0)
    emb = emb * jnp.sqrt(jnp.asarray(EMBED_SIZE, dtype=jnp.float32))
    out = emb + pos_encoding[jnp.newaxis, :length, :]
    return out

if __name__ == "__main__":
    import jax
    _d = setup_inputs()
    print(jax.jit(kernel)(*tuple(_d.values())))

</pallas_src>

<mosaic_0001>
#map = affine_map<(d0, d1) -> (0, 0)>
module attributes {stable_mosaic.version = 14 : i64} {
  func.func @_sc_body(%arg0: i32, %arg1: i32, %arg2: memref<128x512xi32, #tpu.memory_space<hbm>>, %arg3: memref<512x512xf32, #tpu.memory_space<hbm>>, %arg4: memref<64x512xf32, #tpu.memory_space<hbm>>, %arg5: memref<65536x512xf32, #tpu.memory_space<hbm>>, %arg6: memref<64x512xf32, #tpu.memory_space<vmem>>, %arg7: memref<16x512xf32, #tpu.memory_space<vmem>>, %arg8: memref<129x128xi32, #tpu.memory_space<vmem>>, %arg9: memref<64x512xf32, #tpu.memory_space<vmem>>, %arg10: memref<64x512xf32, #tpu.memory_space<vmem>>, %arg11: memref<64xi32, #tpu.memory_space<vmem>>, %arg12: memref<64xi32, #tpu.memory_space<vmem>>, %arg13: memref<!tpu.dma_semaphore, #tpu.memory_space<semaphore_mem>>, %arg14: memref<!tpu.dma_semaphore, #tpu.memory_space<semaphore_mem>>) attributes {dimension_semantics = [#tpu.dimension_semantics<core_parallel>, #tpu.dimension_semantics<subcore_parallel>], iteration_bounds = array<i64: 2, 16>, scalar_prefetch = 0 : i64, scratch_operands = 9 : i64, tpu.core_type = #tpu.core_type<sc_vector_subcore>, window_params = [{transform_indices = #map}, {transform_indices = #map}, {transform_indices = #map}, {transform_indices = #map}]} {
    %mul3A = arith.constant 2 : i32
    %mul3A_0 = arith.muli %arg1, %mul3A : i32
    %add3A = arith.addi %mul3A_0, %arg0 : i32
    %mul3A_1 = arith.constant 16 : i32
    %mul3A_2 = arith.muli %add3A, %mul3A_1 : i32
    "tpu.region"() ({
      %run_scoped3A = tpu.sem_alloc : memref<!tpu.dma_semaphore, #tpu.memory_space<semaphore_mem>>
      tpu.enqueue_dma source(%arg4 : memref<64x512xf32, #tpu.memory_space<hbm>>) target(%arg6 : memref<64x512xf32, #tpu.memory_space<vmem>>) target_semaphore(%run_scoped3A : memref<!tpu.dma_semaphore, #tpu.memory_space<semaphore_mem>>)
      tpu.wait_dma2 semaphore(%run_scoped3A : memref<!tpu.dma_semaphore, #tpu.memory_space<semaphore_mem>>) src(%arg4 : memref<64x512xf32, #tpu.memory_space<hbm>>) dst(%arg6 : memref<64x512xf32, #tpu.memory_space<vmem>>)
      tpu.yield
    }) : () -> ()
    %scan3A = arith.constant 0 : i32
    %scan3A_3 = arith.constant 0 : i32
    %scan3A_4 = arith.constant 64 : i32
    %scan3A_5 = arith.addi %scan3A_3, %scan3A_4 : i32
    %scan3A_6 = arith.constant 1 : i32
    %scan3A_7 = scf.for %scan3A_53 = %scan3A_3 to %scan3A_5 step %scan3A_6 iter_args(%scan3A_54 = %scan3A) -> (i32)  : i32 {
      %get3A = arith.index_cast %scan3A_53 : i32 to index
      %get3A_55 = arith.constant 0 : index
      %get3A_56 = tpu.vector_load %arg6[%get3A, %get3A_55] {strides = array<i32>} : memref<64x512xf32, #tpu.memory_space<vmem>>, vector<1x16xf32>,
      %get3A_57 = vector.shape_cast %get3A_56 : vector<1x16xf32> to vector<16xf32>
      %mul3A_58 = arith.constant 22.6274166 : f32
      %mul3A_59 = vector.broadcast %mul3A_58 : f32 to vector<16xf32>
      %mul3A_60 = arith.mulf %get3A_57, %mul3A_59 : vector<16xf32>
      %swap3A = arith.index_cast %scan3A_53 : i32 to index
      %swap3A_61 = arith.constant 0 : index
      %swap3A_62 = tpu.vector_load %arg6[%swap3A, %swap3A_61] {strides = array<i32>} : memref<64x512xf32, #tpu.memory_space<vmem>>, vector<1x16xf32>,
      %swap3A_63 = vector.shape_cast %swap3A_62 : vector<1x16xf32> to vector<16xf32>
      %swap3A_64 = vector.shape_cast %mul3A_60 : vector<16xf32> to vector<1x16xf32>
      tpu.vector_store %arg6[%swap3A, %swap3A_61], %swap3A_64 {strides = array<i32>} : memref<64x512xf32, #tpu.memory_space<vmem>>, vector<1x16xf32>,
      %get3A_65 = arith.index_cast %scan3A_53 : i32 to index
      %get3A_66 = arith.constant 16 : index
      %get3A_67 = tpu.vector_load %arg6[%get3A_65, %get3A_66] {strides = array<i32>} : memref<64x512xf32, #tpu.memory_space<vmem>>, vector<1x16xf32>,
      %get3A_68 = vector.shape_cast %get3A_67 : vector<1x16xf32> to vector<16xf32>
      %mul3A_69 = arith.constant 22.6274166 : f32
      %mul3A_70 = vector.broadcast %mul3A_69 : f32 to vector<16xf32>
      %mul3A_71 = arith.mulf %get3A_68, %mul3A_70 : vector<16xf32>
      %swap3A_72 = arith.index_cast %scan3A_53 : i32 to index
      %swap3A_73 = arith.constant 16 : index
      %swap3A_74 = tpu.vector_load %arg6[%swap3A_72, %swap3A_73] {strides = array<i32>} : memref<64x512xf32, #tpu.memory_space<vmem>>, vector<1x16xf32>,
      %swap3A_75 = vector.shape_cast %swap3A_74 : vector<1x16xf32> to vector<16xf32>
      %swap3A_76 = vector.shape_cast %mul3A_71 : vector<16xf32> to vector<1x16xf32>
      tpu.vector_store %arg6[%swap3A_72, %swap3A_73], %swap3A_76 {strides = array<i32>} : memref<64x512xf32, #tpu.memory_space<vmem>>, vector<1x16xf32>,
      %get3A_77 = arith.index_cast %scan3A_53 : i32 to index
      %get3A_78 = arith.constant 32 : index
      %get3A_79 = tpu.vector_load %arg6[%get3A_77, %get3A_78] {strides = array<i32>} : memref<64x512xf32, #tpu.memory_space<vmem>>, vector<1x16xf32>,
      %get3A_80 = vector.shape_cast %get3A_79 : vector<1x16xf32> to vector<16xf32>
      %mul3A_81 = arith.constant 22.6274166 : f32
      %mul3A_82 = vector.broadcast %mul3A_81 : f32 to vector<16xf32>
      %mul3A_83 = arith.mulf %get3A_80, %mul3A_82 : vector<16xf32>
      %swap3A_84 = arith.index_cast %scan3A_53 : i32 to index
      %swap3A_85 = arith.constant 32 : index
      %swap3A_86 = tpu.vector_load %arg6[%swap3A_84, %swap3A_85] {strides = array<i32>} : memref<64x512xf32, #tpu.memory_space<vmem>>, vector<1x16xf32>,
      %swap3A_87 = vector.shape_cast %swap3A_86 : vector<1x16xf32> to vector<16xf32>
      %swap3A_88 = vector.shape_cast %mul3A_83 : vector<16xf32> to vector<1x16xf32>
      tpu.vector_store %arg6[%swap3A_84, %swap3A_85], %swap3A_88 {strides = array<i32>} : memref<64x512xf32, #tpu.memory_space<vmem>>, vector<1x16xf32>,
      %get3A_89 = arith.index_cast %scan3A_53 : i32 to index
      %get3A_90 = arith.constant 48 : index
      %get3A_91 = tpu.vector_load %arg6[%get3A_89, %get3A_90] {strides = array<i32>} : memref<64x512xf32, #tpu.memory_space<vmem>>, vector<1x16xf32>,
      %get3A_92 = vector.shape_cast %get3A_91 : vector<1x16xf32> to vector<16xf32>
      %mul3A_93 = arith.constant 22.6274166 : f32
      %mul3A_94 = vector.broadcast %mul3A_93 : f32 to vector<16xf32>
      %mul3A_95 = arith.mulf %get3A_92, %mul3A_94 : vector<16xf32>
      %swap3A_96 = arith.index_cast %scan3A_53 : i32 to index
      %swap3A_97 = arith.constant 48 : index
      %swap3A_98 = tpu.vector_load %arg6[%swap3A_96, %swap3A_97] {strides = array<i32>} : memref<64x512xf32, #tpu.memory_space<vmem>>, vector<1x16xf32>,
      %swap3A_99 = vector.shape_cast %swap3A_98 : vector<1x16xf32> to vector<16xf32>
      %swap3A_100 = vector.shape_cast %mul3A_95 : vector<16xf32> to vector<1x16xf32>
      tpu.vector_store %arg6[%swap3A_96, %swap3A_97], %swap3A_100 {strides = array<i32>} : memref<64x512xf32, #tpu.memory_space<vmem>>, vector<1x16xf32>,
      %get3A_101 = arith.index_cast %scan3A_53 : i32 to index
      %get3A_102 = arith.constant 64 : index
      %get3A_103 = tpu.vector_load %arg6[%get3A_101, %get3A_102] {strides = array<i32>} : memref<64x512xf32, #tpu.memory_space<vmem>>, vector<1x16xf32>,
      %get3A_104 = vector.shape_cast %get3A_103 : vector<1x16xf32> to vector<16xf32>
      %mul3A_105 = arith.constant 22.6274166 : f32
      %mul3A_106 = vector.broadcast %mul3A_105 : f32 to vector<16xf32>
      %mul3A_107 = arith.mulf %get3A_104, %mul3A_106 : vector<16xf32>
      %swap3A_108 = arith.index_cast %scan3A_53 : i32 to index
      %swap3A_109 = arith.constant 64 : index
      %swap3A_110 = tpu.vector_load %arg6[%swap3A_108, %swap3A_109] {strides = array<i32>} : memref<64x512xf32, #tpu.memory_space<vmem>>, vector<1x16xf32>,
      %swap3A_111 = vector.shape_cast %swap3A_110 : vector<1x16xf32> to vector<16xf32>
      %swap3A_112 = vector.shape_cast %mul3A_107 : vector<16xf32> to vector<1x16xf32>
      tpu.vector_store %arg6[%swap3A_108, %swap3A_109], %swap3A_112 {strides = array<i32>} : memref<64x512xf32, #tpu.memory_space<vmem>>, vector<1x16xf32>,
      %get3A_113 = arith.index_cast %scan3A_53 : i32 to index
      %get3A_114 = arith.constant 80 : index
      %get3A_115 = tpu.vector_load %arg6[%get3A_113, %get3A_114] {strides = array<i32>} : memref<64x512xf32, #tpu.memory_space<vmem>>, vector<1x16xf32>,
      %get3A_116 = vector.shape_cast %get3A_115 : vector<1x16xf32> to vector<16xf32>
      %mul3A_117 = arith.constant 22.6274166 : f32
      %mul3A_118 = vector.broadcast %mul3A_117 : f32 to vector<16xf32>
      %mul3A_119 = arith.mulf %get3A_116, %mul3A_118 : vector<16xf32>
      %swap3A_120 = arith.index_cast %scan3A_53 : i32 to index
      %swap3A_121 = arith.constant 80 : index
      %swap3A_122 = tpu.vector_load %arg6[%swap3A_120, %swap3A_121] {strides = array<i32>} : memref<64x512xf32, #tpu.memory_space<vmem>>, vector<1x16xf32>,
      %swap3A_123 = vector.shape_cast %swap3A_122 : vector<1x16xf32> to vector<16xf32>
      %swap3A_124 = vector.shape_cast %mul3A_119 : vector<16xf32> to vector<1x16xf32>
      tpu.vector_store %arg6[%swap3A_120, %swap3A_121], %swap3A_124 {strides = array<i32>} : memref<64x512xf32, #tpu.memory_space<vmem>>, vector<1x16xf32>,
      %get3A_125 = arith.index_cast %scan3A_53 : i32 to index
      %get3A_126 = arith.constant 96 : index
      %get3A_127 = tpu.vector_load %arg6[%get3A_125, %get3A_126] {strides = array<i32>} : memref<64x512xf32, #tpu.memory_space<vmem>>, vector<1x16xf32>,
      %get3A_128 = vector.shape_cast %get3A_127 : vector<1x16xf32> to vector<16xf32>
      %mul3A_129 = arith.constant 22.6274166 : f32
      %mul3A_130 = vector.broadcast %mul3A_129 : f32 to vector<16xf32>
      %mul3A_131 = arith.mulf %get3A_128, %mul3A_130 : vector<16xf32>
      %swap3A_132 = arith.index_cast %scan3A_53 : i32 to index
      %swap3A_133 = arith.constant 96 : index
      %swap3A_134 = tpu.vector_load %arg6[%swap3A_132, %swap3A_133] {strides = array<i32>} : memref<64x512xf32, #tpu.memory_space<vmem>>, vector<1x16xf32>,
      %swap3A_135 = vector.shape_cast %swap3A_134 : vector<1x16xf32> to vector<16xf32>
      %swap3A_136 = vector.shape_cast %mul3A_131 : vector<16xf32> to vector<1x16xf32>
      tpu.vector_store %arg6[%swap3A_132, %swap3A_133], %swap3A_136 {strides = array<i32>} : memref<64x512xf32, #tpu.memory_space<vmem>>, vector<1x16xf32>,
      %get3A_137 = arith.index_cast %scan3A_53 : i32 to index
      %get3A_138 = arith.constant 112 : index
      %get3A_139 = tpu.vector_load %arg6[%get3A_137, %get3A_138] {strides = array<i32>} : memref<64x512xf32, #tpu.memory_space<vmem>>, vector<1x16xf32>,
      %get3A_140 = vector.shape_cast %get3A_139 : vector<1x16xf32> to vector<16xf32>
      %mul3A_141 = arith.constant 22.6274166 : f32
      %mul3A_142 = vector.broadcast %mul3A_141 : f32 to vector<16xf32>
      %mul3A_143 = arith.mulf %get3A_140, %mul3A_142 : vector<16xf32>
      %swap3A_144 = arith.index_cast %scan3A_53 : i32 to index
      %swap3A_145 = arith.constant 112 : index
      %swap3A_146 = tpu.vector_load %arg6[%swap3A_144, %swap3A_145] {strides = array<i32>} : memref<64x512xf32, #tpu.memory_space<vmem>>, vector<1x16xf32>,
      %swap3A_147 = vector.shape_cast %swap3A_146 : vector<1x16xf32> to vector<16xf32>
      %swap3A_148 = vector.shape_cast %mul3A_143 : vector<16xf32> to vector<1x16xf32>
      tpu.vector_store %arg6[%swap3A_144, %swap3A_145], %swap3A_148 {strides = array<i32>} : memref<64x512xf32, #tpu.memory_space<vmem>>, vector<1x16xf32>,
      %get3A_149 = arith.index_cast %scan3A_53 : i32 to index
      %get3A_150 = arith.constant 128 : index
      %get3A_151 = tpu.vector_load %arg6[%get3A_149, %get3A_150] {strides = array<i32>} : memref<64x512xf32, #tpu.memory_space<vmem>>, vector<1x16xf32>,
      %get3A_152 = vector.shape_cast %get3A_151 : vector<1x16xf32> to vector<16xf32>
      %mul3A_153 = arith.constant 22.6274166 : f32
      %mul3A_154 = vector.broadcast %mul3A_153 : f32 to vector<16xf32>
      %mul3A_155 = arith.mulf %get3A_152, %mul3A_154 : vector<16xf32>
      %swap3A_156 = arith.index_cast %scan3A_53 : i32 to index
      %swap3A_157 = arith.constant 128 : index
      %swap3A_158 = tpu.vector_load %arg6[%swap3A_156, %swap3A_157] {strides = array<i32>} : memref<64x512xf32, #tpu.memory_space<vmem>>, vector<1x16xf32>,
      %swap3A_159 = vector.shape_cast %swap3A_158 : vector<1x16xf32> to vector<16xf32>
      %swap3A_160 = vector.shape_cast %mul3A_155 : vector<16xf32> to vector<1x16xf32>
      tpu.vector_store %arg6[%swap3A_156, %swap3A_157], %swap3A_160 {strides = array<i32>} : memref<64x512xf32, #tpu.memory_space<vmem>>, vector<1x16xf32>,
      %get3A_161 = arith.index_cast %scan3A_53 : i32 to index
      %get3A_162 = arith.constant 144 : index
      %get3A_163 = tpu.vector_load %arg6[%get3A_161, %get3A_162] {strides = array<i32>} : memref<64x512xf32, #tpu.memory_space<vmem>>, vector<1x16xf32>,
      %get3A_164 = vector.shape_cast %get3A_163 : vector<1x16xf32> to vector<16xf32>
      %mul3A_165 = arith.constant 22.6274166 : f32
      %mul3A_166 = vector.broadcast %mul3A_165 : f32 to vector<16xf32>
      %mul3A_167 = arith.mulf %get3A_164, %mul3A_166 : vector<16xf32>
      %swap3A_168 = arith.index_cast %scan3A_53 : i32 to index
      %swap3A_169 = arith.constant 144 : index
      %swap3A_170 = tpu.vector_load %arg6[%swap3A_168, %swap3A_169] {strides = array<i32>} : memref<64x512xf32, #tpu.memory_space<vmem>>, vector<1x16xf32>,
      %swap3A_171 = vector.shape_cast %swap3A_170 : vector<1x16xf32> to vector<16xf32>
      %swap3A_172 = vector.shape_cast %mul3A_167 : vector<16xf32> to vector<1x16xf32>
      tpu.vector_store %arg6[%swap3A_168, %swap3A_169], %swap3A_172 {strides = array<i32>} : memref<64x512xf32, #tpu.memory_space<vmem>>, vector<1x16xf32>,
      %get3A_173 = arith.index_cast %scan3A_53 : i32 to index
      %get3A_174 = arith.constant 160 : index
      %get3A_175 = tpu.vector_load %arg6[%get3A_173, %get3A_174] {strides = array<i32>} : memref<64x512xf32, #tpu.memory_space<vmem>>, vector<1x16xf32>,
      %get3A_176 = vector.shape_cast %get3A_175 : vector<1x16xf32> to vector<16xf32>
      %mul3A_177 = arith.constant 22.6274166 : f32
      %mul3A_178 = vector.broadcast %mul3A_177 : f32 to vector<16xf32>
      %mul3A_179 = arith.mulf %get3A_176, %mul3A_178 : vector<16xf32>
      %swap3A_180 = arith.index_cast %scan3A_53 : i32 to index
      %swap3A_181 = arith.constant 160 : index
      %swap3A_182 = tpu.vector_load %arg6[%swap3A_180, %swap3A_181] {strides = array<i32>} : memref<64x512xf32, #tpu.memory_space<vmem>>, vector<1x16xf32>,
      %swap3A_183 = vector.shape_cast %swap3A_182 : vector<1x16xf32> to vector<16xf32>
      %swap3A_184 = vector.shape_cast %mul3A_179 : vector<16xf32> to vector<1x16xf32>
      tpu.vector_store %arg6[%swap3A_180, %swap3A_181], %swap3A_184 {strides = array<i32>} : memref<64x512xf32, #tpu.memory_space<vmem>>, vector<1x16xf32>,
      %get3A_185 = arith.index_cast %scan3A_53 : i32 to index
      %get3A_186 = arith.constant 176 : index
      %get3A_187 = tpu.vector_load %arg6[%get3A_185, %get3A_186] {strides = array<i32>} : memref<64x512xf32, #tpu.memory_space<vmem>>, vector<1x16xf32>,
      %get3A_188 = vector.shape_cast %get3A_187 : vector<1x16xf32> to vector<16xf32>
      %mul3A_189 = arith.constant 22.6274166 : f32
      %mul3A_190 = vector.broadcast %mul3A_189 : f32 to vector<16xf32>
      %mul3A_191 = arith.mulf %get3A_188, %mul3A_190 : vector<16xf32>
      %swap3A_192 = arith.index_cast %scan3A_53 : i32 to index
      %swap3A_193 = arith.constant 176 : index
      %swap3A_194 = tpu.vector_load %arg6[%swap3A_192, %swap3A_193] {strides = array<i32>} : memref<64x512xf32, #tpu.memory_space<vmem>>, vector<1x16xf32>,
      %swap3A_195 = vector.shape_cast %swap3A_194 : vector<1x16xf32> to vector<16xf32>
      %swap3A_196 = vector.shape_cast %mul3A_191 : vector<16xf32> to vector<1x16xf32>
      tpu.vector_store %arg6[%swap3A_192, %swap3A_193], %swap3A_196 {strides = array<i32>} : memref<64x512xf32, #tpu.memory_space<vmem>>, vector<1x16xf32>,
      %get3A_197 = arith.index_cast %scan3A_53 : i32 to index
      %get3A_198 = arith.constant 192 : index
      %get3A_199 = tpu.vector_load %arg6[%get3A_197, %get3A_198] {strides = array<i32>} : memref<64x512xf32, #tpu.memory_space<vmem>>, vector<1x16xf32>,
      %get3A_200 = vector.shape_cast %get3A_199 : vector<1x16xf32> to vector<16xf32>
      %mul3A_201 = arith.constant 22.6274166 : f32
      %mul3A_202 = vector.broadcast %mul3A_201 : f32 to vector<16xf32>
      %mul3A_203 = arith.mulf %get3A_200, %mul3A_202 : vector<16xf32>
      %swap3A_204 = arith.index_cast %scan3A_53 : i32 to index
      %swap3A_205 = arith.constant 192 : index
      %swap3A_206 = tpu.vector_load %arg6[%swap3A_204, %swap3A_205] {strides = array<i32>} : memref<64x512xf32, #tpu.memory_space<vmem>>, vector<1x16xf32>,
      %swap3A_207 = vector.shape_cast %swap3A_206 : vector<1x16xf32> to vector<16xf32>
      %swap3A_208 = vector.shape_cast %mul3A_203 : vector<16xf32> to vector<1x16xf32>
      tpu.vector_store %arg6[%swap3A_204, %swap3A_205], %swap3A_208 {strides = array<i32>} : memref<64x512xf32, #tpu.memory_space<vmem>>, vector<1x16xf32>,
      %get3A_209 = arith.index_cast %scan3A_53 : i32 to index
      %get3A_210 = arith.constant 208 : index
      %get3A_211 = tpu.vector_load %arg6[%get3A_209, %get3A_210] {strides = array<i32>} : memref<64x512xf32, #tpu.memory_space<vmem>>, vector<1x16xf32>,
      %get3A_212 = vector.shape_cast %get3A_211 : vector<1x16xf32> to vector<16xf32>
      %mul3A_213 = arith.constant 22.6274166 : f32
      %mul3A_214 = vector.broadcast %mul3A_213 : f32 to vector<16xf32>
      %mul3A_215 = arith.mulf %get3A_212, %mul3A_214 : vector<16xf32>
      %swap3A_216 = arith.index_cast %scan3A_53 : i32 to index
      %swap3A_217 = arith.constant 208 : index
      %swap3A_218 = tpu.vector_load %arg6[%swap3A_216, %swap3A_217] {strides = array<i32>} : memref<64x512xf32, #tpu.memory_space<vmem>>, vector<1x16xf32>,
      %swap3A_219 = vector.shape_cast %swap3A_218 : vector<1x16xf32> to vector<16xf32>
      %swap3A_220 = vector.shape_cast %mul3A_215 : vector<16xf32> to vector<1x16xf32>
      tpu.vector_store %arg6[%swap3A_216, %swap3A_217], %swap3A_220 {strides = array<i32>} : memref<64x512xf32, #tpu.memory_space<vmem>>, vector<1x16xf32>,
      %get3A_221 = arith.index_cast %scan3A_53 : i32 to index
      %get3A_222 = arith.constant 224 : index
      %get3A_223 = tpu.vector_load %arg6[%get3A_221, %get3A_222] {strides = array<i32>} : memref<64x512xf32, #tpu.memory_space<vmem>>, vector<1x16xf32>,
      %get3A_224 = vector.shape_cast %get3A_223 : vector<1x16xf32> to vector<16xf32>
      %mul3A_225 = arith.constant 22.6274166 : f32
      %mul3A_226 = vector.broadcast %mul3A_225 : f32 to vector<16xf32>
      %mul3A_227 = arith.mulf %get3A_224, %mul3A_226 : vector<16xf32>
      %swap3A_228 = arith.index_cast %scan3A_53 : i32 to index
      %swap3A_229 = arith.constant 224 : index
      %swap3A_230 = tpu.vector_load %arg6[%swap3A_228, %swap3A_229] {strides = array<i32>} : memref<64x512xf32, #tpu.memory_space<vmem>>, vector<1x16xf32>,
      %swap3A_231 = vector.shape_cast %swap3A_230 : vector<1x16xf32> to vector<16xf32>
      %swap3A_232 = vector.shape_cast %mul3A_227 : vector<16xf32> to vector<1x16xf32>
      tpu.vector_store %arg6[%swap3A_228, %swap3A_229], %swap3A_232 {strides = array<i32>} : memref<64x512xf32, #tpu.memory_space<vmem>>, vector<1x16xf32>,
      %get3A_233 = arith.index_cast %scan3A_53 : i32 to index
      %get3A_234 = arith.constant 240 : index
      %get3A_235 = tpu.vector_load %arg6[%get3A_233, %get3A_234] {strides = array<i32>} : memref<64x512xf32, #tpu.memory_space<vmem>>, vector<1x16xf32>,
      %get3A_236 = vector.shape_cast %get3A_235 : vector<1x16xf32> to vector<16xf32>
      %mul3A_237 = arith.constant 22.6274166 : f32
      %mul3A_238 = vector.broadcast %mul3A_237 : f32 to vector<16xf32>
      %mul3A_239 = arith.mulf %get3A_236, %mul3A_238 : vector<16xf32>
      %swap3A_240 = arith.index_cast %scan3A_53 : i32 to index
      %swap3A_241 = arith.constant 240 : index
      %swap3A_242 = tpu.vector_load %arg6[%swap3A_240, %swap3A_241] {strides = array<i32>} : memref<64x512xf32, #tpu.memory_space<vmem>>, vector<1x16xf32>,
      %swap3A_243 = vector.shape_cast %swap3A_242 : vector<1x16xf32> to vector<16xf32>
      %swap3A_244 = vector.shape_cast %mul3A_239 : vector<16xf32> to vector<1x16xf32>
      tpu.vector_store %arg6[%swap3A_240, %swap3A_241], %swap3A_244 {strides = array<i32>} : memref<64x512xf32, #tpu.memory_space<vmem>>, vector<1x16xf32>,
      %get3A_245 = arith.index_cast %scan3A_53 : i32 to index
      %get3A_246 = arith.constant 256 : index
      %get3A_247 = tpu.vector_load %arg6[%get3A_245, %get3A_246] {strides = array<i32>} : memref<64x512xf32, #tpu.memory_space<vmem>>, vector<1x16xf32>,
      %get3A_248 = vector.shape_cast %get3A_247 : vector<1x16xf32> to vector<16xf32>
      %mul3A_249 = arith.constant 22.6274166 : f32
      %mul3A_250 = vector.broadcast %mul3A_249 : f32 to vector<16xf32>
      %mul3A_251 = arith.mulf %get3A_248, %mul3A_250 : vector<16xf32>
      %swap3A_252 = arith.index_cast %scan3A_53 : i32 to index
      %swap3A_253 = arith.constant 256 : index
      %swap3A_254 = tpu.vector_load %arg6[%swap3A_252, %swap3A_253] {strides = array<i32>} : memref<64x512xf32, #tpu.memory_space<vmem>>, vector<1x16xf32>,
      %swap3A_255 = vector.shape_cast %swap3A_254 : vector<1x16xf32> to vector<16xf32>
      %swap3A_256 = vector.shape_cast %mul3A_251 : vector<16xf32> to vector<1x16xf32>
      tpu.vector_store %arg6[%swap3A_252, %swap3A_253], %swap3A_256 {strides = array<i32>} : memref<64x512xf32, #tpu.memory_space<vmem>>, vector<1x16xf32>,
      %get3A_257 = arith.index_cast %scan3A_53 : i32 to index
      %get3A_258 = arith.constant 272 : index
      %get3A_259 = tpu.vector_load %arg6[%get3A_257, %get3A_258] {strides = array<i32>} : memref<64x512xf32, #tpu.memory_space<vmem>>, vector<1x16xf32>,
      %get3A_260 = vector.shape_cast %get3A_259 : vector<1x16xf32> to vector<16xf32>
      %mul3A_261 = arith.constant 22.6274166 : f32
      %mul3A_262 = vector.broadcast %mul3A_261 : f32 to vector<16xf32>
      %mul3A_263 = arith.mulf %get3A_260, %mul3A_262 : vector<16xf32>
      %swap3A_264 = arith.index_cast %scan3A_53 : i32 to index
      %swap3A_265 = arith.constant 272 : index
      %swap3A_266 = tpu.vector_load %arg6[%swap3A_264, %swap3A_265] {strides = array<i32>} : memref<64x512xf32, #tpu.memory_space<vmem>>, vector<1x16xf32>,
      %swap3A_267 = vector.shape_cast %swap3A_266 : vector<1x16xf32> to vector<16xf32>
      %swap3A_268 = vector.shape_cast %mul3A_263 : vector<16xf32> to vector<1x16xf32>
      tpu.vector_store %arg6[%swap3A_264, %swap3A_265], %swap3A_268 {strides = array<i32>} : memref<64x512xf32, #tpu.memory_space<vmem>>, vector<1x16xf32>,
      %get3A_269 = arith.index_cast %scan3A_53 : i32 to index
      %get3A_270 = arith.constant 288 : index
      %get3A_271 = tpu.vector_load %arg6[%get3A_269, %get3A_270] {strides = array<i32>} : memref<64x512xf32, #tpu.memory_space<vmem>>, vector<1x16xf32>,
      %get3A_272 = vector.shape_cast %get3A_271 : vector<1x16xf32> to vector<16xf32>
      %mul3A_273 = arith.constant 22.6274166 : f32
      %mul3A_274 = vector.broadcast %mul3A_273 : f32 to vector<16xf32>
      %mul3A_275 = arith.mulf %get3A_272, %mul3A_274 : vector<16xf32>
      %swap3A_276 = arith.index_cast %scan3A_53 : i32 to index
      %swap3A_277 = arith.constant 288 : index
      %swap3A_278 = tpu.vector_load %arg6[%swap3A_276, %swap3A_277] {strides = array<i32>} : memref<64x512xf32, #tpu.memory_space<vmem>>, vector<1x16xf32>,
      %swap3A_279 = vector.shape_cast %swap3A_278 : vector<1x16xf32> to vector<16xf32>
      %swap3A_280 = vector.shape_cast %mul3A_275 : vector<16xf32> to vector<1x16xf32>
      tpu.vector_store %arg6[%swap3A_276, %swap3A_277], %swap3A_280 {strides = array<i32>} : memref<64x512xf32, #tpu.memory_space<vmem>>, vector<1x16xf32>,
      %get3A_281 = arith.index_cast %scan3A_53 : i32 to index
      %get3A_282 = arith.constant 304 : index
      %get3A_283 = tpu.vector_load %arg6[%get3A_281, %get3A_282] {strides = array<i32>} : memref<64x512xf32, #tpu.memory_space<vmem>>, vector<1x16xf32>,
      %get3A_284 = vector.shape_cast %get3A_283 : vector<1x16xf32> to vector<16xf32>
      %mul3A_285 = arith.constant 22.6274166 : f32
      %mul3A_286 = vector.broadcast %mul3A_285 : f32 to vector<16xf32>
      %mul3A_287 = arith.mulf %get3A_284, %mul3A_286 : vector<16xf32>
      %swap3A_288 = arith.index_cast %scan3A_53 : i32 to index
      %swap3A_289 = arith.constant 304 : index
      %swap3A_290 = tpu.vector_load %arg6[%swap3A_288, %swap3A_289] {strides = array<i32>} : memref<64x512xf32, #tpu.memory_space<vmem>>, vector<1x16xf32>,
      %swap3A_291 = vector.shape_cast %swap3A_290 : vector<1x16xf32> to vector<16xf32>
      %swap3A_292 = vector.shape_cast %mul3A_287 : vector<16xf32> to vector<1x16xf32>
      tpu.vector_store %arg6[%swap3A_288, %swap3A_289], %swap3A_292 {strides = array<i32>} : memref<64x512xf32, #tpu.memory_space<vmem>>, vector<1x16xf32>,
      %get3A_293 = arith.index_cast %scan3A_53 : i32 to index
      %get3A_294 = arith.constant 320 : index
      %get3A_295 = tpu.vector_load %arg6[%get3A_293, %get3A_294] {strides = array<i32>} : memref<64x512xf32, #tpu.memory_space<vmem>>, vector<1x16xf32>,
      %get3A_296 = vector.shape_cast %get3A_295 : vector<1x16xf32> to vector<16xf32>
      %mul3A_297 = arith.constant 22.6274166 : f32
      %mul3A_298 = vector.broadcast %mul3A_297 : f32 to vector<16xf32>
      %mul3A_299 = arith.mulf %get3A_296, %mul3A_298 : vector<16xf32>
      %swap3A_300 = arith.index_cast %scan3A_53 : i32 to index
      %swap3A_301 = arith.constant 320 : index
      %swap3A_302 = tpu.vector_load %arg6[%swap3A_300, %swap3A_301] {strides = array<i32>} : memref<64x512xf32, #tpu.memory_space<vmem>>, vector<1x16xf32>,
      %swap3A_303 = vector.shape_cast %swap3A_302 : vector<1x16xf32> to vector<16xf32>
      %swap3A_304 = vector.shape_cast %mul3A_299 : vector<16xf32> to vector<1x16xf32>
      tpu.vector_store %arg6[%swap3A_300, %swap3A_301], %swap3A_304 {strides = array<i32>} : memref<64x512xf32, #tpu.memory_space<vmem>>, vector<1x16xf32>,
      %get3A_305 = arith.index_cast %scan3A_53 : i32 to index
      %get3A_306 = arith.constant 336 : index
      %get3A_307 = tpu.vector_load %arg6[%get3A_305, %get3A_306] {strides = array<i32>} : memref<64x512xf32, #tpu.memory_space<vmem>>, vector<1x16xf32>,
      %get3A_308 = vector.shape_cast %get3A_307 : vector<1x16xf32> to vector<16xf32>
      %mul3A_309 = arith.constant 22.6274166 : f32
      %mul3A_310 = vector.broadcast %mul3A_309 : f32 to vector<16xf32>
      %mul3A_311 = arith.mulf %get3A_308, %mul3A_310 : vector<16xf32>
      %swap3A_312 = arith.index_cast %scan3A_53 : i32 to index
      %swap3A_313 = arith.constant 336 : index
      %swap3A_314 = tpu.vector_load %arg6[%swap3A_312, %swap3A_313] {strides = array<i32>} : memref<64x512xf32, #tpu.memory_space<vmem>>, vector<1x16xf32>,
      %swap3A_315 = vector.shape_cast %swap3A_314 : vector<1x16xf32> to vector<16xf32>
      %swap3A_316 = vector.shape_cast %mul3A_311 : vector<16xf32> to vector<1x16xf32>
      tpu.vector_store %arg6[%swap3A_312, %swap3A_313], %swap3A_316 {strides = array<i32>} : memref<64x512xf32, #tpu.memory_space<vmem>>, vector<1x16xf32>,
      %get3A_317 = arith.index_cast %scan3A_53 : i32 to index
      %get3A_318 = arith.constant 352 : index
      %get3A_319 = tpu.vector_load %arg6[%get3A_317, %get3A_318] {strides = array<i32>} : memref<64x512xf32, #tpu.memory_space<vmem>>, vector<1x16xf32>,
      %get3A_320 = vector.shape_cast %get3A_319 : vector<1x16xf32> to vector<16xf32>
      %mul3A_321 = arith.constant 22.6274166 : f32
      %mul3A_322 = vector.broadcast %mul3A_321 : f32 to vector<16xf32>
      %mul3A_323 = arith.mulf %get3A_320, %mul3A_322 : vector<16xf32>
      %swap3A_324 = arith.index_cast %scan3A_53 : i32 to index
      %swap3A_325 = arith.constant 352 : index
      %swap3A_326 = tpu.vector_load %arg6[%swap3A_324, %swap3A_325] {strides = array<i32>} : memref<64x512xf32, #tpu.memory_space<vmem>>, vector<1x16xf32>,
      %swap3A_327 = vector.shape_cast %swap3A_326 : vector<1x16xf32> to vector<16xf32>
      %swap3A_328 = vector.shape_cast %mul3A_323 : vector<16xf32> to vector<1x16xf32>
      tpu.vector_store %arg6[%swap3A_324, %swap3A_325], %swap3A_328 {strides = array<i32>} : memref<64x512xf32, #tpu.memory_space<vmem>>, vector<1x16xf32>,
      %get3A_329 = arith.index_cast %scan3A_53 : i32 to index
      %get3A_330 = arith.constant 368 : index
      %get3A_331 = tpu.vector_load %arg6[%get3A_329, %get3A_330] {strides = array<i32>} : memref<64x512xf32, #tpu.memory_space<vmem>>, vector<1x16xf32>,
      %get3A_332 = vector.shape_cast %get3A_331 : vector<1x16xf32> to vector<16xf32>
      %mul3A_333 = arith.constant 22.6274166 : f32
      %mul3A_334 = vector.broadcast %mul3A_333 : f32 to vector<16xf32>
      %mul3A_335 = arith.mulf %get3A_332, %mul3A_334 : vector<16xf32>
      %swap3A_336 = arith.index_cast %scan3A_53 : i32 to index
      %swap3A_337 = arith.constant 368 : index
      %swap3A_338 = tpu.vector_load %arg6[%swap3A_336, %swap3A_337] {strides = array<i32>} : memref<64x512xf32, #tpu.memory_space<vmem>>, vector<1x16xf32>,
      %swap3A_339 = vector.shape_cast %swap3A_338 : vector<1x16xf32> to vector<16xf32>
      %swap3A_340 = vector.shape_cast %mul3A_335 : vector<16xf32> to vector<1x16xf32>
      tpu.vector_store %arg6[%swap3A_336, %swap3A_337], %swap3A_340 {strides = array<i32>} : memref<64x512xf32, #tpu.memory_space<vmem>>, vector<1x16xf32>,
      %get3A_341 = arith.index_cast %scan3A_53 : i32 to index
      %get3A_342 = arith.constant 384 : index
      %get3A_343 = tpu.vector_load %arg6[%get3A_341, %get3A_342] {strides = array<i32>} : memref<64x512xf32, #tpu.memory_space<vmem>>, vector<1x16xf32>,
      %get3A_344 = vector.shape_cast %get3A_343 : vector<1x16xf32> to vector<16xf32>
      %mul3A_345 = arith.constant 22.6274166 : f32
      %mul3A_346 = vector.broadcast %mul3A_345 : f32 to vector<16xf32>
      %mul3A_347 = arith.mulf %get3A_344, %mul3A_346 : vector<16xf32>
      %swap3A_348 = arith.index_cast %scan3A_53 : i32 to index
      %swap3A_349 = arith.constant 384 : index
      %swap3A_350 = tpu.vector_load %arg6[%swap3A_348, %swap3A_349] {strides = array<i32>} : memref<64x512xf32, #tpu.memory_space<vmem>>, vector<1x16xf32>,
      %swap3A_351 = vector.shape_cast %swap3A_350 : vector<1x16xf32> to vector<16xf32>
      %swap3A_352 = vector.shape_cast %mul3A_347 : vector<16xf32> to vector<1x16xf32>
      tpu.vector_store %arg6[%swap3A_348, %swap3A_349], %swap3A_352 {strides = array<i32>} : memref<64x512xf32, #tpu.memory_space<vmem>>, vector<1x16xf32>,
      %get3A_353 = arith.index_cast %scan3A_53 : i32 to index
      %get3A_354 = arith.constant 400 : index
      %get3A_355 = tpu.vector_load %arg6[%get3A_353, %get3A_354] {strides = array<i32>} : memref<64x512xf32, #tpu.memory_space<vmem>>, vector<1x16xf32>,
      %get3A_356 = vector.shape_cast %get3A_355 : vector<1x16xf32> to vector<16xf32>
      %mul3A_357 = arith.constant 22.6274166 : f32
      %mul3A_358 = vector.broadcast %mul3A_357 : f32 to vector<16xf32>
      %mul3A_359 = arith.mulf %get3A_356, %mul3A_358 : vector<16xf32>
      %swap3A_360 = arith.index_cast %scan3A_53 : i32 to index
      %swap3A_361 = arith.constant 400 : index
      %swap3A_362 = tpu.vector_load %arg6[%swap3A_360, %swap3A_361] {strides = array<i32>} : memref<64x512xf32, #tpu.memory_space<vmem>>, vector<1x16xf32>,
      %swap3A_363 = vector.shape_cast %swap3A_362 : vector<1x16xf32> to vector<16xf32>
      %swap3A_364 = vector.shape_cast %mul3A_359 : vector<16xf32> to vector<1x16xf32>
      tpu.vector_store %arg6[%swap3A_360, %swap3A_361], %swap3A_364 {strides = array<i32>} : memref<64x512xf32, #tpu.memory_space<vmem>>, vector<1x16xf32>,
      %get3A_365 = arith.index_cast %scan3A_53 : i32 to index
      %get3A_366 = arith.constant 416 : index
      %get3A_367 = tpu.vector_load %arg6[%get3A_365, %get3A_366] {strides = array<i32>} : memref<64x512xf32, #tpu.memory_space<vmem>>, vector<1x16xf32>,
      %get3A_368 = vector.shape_cast %get3A_367 : vector<1x16xf32> to vector<16xf32>
      %mul3A_369 = arith.constant 22.6274166 : f32
      %mul3A_370 = vector.broadcast %mul3A_369 : f32 to vector<16xf32>
      %mul3A_371 = arith.mulf %get3A_368, %mul3A_370 : vector<16xf32>
      %swap3A_372 = arith.index_cast %scan3A_53 : i32 to index
      %swap3A_373 = arith.constant 416 : index
      %swap3A_374 = tpu.vector_load %arg6[%swap3A_372, %swap3A_373] {strides = array<i32>} : memref<64x512xf32, #tpu.memory_space<vmem>>, vector<1x16xf32>,
      %swap3A_375 = vector.shape_cast %swap3A_374 : vector<1x16xf32> to vector<16xf32>
      %swap3A_376 = vector.shape_cast %mul3A_371 : vector<16xf32> to vector<1x16xf32>
      tpu.vector_store %arg6[%swap3A_372, %swap3A_373], %swap3A_376 {strides = array<i32>} : memref<64x512xf32, #tpu.memory_space<vmem>>, vector<1x16xf32>,
      %get3A_377 = arith.index_cast %scan3A_53 : i32 to index
      %get3A_378 = arith.constant 432 : index
      %get3A_379 = tpu.vector_load %arg6[%get3A_377, %get3A_378] {strides = array<i32>} : memref<64x512xf32, #tpu.memory_space<vmem>>, vector<1x16xf32>,
      %get3A_380 = vector.shape_cast %get3A_379 : vector<1x16xf32> to vector<16xf32>
      %mul3A_381 = arith.constant 22.6274166 : f32
      %mul3A_382 = vector.broadcast %mul3A_381 : f32 to vector<16xf32>
      %mul3A_383 = arith.mulf %get3A_380, %mul3A_382 : vector<16xf32>
      %swap3A_384 = arith.index_cast %scan3A_53 : i32 to index
      %swap3A_385 = arith.constant 432 : index
      %swap3A_386 = tpu.vector_load %arg6[%swap3A_384, %swap3A_385] {strides = array<i32>} : memref<64x512xf32, #tpu.memory_space<vmem>>, vector<1x16xf32>,
      %swap3A_387 = vector.shape_cast %swap3A_386 : vector<1x16xf32> to vector<16xf32>
      %swap3A_388 = vector.shape_cast %mul3A_383 : vector<16xf32> to vector<1x16xf32>
      tpu.vector_store %arg6[%swap3A_384, %swap3A_385], %swap3A_388 {strides = array<i32>} : memref<64x512xf32, #tpu.memory_space<vmem>>, vector<1x16xf32>,
      %get3A_389 = arith.index_cast %scan3A_53 : i32 to index
      %get3A_390 = arith.constant 448 : index
      %get3A_391 = tpu.vector_load %arg6[%get3A_389, %get3A_390] {strides = array<i32>} : memref<64x512xf32, #tpu.memory_space<vmem>>, vector<1x16xf32>,
      %get3A_392 = vector.shape_cast %get3A_391 : vector<1x16xf32> to vector<16xf32>
      %mul3A_393 = arith.constant 22.6274166 : f32
      %mul3A_394 = vector.broadcast %mul3A_393 : f32 to vector<16xf32>
      %mul3A_395 = arith.mulf %get3A_392, %mul3A_394 : vector<16xf32>
      %swap3A_396 = arith.index_cast %scan3A_53 : i32 to index
      %swap3A_397 = arith.constant 448 : index
      %swap3A_398 = tpu.vector_load %arg6[%swap3A_396, %swap3A_397] {strides = array<i32>} : memref<64x512xf32, #tpu.memory_space<vmem>>, vector<1x16xf32>,
      %swap3A_399 = vector.shape_cast %swap3A_398 : vector<1x16xf32> to vector<16xf32>
      %swap3A_400 = vector.shape_cast %mul3A_395 : vector<16xf32> to vector<1x16xf32>
      tpu.vector_store %arg6[%swap3A_396, %swap3A_397], %swap3A_400 {strides = array<i32>} : memref<64x512xf32, #tpu.memory_space<vmem>>, vector<1x16xf32>,
      %get3A_401 = arith.index_cast %scan3A_53 : i32 to index
      %get3A_402 = arith.constant 464 : index
      %get3A_403 = tpu.vector_load %arg6[%get3A_401, %get3A_402] {strides = array<i32>} : memref<64x512xf32, #tpu.memory_space<vmem>>, vector<1x16xf32>,
      %get3A_404 = vector.shape_cast %get3A_403 : vector<1x16xf32> to vector<16xf32>
      %mul3A_405 = arith.constant 22.6274166 : f32
      %mul3A_406 = vector.broadcast %mul3A_405 : f32 to vector<16xf32>
      %mul3A_407 = arith.mulf %get3A_404, %mul3A_406 : vector<16xf32>
      %swap3A_408 = arith.index_cast %scan3A_53 : i32 to index
      %swap3A_409 = arith.constant 464 : index
      %swap3A_410 = tpu.vector_load %arg6[%swap3A_408, %swap3A_409] {strides = array<i32>} : memref<64x512xf32, #tpu.memory_space<vmem>>, vector<1x16xf32>,
      %swap3A_411 = vector.shape_cast %swap3A_410 : vector<1x16xf32> to vector<16xf32>
      %swap3A_412 = vector.shape_cast %mul3A_407 : vector<16xf32> to vector<1x16xf32>
      tpu.vector_store %arg6[%swap3A_408, %swap3A_409], %swap3A_412 {strides = array<i32>} : memref<64x512xf32, #tpu.memory_space<vmem>>, vector<1x16xf32>,
      %get3A_413 = arith.index_cast %scan3A_53 : i32 to index
      %get3A_414 = arith.constant 480 : index
      %get3A_415 = tpu.vector_load %arg6[%get3A_413, %get3A_414] {strides = array<i32>} : memref<64x512xf32, #tpu.memory_space<vmem>>, vector<1x16xf32>,
      %get3A_416 = vector.shape_cast %get3A_415 : vector<1x16xf32> to vector<16xf32>
      %mul3A_417 = arith.constant 22.6274166 : f32
      %mul3A_418 = vector.broadcast %mul3A_417 : f32 to vector<16xf32>
      %mul3A_419 = arith.mulf %get3A_416, %mul3A_418 : vector<16xf32>
      %swap3A_420 = arith.index_cast %scan3A_53 : i32 to index
      %swap3A_421 = arith.constant 480 : index
      %swap3A_422 = tpu.vector_load %arg6[%swap3A_420, %swap3A_421] {strides = array<i32>} : memref<64x512xf32, #tpu.memory_space<vmem>>, vector<1x16xf32>,
      %swap3A_423 = vector.shape_cast %swap3A_422 : vector<1x16xf32> to vector<16xf32>
      %swap3A_424 = vector.shape_cast %mul3A_419 : vector<16xf32> to vector<1x16xf32>
      tpu.vector_store %arg6[%swap3A_420, %swap3A_421], %swap3A_424 {strides = array<i32>} : memref<64x512xf32, #tpu.memory_space<vmem>>, vector<1x16xf32>,
      %get3A_425 = arith.index_cast %scan3A_53 : i32 to index
      %get3A_426 = arith.constant 496 : index
      %get3A_427 = tpu.vector_load %arg6[%get3A_425, %get3A_426] {strides = array<i32>} : memref<64x512xf32, #tpu.memory_space<vmem>>, vector<1x16xf32>,
      %get3A_428 = vector.shape_cast %get3A_427 : vector<1x16xf32> to vector<16xf32>
      %mul3A_429 = arith.constant 22.6274166 : f32
      %mul3A_430 = vector.broadcast %mul3A_429 : f32 to vector<16xf32>
      %mul3A_431 = arith.mulf %get3A_428, %mul3A_430 : vector<16xf32>
      %swap3A_432 = arith.index_cast %scan3A_53 : i32 to index
      %swap3A_433 = arith.constant 496 : index
      %swap3A_434 = tpu.vector_load %arg6[%swap3A_432, %swap3A_433] {strides = array<i32>} : memref<64x512xf32, #tpu.memory_space<vmem>>, vector<1x16xf32>,
      %swap3A_435 = vector.shape_cast %swap3A_434 : vector<1x16xf32> to vector<16xf32>
      %swap3A_436 = vector.shape_cast %mul3A_431 : vector<16xf32> to vector<1x16xf32>
      tpu.vector_store %arg6[%swap3A_432, %swap3A_433], %swap3A_436 {strides = array<i32>} : memref<64x512xf32, #tpu.memory_space<vmem>>, vector<1x16xf32>,
      %scan3A_437 = arith.constant 0 : i32
      scf.yield %scan3A_437 : i32
    }
    %scan3A_8 = arith.constant 64 : i32
    "tpu.region"() ({
      %run_scoped3A = tpu.sem_alloc : memref<!tpu.dma_semaphore, #tpu.memory_space<semaphore_mem>>
      %dma_start3A = arith.constant 0 : i32
      %dma_start3A_53 = tpu.memref_slice %arg3[%mul3A_2, %dma_start3A] : memref<512x512xf32, #tpu.memory_space<hbm>> -> memref<16x512xf32, #tpu.memory_space<hbm>>
      %dma_start3A_54 = arith.constant 0 : i32
      %dma_start3A_55 = tpu.memref_slice %arg3[%mul3A_2, %dma_start3A_54] : memref<512x512xf32, #tpu.memory_space<hbm>> -> memref<16x512xf32, #tpu.memory_space<hbm>>
      tpu.enqueue_dma source(%dma_start3A_55 : memref<16x512xf32, #tpu.memory_space<hbm>>) target(%arg7 : memref<16x512xf32, #tpu.memory_space<vmem>>) target_semaphore(%run_scoped3A : memref<!tpu.dma_semaphore, #tpu.memory_space<semaphore_mem>>)
      %dma_wait3A_56 = arith.constant 0 : i32
      %dma_wait3A_57 = tpu.memref_slice %arg3[%mul3A_2, %dma_wait3A_56] : memref<512x512xf32, #tpu.memory_space<hbm>> -> memref<16x512xf32, #tpu.memory_space<hbm>>
      %dma_wait3A_58 = arith.constant 0 : i32
      %dma_wait3A_59 = tpu.memref_slice %arg3[%mul3A_2, %dma_wait3A_58] : memref<512x512xf32, #tpu.memory_space<hbm>> -> memref<16x512xf32, #tpu.memory_space<hbm>>
      tpu.wait_dma2 semaphore(%run_scoped3A : memref<!tpu.dma_semaphore, #tpu.memory_space<semaphore_mem>>) src(%dma_wait3A_59 : memref<16x512xf32, #tpu.memory_space<hbm>>) dst(%arg7 : memref<16x512xf32, #tpu.memory_space<vmem>>)
      tpu.yield
    }) : () -> ()
    %jit3A = arith.constant 8 : i32
    %div3A = arith.divsi %add3A, %jit3A : i32
    %sign3A = arith.constant 0 : i32
    %sign3A_9 = arith.cmpi sgt, %add3A, %sign3A : i32
    %sign3A_10 = arith.extui %sign3A_9 : i1 to i32
    %sign3A_11 = arith.constant 0 : i32
    %sign3A_12 = arith.cmpi slt, %add3A, %sign3A_11 : i32
    %sign3A_13 = arith.extui %sign3A_12 : i1 to i32
    %sign3A_14 = arith.subi %sign3A_10, %sign3A_13 : i32
    %sign3A_15 = arith.constant 0 : i32
    %sign3A_16 = arith.cmpi sgt, %jit3A, %sign3A_15 : i32
    %sign3A_17 = arith.extui %sign3A_16 : i1 to i32
    %sign3A_18 = arith.constant 0 : i32
    %sign3A_19 = arith.cmpi slt, %jit3A, %sign3A_18 : i32
    %sign3A_20 = arith.extui %sign3A_19 : i1 to i32
    %sign3A_21 = arith.subi %sign3A_17, %sign3A_20 : i32
    %ne3A = arith.cmpi ne, %sign3A_14, %sign3A_21 : i32
    %rem3A = arith.remsi %add3A, %jit3A : i32
    %ne3A_22 = arith.constant 0 : i32
    %ne3A_23 = arith.cmpi ne, %rem3A, %ne3A_22 : i32
    %and3A = arith.andi %ne3A, %ne3A_23 : i1
    %sub3A = arith.constant 1 : i32
    %sub3A_24 = arith.subi %div3A, %sub3A : i32
    %select_n3A = arith.select %and3A, %sub3A_24, %div3A : i32
    %mul3A_25 = arith.constant 128 : i32
    %mul3A_26 = arith.muli %mul3A_25, %select_n3A : i32
    "tpu.region"() ({
      %run_scoped3A = tpu.sem_alloc : memref<!tpu.dma_semaphore, #tpu.memory_space<semaphore_mem>>
      %dma_start3A = arith.constant 0 : i32
      %dma_start3A_53 = arith.constant 0 : i32
      %dma_start3A_54 = tpu.memref_slice %arg8[%dma_start3A, %dma_start3A_53] : memref<129x128xi32, #tpu.memory_space<vmem>> -> memref<128x128xi32, #tpu.memory_space<vmem>>
      %dma_start3A_55 = arith.constant 0 : i32
      %dma_start3A_56 = tpu.memref_slice %arg2[%dma_start3A_55, %mul3A_26] : memref<128x512xi32, #tpu.memory_space<hbm>> -> memref<128x128xi32, #tpu.memory_space<hbm>>
      %dma_start3A_57 = arith.constant 0 : i32
      %dma_start3A_58 = arith.constant 0 : i32
      %dma_start3A_59 = tpu.memref_slice %arg8[%dma_start3A_57, %dma_start3A_58] : memref<129x128xi32, #tpu.memory_space<vmem>> -> memref<128x128xi32, #tpu.memory_space<vmem>>
      %dma_start3A_60 = arith.constant 0 : i32
      %dma_start3A_61 = tpu.memref_slice %arg2[%dma_start3A_60, %mul3A_26] : memref<128x512xi32, #tpu.memory_space<hbm>> -> memref<128x128xi32, #tpu.memory_space<hbm>>
      tpu.enqueue_dma source(%dma_start3A_61 : memref<128x128xi32, #tpu.memory_space<hbm>>) target(%dma_start3A_59 : memref<128x128xi32, #tpu.memory_space<vmem>>) target_semaphore(%run_scoped3A : memref<!tpu.dma_semaphore, #tpu.memory_space<semaphore_mem>>)
      %dma_wait3A_62 = arith.constant 0 : i32
      %dma_wait3A_63 = arith.constant 0 : i32
      %dma_wait3A_64 = tpu.memref_slice %arg8[%dma_wait3A_62, %dma_wait3A_63] : memref<129x128xi32, #tpu.memory_space<vmem>> -> memref<128x128xi32, #tpu.memory_space<vmem>>
      %dma_wait3A_65 = arith.constant 0 : i32
      %dma_wait3A_66 = tpu.memref_slice %arg2[%dma_wait3A_65, %mul3A_26] : memref<128x512xi32, #tpu.memory_space<hbm>> -> memref<128x128xi32, #tpu.memory_space<hbm>>
      %dma_wait3A_67 = arith.constant 0 : i32
      %dma_wait3A_68 = arith.constant 0 : i32
      %dma_wait3A_69 = tpu.memref_slice %arg8[%dma_wait3A_67, %dma_wait3A_68] : memref<129x128xi32, #tpu.memory_space<vmem>> -> memref<128x128xi32, #tpu.memory_space<vmem>>
      %dma_wait3A_70 = arith.constant 0 : i32
      %dma_wait3A_71 = tpu.memref_slice %arg2[%dma_wait3A_70, %mul3A_26] : memref<128x512xi32, #tpu.memory_space<hbm>> -> memref<128x128xi32, #tpu.memory_space<hbm>>
      tpu.wait_dma2 semaphore(%run_scoped3A : memref<!tpu.dma_semaphore, #tpu.memory_space<semaphore_mem>>) src(%dma_wait3A_71 : memref<128x128xi32, #tpu.memory_space<hbm>>) dst(%dma_wait3A_69 : memref<128x128xi32, #tpu.memory_space<vmem>>)
      tpu.yield
    }) : () -> ()
    %jit3A_27 = arith.constant 128 : i32
    %eq3A = arith.constant 0 : i32
    %eq3A_28 = arith.cmpi eq, %jit3A_27, %eq3A : i32
    %jit3A_29 = arith.constant 1 : i32
    %select_n3A_30 = arith.select %eq3A_28, %jit3A_29, %jit3A_27 : i32
    %rem3A_31 = arith.remsi %mul3A_2, %select_n3A_30 : i32
    %ne3A_32 = arith.constant 0 : i32
    %ne3A_33 = arith.cmpi ne, %rem3A_31, %ne3A_32 : i32
    %lt3A = arith.constant 0 : i32
    %lt3A_34 = arith.cmpi slt, %rem3A_31, %lt3A : i32
    %lt3A_35 = arith.constant 0 : i32
    %lt3A_36 = arith.cmpi slt, %select_n3A_30, %lt3A_35 : i32
    %ne3A_37 = arith.xori %lt3A_34, %lt3A_36 : i1
    %and3A_38 = arith.andi %ne3A_37, %ne3A_33 : i1
    %add3A_39 = arith.addi %rem3A_31, %select_n3A_30 : i32
    %select_n3A_40 = arith.select %and3A_38, %add3A_39, %rem3A_31 : i32
    %iota3A = tpu.iota {dimensions = array<i32: 0>} : vector<16xi32>
    %scan3A_41 = arith.constant 0 : i32
    %scan3A_42 = arith.constant 0 : i32
    %scan3A_43 = arith.constant 16 : i32
    %scan3A_44 = arith.addi %scan3A_42, %scan3A_43 : i32
    %scan3A_45 = arith.constant 1 : i32
    %scan3A_46 = scf.for %scan3A_53 = %scan3A_42 to %scan3A_44 step %scan3A_45 iter_args(%scan3A_54 = %scan3A_41) -> (i32)  : i32 {
      %add3A_55 = arith.addi %mul3A_2, %scan3A_53 : i32
      %get3A = arith.index_cast %scan3A_53 : i32 to index
      %get3A_56 = arith.constant 0 : index
      %get3A_57 = tpu.vector_load %arg7[%get3A, %get3A_56] {strides = array<i32>} : memref<16x512xf32, #tpu.memory_space<vmem>>, vector<1x16xf32>,
      %get3A_58 = vector.shape_cast %get3A_57 : vector<1x16xf32> to vector<16xf32>
      %get3A_59 = arith.index_cast %scan3A_53 : i32 to index
      %get3A_60 = arith.constant 16 : index
      %get3A_61 = tpu.vector_load %arg7[%get3A_59, %get3A_60] {strides = array<i32>} : memref<16x512xf32, #tpu.memory_space<vmem>>, vector<1x16xf32>,
      %get3A_62 = vector.shape_cast %get3A_61 : vector<1x16xf32> to vector<16xf32>
      %get3A_63 = arith.index_cast %scan3A_53 : i32 to index
      %get3A_64 = arith.constant 32 : index
      %get3A_65 = tpu.vector_load %arg7[%get3A_63, %get3A_64] {strides = array<i32>} : memref<16x512xf32, #tpu.memory_space<vmem>>, vector<1x16xf32>,
      %get3A_66 = vector.shape_cast %get3A_65 : vector<1x16xf32> to vector<16xf32>
      %get3A_67 = arith.index_cast %scan3A_53 : i32 to index
      %get3A_68 = arith.constant 48 : index
      %get3A_69 = tpu.vector_load %arg7[%get3A_67, %get3A_68] {strides = array<i32>} : memref<16x512xf32, #tpu.memory_space<vmem>>, vector<1x16xf32>,
      %get3A_70 = vector.shape_cast %get3A_69 : vector<1x16xf32> to vector<16xf32>
      %get3A_71 = arith.index_cast %scan3A_53 : i32 to index
      %get3A_72 = arith.constant 64 : index
      %get3A_73 = tpu.vector_load %arg7[%get3A_71, %get3A_72] {strides = array<i32>} : memref<16x512xf32, #tpu.memory_space<vmem>>, vector<1x16xf32>,
      %get3A_74 = vector.shape_cast %get3A_73 : vector<1x16xf32> to vector<16xf32>
      %get3A_75 = arith.index_cast %scan3A_53 : i32 to index
      %get3A_76 = arith.constant 80 : index
      %get3A_77 = tpu.vector_load %arg7[%get3A_75, %get3A_76] {strides = array<i32>} : memref<16x512xf32, #tpu.memory_space<vmem>>, vector<1x16xf32>,
      %get3A_78 = vector.shape_cast %get3A_77 : vector<1x16xf32> to vector<16xf32>
      %get3A_79 = arith.index_cast %scan3A_53 : i32 to index
      %get3A_80 = arith.constant 96 : index
      %get3A_81 = tpu.vector_load %arg7[%get3A_79, %get3A_80] {strides = array<i32>} : memref<16x512xf32, #tpu.memory_space<vmem>>, vector<1x16xf32>,
      %get3A_82 = vector.shape_cast %get3A_81 : vector<1x16xf32> to vector<16xf32>
      %get3A_83 = arith.index_cast %scan3A_53 : i32 to index
      %get3A_84 = arith.constant 112 : index
      %get3A_85 = tpu.vector_load %arg7[%get3A_83, %get3A_84] {strides = array<i32>} : memref<16x512xf32, #tpu.memory_space<vmem>>, vector<1x16xf32>,
      %get3A_86 = vector.shape_cast %get3A_85 : vector<1x16xf32> to vector<16xf32>
      %get3A_87 = arith.index_cast %scan3A_53 : i32 to index
      %get3A_88 = arith.constant 128 : index
      %get3A_89 = tpu.vector_load %arg7[%get3A_87, %get3A_88] {strides = array<i32>} : memref<16x512xf32, #tpu.memory_space<vmem>>, vector<1x16xf32>,
      %get3A_90 = vector.shape_cast %get3A_89 : vector<1x16xf32> to vector<16xf32>
      %get3A_91 = arith.index_cast %scan3A_53 : i32 to index
      %get3A_92 = arith.constant 144 : index
      %get3A_93 = tpu.vector_load %arg7[%get3A_91, %get3A_92] {strides = array<i32>} : memref<16x512xf32, #tpu.memory_space<vmem>>, vector<1x16xf32>,
      %get3A_94 = vector.shape_cast %get3A_93 : vector<1x16xf32> to vector<16xf32>
      %get3A_95 = arith.index_cast %scan3A_53 : i32 to index
      %get3A_96 = arith.constant 160 : index
      %get3A_97 = tpu.vector_load %arg7[%get3A_95, %get3A_96] {strides = array<i32>} : memref<16x512xf32, #tpu.memory_space<vmem>>, vector<1x16xf32>,
      %get3A_98 = vector.shape_cast %get3A_97 : vector<1x16xf32> to vector<16xf32>
      %get3A_99 = arith.index_cast %scan3A_53 : i32 to index
      %get3A_100 = arith.constant 176 : index
      %get3A_101 = tpu.vector_load %arg7[%get3A_99, %get3A_100] {strides = array<i32>} : memref<16x512xf32, #tpu.memory_space<vmem>>, vector<1x16xf32>,
      %get3A_102 = vector.shape_cast %get3A_101 : vector<1x16xf32> to vector<16xf32>
      %get3A_103 = arith.index_cast %scan3A_53 : i32 to index
      %get3A_104 = arith.constant 192 : index
      %get3A_105 = tpu.vector_load %arg7[%get3A_103, %get3A_104] {strides = array<i32>} : memref<16x512xf32, #tpu.memory_space<vmem>>, vector<1x16xf32>,
      %get3A_106 = vector.shape_cast %get3A_105 : vector<1x16xf32> to vector<16xf32>
      %get3A_107 = arith.index_cast %scan3A_53 : i32 to index
      %get3A_108 = arith.constant 208 : index
      %get3A_109 = tpu.vector_load %arg7[%get3A_107, %get3A_108] {strides = array<i32>} : memref<16x512xf32, #tpu.memory_space<vmem>>, vector<1x16xf32>,
      %get3A_110 = vector.shape_cast %get3A_109 : vector<1x16xf32> to vector<16xf32>
      %get3A_111 = arith.index_cast %scan3A_53 : i32 to index
      %get3A_112 = arith.constant 224 : index
      %get3A_113 = tpu.vector_load %arg7[%get3A_111, %get3A_112] {strides = array<i32>} : memref<16x512xf32, #tpu.memory_space<vmem>>, vector<1x16xf32>,
      %get3A_114 = vector.shape_cast %get3A_113 : vector<1x16xf32> to vector<16xf32>
      %get3A_115 = arith.index_cast %scan3A_53 : i32 to index
      %get3A_116 = arith.constant 240 : index
      %get3A_117 = tpu.vector_load %arg7[%get3A_115, %get3A_116] {strides = array<i32>} : memref<16x512xf32, #tpu.memory_space<vmem>>, vector<1x16xf32>,
      %get3A_118 = vector.shape_cast %get3A_117 : vector<1x16xf32> to vector<16xf32>
      %get3A_119 = arith.index_cast %scan3A_53 : i32 to index
      %get3A_120 = arith.constant 256 : index
      %get3A_121 = tpu.vector_load %arg7[%get3A_119, %get3A_120] {strides = array<i32>} : memref<16x512xf32, #tpu.memory_space<vmem>>, vector<1x16xf32>,
      %get3A_122 = vector.shape_cast %get3A_121 : vector<1x16xf32> to vector<16xf32>
      %get3A_123 = arith.index_cast %scan3A_53 : i32 to index
      %get3A_124 = arith.constant 272 : index
      %get3A_125 = tpu.vector_load %arg7[%get3A_123, %get3A_124] {strides = array<i32>} : memref<16x512xf32, #tpu.memory_space<vmem>>, vector<1x16xf32>,
      %get3A_126 = vector.shape_cast %get3A_125 : vector<1x16xf32> to vector<16xf32>
      %get3A_127 = arith.index_cast %scan3A_53 : i32 to index
      %get3A_128 = arith.constant 288 : index
      %get3A_129 = tpu.vector_load %arg7[%get3A_127, %get3A_128] {strides = array<i32>} : memref<16x512xf32, #tpu.memory_space<vmem>>, vector<1x16xf32>,
      %get3A_130 = vector.shape_cast %get3A_129 : vector<1x16xf32> to vector<16xf32>
      %get3A_131 = arith.index_cast %scan3A_53 : i32 to index
      %get3A_132 = arith.constant 304 : index
      %get3A_133 = tpu.vector_load %arg7[%get3A_131, %get3A_132] {strides = array<i32>} : memref<16x512xf32, #tpu.memory_space<vmem>>, vector<1x16xf32>,
      %get3A_134 = vector.shape_cast %get3A_133 : vector<1x16xf32> to vector<16xf32>
      %get3A_135 = arith.index_cast %scan3A_53 : i32 to index
      %get3A_136 = arith.constant 320 : index
      %get3A_137 = tpu.vector_load %arg7[%get3A_135, %get3A_136] {strides = array<i32>} : memref<16x512xf32, #tpu.memory_space<vmem>>, vector<1x16xf32>,
      %get3A_138 = vector.shape_cast %get3A_137 : vector<1x16xf32> to vector<16xf32>
      %get3A_139 = arith.index_cast %scan3A_53 : i32 to index
      %get3A_140 = arith.constant 336 : index
      %get3A_141 = tpu.vector_load %arg7[%get3A_139, %get3A_140] {strides = array<i32>} : memref<16x512xf32, #tpu.memory_space<vmem>>, vector<1x16xf32>,
      %get3A_142 = vector.shape_cast %get3A_141 : vector<1x16xf32> to vector<16xf32>
      %get3A_143 = arith.index_cast %scan3A_53 : i32 to index
      %get3A_144 = arith.constant 352 : index
      %get3A_145 = tpu.vector_load %arg7[%get3A_143, %get3A_144] {strides = array<i32>} : memref<16x512xf32, #tpu.memory_space<vmem>>, vector<1x16xf32>,
      %get3A_146 = vector.shape_cast %get3A_145 : vector<1x16xf32> to vector<16xf32>
      %get3A_147 = arith.index_cast %scan3A_53 : i32 to index
      %get3A_148 = arith.constant 368 : index
      %get3A_149 = tpu.vector_load %arg7[%get3A_147, %get3A_148] {strides = array<i32>} : memref<16x512xf32, #tpu.memory_space<vmem>>, vector<1x16xf32>,
      %get3A_150 = vector.shape_cast %get3A_149 : vector<1x16xf32> to vector<16xf32>
      %get3A_151 = arith.index_cast %scan3A_53 : i32 to index
      %get3A_152 = arith.constant 384 : index
      %get3A_153 = tpu.vector_load %arg7[%get3A_151, %get3A_152] {strides = array<i32>} : memref<16x512xf32, #tpu.memory_space<vmem>>, vector<1x16xf32>,
      %get3A_154 = vector.shape_cast %get3A_153 : vector<1x16xf32> to vector<16xf32>
      %get3A_155 = arith.index_cast %scan3A_53 : i32 to index
      %get3A_156 = arith.constant 400 : index
      %get3A_157 = tpu.vector_load %arg7[%get3A_155, %get3A_156] {strides = array<i32>} : memref<16x512xf32, #tpu.memory_space<vmem>>, vector<1x16xf32>,
      %get3A_158 = vector.shape_cast %get3A_157 : vector<1x16xf32> to vector<16xf32>
      %get3A_159 = arith.index_cast %scan3A_53 : i32 to index
      %get3A_160 = arith.constant 416 : index
      %get3A_161 = tpu.vector_load %arg7[%get3A_159, %get3A_160] {strides = array<i32>} : memref<16x512xf32, #tpu.memory_space<vmem>>, vector<1x16xf32>,
      %get3A_162 = vector.shape_cast %get3A_161 : vector<1x16xf32> to vector<16xf32>
      %get3A_163 = arith.index_cast %scan3A_53 : i32 to index
      %get3A_164 = arith.constant 432 : index
      %get3A_165 = tpu.vector_load %arg7[%get3A_163, %get3A_164] {strides = array<i32>} : memref<16x512xf32, #tpu.memory_space<vmem>>, vector<1x16xf32>,
      %get3A_166 = vector.shape_cast %get3A_165 : vector<1x16xf32> to vector<16xf32>
      %get3A_167 = arith.index_cast %scan3A_53 : i32 to index
      %get3A_168 = arith.constant 448 : index
      %get3A_169 = tpu.vector_load %arg7[%get3A_167, %get3A_168] {strides = array<i32>} : memref<16x512xf32, #tpu.memory_space<vmem>>, vector<1x16xf32>,
      %get3A_170 = vector.shape_cast %get3A_169 : vector<1x16xf32> to vector<16xf32>
      %get3A_171 = arith.index_cast %scan3A_53 : i32 to index
      %get3A_172 = arith.constant 464 : index
      %get3A_173 = tpu.vector_load %arg7[%get3A_171, %get3A_172] {strides = array<i32>} : memref<16x512xf32, #tpu.memory_space<vmem>>, vector<1x16xf32>,
      %get3A_174 = vector.shape_cast %get3A_173 : vector<1x16xf32> to vector<16xf32>
      %get3A_175 = arith.index_cast %scan3A_53 : i32 to index
      %get3A_176 = arith.constant 480 : index
      %get3A_177 = tpu.vector_load %arg7[%get3A_175, %get3A_176] {strides = array<i32>} : memref<16x512xf32, #tpu.memory_space<vmem>>, vector<1x16xf32>,
      %get3A_178 = vector.shape_cast %get3A_177 : vector<1x16xf32> to vector<16xf32>
      %get3A_179 = arith.index_cast %scan3A_53 : i32 to index
      %get3A_180 = arith.constant 496 : index
      %get3A_181 = tpu.vector_load %arg7[%get3A_179, %get3A_180] {strides = array<i32>} : memref<16x512xf32, #tpu.memory_space<vmem>>, vector<1x16xf32>,
      %get3A_182 = vector.shape_cast %get3A_181 : vector<1x16xf32> to vector<16xf32>
      %gt3A = arith.constant 0 : i32
      %gt3A_183 = arith.cmpi sgt, %scan3A_53, %gt3A : i32
      %convert_element_type3A = arith.extui %gt3A_183 : i1 to i32
      %cond3A = arith.constant 0 : i32
      %cond3A_184 = arith.cmpi ne, %convert_element_type3A, %cond3A : i32
      scf.if %cond3A_184 {
        %dma_wait3A_296 = arith.constant 0 : i32
        %dma_wait3A_297 = arith.constant 0 : i32
        %dma_wait3A_298 = tpu.memref_slice %arg5[%dma_wait3A_296, %dma_wait3A_297] : memref<65536x512xf32, #tpu.memory_space<hbm>> -> memref<65536x512xf32, #tpu.memory_space<hbm>>
        tpu.wait_indirect_dma semaphore(%arg13 : memref<!tpu.dma_semaphore, #tpu.memory_space<semaphore_mem>>) src(%arg9 : memref<64x512xf32, #tpu.memory_space<vmem>>) dst(%dma_wait3A_298 : memref<65536x512xf32, #tpu.memory_space<hbm>>)
      } else {
      }
      %parallel_loop3A = arith.constant 0 : i32
      %parallel_loop3A_185 = arith.constant 64 : i32
      %parallel_loop3A_186 = arith.constant 1 : i32
      scf.for %parallel_loop3A_296 = %parallel_loop3A to %parallel_loop3A_185 step %parallel_loop3A_186  : i32 {
        %parallel_loop3A_297 = arith.constant 0 : i32
        %parallel_loop3A_298 = arith.addi %parallel_loop3A_297, %parallel_loop3A_296 : i32
        %parallel_loop3A_299 = arith.addi %select_n3A_40, %scan3A_53 : i32
        %parallel_loop3A_300 = arith.index_cast %parallel_loop3A_298 : i32 to index
        %parallel_loop3A_301 = arith.index_cast %parallel_loop3A_299 : i32 to index
        %parallel_loop3A_302 = tpu.vector_load %arg8[%parallel_loop3A_300, %parallel_loop3A_301] {strides = array<i32>} : memref<129x128xi32, #tpu.memory_space<vmem>>, vector<1x16xi32>,
        %parallel_loop3A_303 = vector.shape_cast %parallel_loop3A_302 : vector<1x16xi32> to vector<16xi32>
        %parallel_loop3A_304 = vector.extract_strided_slice %parallel_loop3A_303 {offsets = [0], sizes = [1], strides = [1]} : vector<16xi32> to vector<1xi32>
        %parallel_loop3A_305 = vector.extract %parallel_loop3A_304[0] : i32 from vector<1xi32>
        %parallel_loop3A_306 = arith.index_cast %parallel_loop3A_305 : i32 to index
        %parallel_loop3A_307 = arith.constant 0 : index
        %parallel_loop3A_308 = tpu.vector_load %arg6[%parallel_loop3A_306, %parallel_loop3A_307] {strides = array<i32>} : memref<64x512xf32, #tpu.memory_space<vmem>>, vector<1x16xf32>,
        %parallel_loop3A_309 = vector.shape_cast %parallel_loop3A_308 : vector<1x16xf32> to vector<16xf32>
        %parallel_loop3A_310 = arith.addf %parallel_loop3A_309, %get3A_58 : vector<16xf32>
        %parallel_loop3A_311 = arith.index_cast %parallel_loop3A_296 : i32 to index
        %parallel_loop3A_312 = arith.constant 0 : index
        %parallel_loop3A_313 = tpu.vector_load %arg9[%parallel_loop3A_311, %parallel_loop3A_312] {strides = array<i32>} : memref<64x512xf32, #tpu.memory_space<vmem>>, vector<1x16xf32>,
        %parallel_loop3A_314 = vector.shape_cast %parallel_loop3A_313 : vector<1x16xf32> to vector<16xf32>
        %parallel_loop3A_315 = vector.shape_cast %parallel_loop3A_310 : vector<16xf32> to vector<1x16xf32>
        tpu.vector_store %arg9[%parallel_loop3A_311, %parallel_loop3A_312], %parallel_loop3A_315 {strides = array<i32>} : memref<64x512xf32, #tpu.memory_space<vmem>>, vector<1x16xf32>,
        %parallel_loop3A_316 = arith.index_cast %parallel_loop3A_305 : i32 to index
        %parallel_loop3A_317 = arith.constant 16 : index
        %parallel_loop3A_318 = tpu.vector_load %arg6[%parallel_loop3A_316, %parallel_loop3A_317] {strides = array<i32>} : memref<64x512xf32, #tpu.memory_space<vmem>>, vector<1x16xf32>,
        %parallel_loop3A_319 = vector.shape_cast %parallel_loop3A_318 : vector<1x16xf32> to vector<16xf32>
        %parallel_loop3A_320 = arith.addf %parallel_loop3A_319, %get3A_62 : vector<16xf32>
        %parallel_loop3A_321 = arith.index_cast %parallel_loop3A_296 : i32 to index
        %parallel_loop3A_322 = arith.constant 16 : index
        %parallel_loop3A_323 = tpu.vector_load %arg9[%parallel_loop3A_321, %parallel_loop3A_322] {strides = array<i32>} : memref<64x512xf32, #tpu.memory_space<vmem>>, vector<1x16xf32>,
        %parallel_loop3A_324 = vector.shape_cast %parallel_loop3A_323 : vector<1x16xf32> to vector<16xf32>
        %parallel_loop3A_325 = vector.shape_cast %parallel_loop3A_320 : vector<16xf32> to vector<1x16xf32>
        tpu.vector_store %arg9[%parallel_loop3A_321, %parallel_loop3A_322], %parallel_loop3A_325 {strides = array<i32>} : memref<64x512xf32, #tpu.memory_space<vmem>>, vector<1x16xf32>,
        %parallel_loop3A_326 = arith.index_cast %parallel_loop3A_305 : i32 to index
        %parallel_loop3A_327 = arith.constant 32 : index
        %parallel_loop3A_328 = tpu.vector_load %arg6[%parallel_loop3A_326, %parallel_loop3A_327] {strides = array<i32>} : memref<64x512xf32, #tpu.memory_space<vmem>>, vector<1x16xf32>,
        %parallel_loop3A_329 = vector.shape_cast %parallel_loop3A_328 : vector<1x16xf32> to vector<16xf32>
        %parallel_loop3A_330 = arith.addf %parallel_loop3A_329, %get3A_66 : vector<16xf32>
        %parallel_loop3A_331 = arith.index_cast %parallel_loop3A_296 : i32 to index
        %parallel_loop3A_332 = arith.constant 32 : index
        %parallel_loop3A_333 = tpu.vector_load %arg9[%parallel_loop3A_331, %parallel_loop3A_332] {strides = array<i32>} : memref<64x512xf32, #tpu.memory_space<vmem>>, vector<1x16xf32>,
        %parallel_loop3A_334 = vector.shape_cast %parallel_loop3A_333 : vector<1x16xf32> to vector<16xf32>
        %parallel_loop3A_335 = vector.shape_cast %parallel_loop3A_330 : vector<16xf32> to vector<1x16xf32>
        tpu.vector_store %arg9[%parallel_loop3A_331, %parallel_loop3A_332], %parallel_loop3A_335 {strides = array<i32>} : memref<64x512xf32, #tpu.memory_space<vmem>>, vector<1x16xf32>,
        %parallel_loop3A_336 = arith.index_cast %parallel_loop3A_305 : i32 to index
        %parallel_loop3A_337 = arith.constant 48 : index
        %parallel_loop3A_338 = tpu.vector_load %arg6[%parallel_loop3A_336, %parallel_loop3A_337] {strides = array<i32>} : memref<64x512xf32, #tpu.memory_space<vmem>>, vector<1x16xf32>,
        %parallel_loop3A_339 = vector.shape_cast %parallel_loop3A_338 : vector<1x16xf32> to vector<16xf32>
        %parallel_loop3A_340 = arith.addf %parallel_loop3A_339, %get3A_70 : vector<16xf32>
        %parallel_loop3A_341 = arith.index_cast %parallel_loop3A_296 : i32 to index
        %parallel_loop3A_342 = arith.constant 48 : index
        %parallel_loop3A_343 = tpu.vector_load %arg9[%parallel_loop3A_341, %parallel_loop3A_342] {strides = array<i32>} : memref<64x512xf32, #tpu.memory_space<vmem>>, vector<1x16xf32>,
        %parallel_loop3A_344 = vector.shape_cast %parallel_loop3A_343 : vector<1x16xf32> to vector<16xf32>
        %parallel_loop3A_345 = vector.shape_cast %parallel_loop3A_340 : vector<16xf32> to vector<1x16xf32>
        tpu.vector_store %arg9[%parallel_loop3A_341, %parallel_loop3A_342], %parallel_loop3A_345 {strides = array<i32>} : memref<64x512xf32, #tpu.memory_space<vmem>>, vector<1x16xf32>,
        %parallel_loop3A_346 = arith.index_cast %parallel_loop3A_305 : i32 to index
        %parallel_loop3A_347 = arith.constant 64 : index
        %parallel_loop3A_348 = tpu.vector_load %arg6[%parallel_loop3A_346, %parallel_loop3A_347] {strides = array<i32>} : memref<64x512xf32, #tpu.memory_space<vmem>>, vector<1x16xf32>,
        %parallel_loop3A_349 = vector.shape_cast %parallel_loop3A_348 : vector<1x16xf32> to vector<16xf32>
        %parallel_loop3A_350 = arith.addf %parallel_loop3A_349, %get3A_74 : vector<16xf32>
        %parallel_loop3A_351 = arith.index_cast %parallel_loop3A_296 : i32 to index
        %parallel_loop3A_352 = arith.constant 64 : index
        %parallel_loop3A_353 = tpu.vector_load %arg9[%parallel_loop3A_351, %parallel_loop3A_352] {strides = array<i32>} : memref<64x512xf32, #tpu.memory_space<vmem>>, vector<1x16xf32>,
        %parallel_loop3A_354 = vector.shape_cast %parallel_loop3A_353 : vector<1x16xf32> to vector<16xf32>
        %parallel_loop3A_355 = vector.shape_cast %parallel_loop3A_350 : vector<16xf32> to vector<1x16xf32>
        tpu.vector_store %arg9[%parallel_loop3A_351, %parallel_loop3A_352], %parallel_loop3A_355 {strides = array<i32>} : memref<64x512xf32, #tpu.memory_space<vmem>>, vector<1x16xf32>,
        %parallel_loop3A_356 = arith.index_cast %parallel_loop3A_305 : i32 to index
        %parallel_loop3A_357 = arith.constant 80 : index
        %parallel_loop3A_358 = tpu.vector_load %arg6[%parallel_loop3A_356, %parallel_loop3A_357] {strides = array<i32>} : memref<64x512xf32, #tpu.memory_space<vmem>>, vector<1x16xf32>,
        %parallel_loop3A_359 = vector.shape_cast %parallel_loop3A_358 : vector<1x16xf32> to vector<16xf32>
        %parallel_loop3A_360 = arith.addf %parallel_loop3A_359, %get3A_78 : vector<16xf32>
        %parallel_loop3A_361 = arith.index_cast %parallel_loop3A_296 : i32 to index
        %parallel_loop3A_362 = arith.constant 80 : index
        %parallel_loop3A_363 = tpu.vector_load %arg9[%parallel_loop3A_361, %parallel_loop3A_362] {strides = array<i32>} : memref<64x512xf32, #tpu.memory_space<vmem>>, vector<1x16xf32>,
        %parallel_loop3A_364 = vector.shape_cast %parallel_loop3A_363 : vector<1x16xf32> to vector<16xf32>
        %parallel_loop3A_365 = vector.shape_cast %parallel_loop3A_360 : vector<16xf32> to vector<1x16xf32>
        tpu.vector_store %arg9[%parallel_loop3A_361, %parallel_loop3A_362], %parallel_loop3A_365 {strides = array<i32>} : memref<64x512xf32, #tpu.memory_space<vmem>>, vector<1x16xf32>,
        %parallel_loop3A_366 = arith.index_cast %parallel_loop3A_305 : i32 to index
        %parallel_loop3A_367 = arith.constant 96 : index
        %parallel_loop3A_368 = tpu.vector_load %arg6[%parallel_loop3A_366, %parallel_loop3A_367] {strides = array<i32>} : memref<64x512xf32, #tpu.memory_space<vmem>>, vector<1x16xf32>,
        %parallel_loop3A_369 = vector.shape_cast %parallel_loop3A_368 : vector<1x16xf32> to vector<16xf32>
        %parallel_loop3A_370 = arith.addf %parallel_loop3A_369, %get3A_82 : vector<16xf32>
        %parallel_loop3A_371 = arith.index_cast %parallel_loop3A_296 : i32 to index
        %parallel_loop3A_372 = arith.constant 96 : index
        %parallel_loop3A_373 = tpu.vector_load %arg9[%parallel_loop3A_371, %parallel_loop3A_372] {strides = array<i32>} : memref<64x512xf32, #tpu.memory_space<vmem>>, vector<1x16xf32>,
        %parallel_loop3A_374 = vector.shape_cast %parallel_loop3A_373 : vector<1x16xf32> to vector<16xf32>
        %parallel_loop3A_375 = vector.shape_cast %parallel_loop3A_370 : vector<16xf32> to vector<1x16xf32>
        tpu.vector_store %arg9[%parallel_loop3A_371, %parallel_loop3A_372], %parallel_loop3A_375 {strides = array<i32>} : memref<64x512xf32, #tpu.memory_space<vmem>>, vector<1x16xf32>,
        %parallel_loop3A_376 = arith.index_cast %parallel_loop3A_305 : i32 to index
        %parallel_loop3A_377 = arith.constant 112 : index
        %parallel_loop3A_378 = tpu.vector_load %arg6[%parallel_loop3A_376, %parallel_loop3A_377] {strides = array<i32>} : memref<64x512xf32, #tpu.memory_space<vmem>>, vector<1x16xf32>,
        %parallel_loop3A_379 = vector.shape_cast %parallel_loop3A_378 : vector<1x16xf32> to vector<16xf32>
        %parallel_loop3A_380 = arith.addf %parallel_loop3A_379, %get3A_86 : vector<16xf32>
        %parallel_loop3A_381 = arith.index_cast %parallel_loop3A_296 : i32 to index
        %parallel_loop3A_382 = arith.constant 112 : index
        %parallel_loop3A_383 = tpu.vector_load %arg9[%parallel_loop3A_381, %parallel_loop3A_382] {strides = array<i32>} : memref<64x512xf32, #tpu.memory_space<vmem>>, vector<1x16xf32>,
        %parallel_loop3A_384 = vector.shape_cast %parallel_loop3A_383 : vector<1x16xf32> to vector<16xf32>
        %parallel_loop3A_385 = vector.shape_cast %parallel_loop3A_380 : vector<16xf32> to vector<1x16xf32>
        tpu.vector_store %arg9[%parallel_loop3A_381, %parallel_loop3A_382], %parallel_loop3A_385 {strides = array<i32>} : memref<64x512xf32, #tpu.memory_space<vmem>>, vector<1x16xf32>,
        %parallel_loop3A_386 = arith.index_cast %parallel_loop3A_305 : i32 to index
        %parallel_loop3A_387 = arith.constant 128 : index
        %parallel_loop3A_388 = tpu.vector_load %arg6[%parallel_loop3A_386, %parallel_loop3A_387] {strides = array<i32>} : memref<64x512xf32, #tpu.memory_space<vmem>>, vector<1x16xf32>,
        %parallel_loop3A_389 = vector.shape_cast %parallel_loop3A_388 : vector<1x16xf32> to vector<16xf32>
        %parallel_loop3A_390 = arith.addf %parallel_loop3A_389, %get3A_90 : vector<16xf32>
        %parallel_loop3A_391 = arith.index_cast %parallel_loop3A_296 : i32 to index
        %parallel_loop3A_392 = arith.constant 128 : index
        %parallel_loop3A_393 = tpu.vector_load %arg9[%parallel_loop3A_391, %parallel_loop3A_392] {strides = array<i32>} : memref<64x512xf32, #tpu.memory_space<vmem>>, vector<1x16xf32>,
        %parallel_loop3A_394 = vector.shape_cast %parallel_loop3A_393 : vector<1x16xf32> to vector<16xf32>
        %parallel_loop3A_395 = vector.shape_cast %parallel_loop3A_390 : vector<16xf32> to vector<1x16xf32>
        tpu.vector_store %arg9[%parallel_loop3A_391, %parallel_loop3A_392], %parallel_loop3A_395 {strides = array<i32>} : memref<64x512xf32, #tpu.memory_space<vmem>>, vector<1x16xf32>,
        %parallel_loop3A_396 = arith.index_cast %parallel_loop3A_305 : i32 to index
        %parallel_loop3A_397 = arith.constant 144 : index
        %parallel_loop3A_398 = tpu.vector_load %arg6[%parallel_loop3A_396, %parallel_loop3A_397] {strides = array<i32>} : memref<64x512xf32, #tpu.memory_space<vmem>>, vector<1x16xf32>,
        %parallel_loop3A_399 = vector.shape_cast %parallel_loop3A_398 : vector<1x16xf32> to vector<16xf32>
        %parallel_loop3A_400 = arith.addf %parallel_loop3A_399, %get3A_94 : vector<16xf32>
        %parallel_loop3A_401 = arith.index_cast %parallel_loop3A_296 : i32 to index
        %parallel_loop3A_402 = arith.constant 144 : index
        %parallel_loop3A_403 = tpu.vector_load %arg9[%parallel_loop3A_401, %parallel_loop3A_402] {strides = array<i32>} : memref<64x512xf32, #tpu.memory_space<vmem>>, vector<1x16xf32>,
        %parallel_loop3A_404 = vector.shape_cast %parallel_loop3A_403 : vector<1x16xf32> to vector<16xf32>
        %parallel_loop3A_405 = vector.shape_cast %parallel_loop3A_400 : vector<16xf32> to vector<1x16xf32>
        tpu.vector_store %arg9[%parallel_loop3A_401, %parallel_loop3A_402], %parallel_loop3A_405 {strides = array<i32>} : memref<64x512xf32, #tpu.memory_space<vmem>>, vector<1x16xf32>,
        %parallel_loop3A_406 = arith.index_cast %parallel_loop3A_305 : i32 to index
        %parallel_loop3A_407 = arith.constant 160 : index
        %parallel_loop3A_408 = tpu.vector_load %arg6[%parallel_loop3A_406, %parallel_loop3A_407] {strides = array<i32>} : memref<64x512xf32, #tpu.memory_space<vmem>>, vector<1x16xf32>,
        %parallel_loop3A_409 = vector.shape_cast %parallel_loop3A_408 : vector<1x16xf32> to vector<16xf32>
        %parallel_loop3A_410 = arith.addf %parallel_loop3A_409, %get3A_98 : vector<16xf32>
        %parallel_loop3A_411 = arith.index_cast %parallel_loop3A_296 : i32 to index
        %parallel_loop3A_412 = arith.constant 160 : index
        %parallel_loop3A_413 = tpu.vector_load %arg9[%parallel_loop3A_411, %parallel_loop3A_412] {strides = array<i32>} : memref<64x512xf32, #tpu.memory_space<vmem>>, vector<1x16xf32>,
        %parallel_loop3A_414 = vector.shape_cast %parallel_loop3A_413 : vector<1x16xf32> to vector<16xf32>
        %parallel_loop3A_415 = vector.shape_cast %parallel_loop3A_410 : vector<16xf32> to vector<1x16xf32>
        tpu.vector_store %arg9[%parallel_loop3A_411, %parallel_loop3A_412], %parallel_loop3A_415 {strides = array<i32>} : memref<64x512xf32, #tpu.memory_space<vmem>>, vector<1x16xf32>,
        %parallel_loop3A_416 = arith.index_cast %parallel_loop3A_305 : i32 to index
        %parallel_loop3A_417 = arith.constant 176 : index
        %parallel_loop3A_418 = tpu.vector_load %arg6[%parallel_loop3A_416, %parallel_loop3A_417] {strides = array<i32>} : memref<64x512xf32, #tpu.memory_space<vmem>>, vector<1x16xf32>,
        %parallel_loop3A_419 = vector.shape_cast %parallel_loop3A_418 : vector<1x16xf32> to vector<16xf32>
        %parallel_loop3A_420 = arith.addf %parallel_loop3A_419, %get3A_102 : vector<16xf32>
        %parallel_loop3A_421 = arith.index_cast %parallel_loop3A_296 : i32 to index
        %parallel_loop3A_422 = arith.constant 176 : index
        %parallel_loop3A_423 = tpu.vector_load %arg9[%parallel_loop3A_421, %parallel_loop3A_422] {strides = array<i32>} : memref<64x512xf32, #tpu.memory_space<vmem>>, vector<1x16xf32>,
        %parallel_loop3A_424 = vector.shape_cast %parallel_loop3A_423 : vector<1x16xf32> to vector<16xf32>
        %parallel_loop3A_425 = vector.shape_cast %parallel_loop3A_420 : vector<16xf32> to vector<1x16xf32>
        tpu.vector_store %arg9[%parallel_loop3A_421, %parallel_loop3A_422], %parallel_loop3A_425 {strides = array<i32>} : memref<64x512xf32, #tpu.memory_space<vmem>>, vector<1x16xf32>,
        %parallel_loop3A_426 = arith.index_cast %parallel_loop3A_305 : i32 to index
        %parallel_loop3A_427 = arith.constant 192 : index
        %parallel_loop3A_428 = tpu.vector_load %arg6[%parallel_loop3A_426, %parallel_loop3A_427] {strides = array<i32>} : memref<64x512xf32, #tpu.memory_space<vmem>>, vector<1x16xf32>,
        %parallel_loop3A_429 = vector.shape_cast %parallel_loop3A_428 : vector<1x16xf32> to vector<16xf32>
        %parallel_loop3A_430 = arith.addf %parallel_loop3A_429, %get3A_106 : vector<16xf32>
        %parallel_loop3A_431 = arith.index_cast %parallel_loop3A_296 : i32 to index
        %parallel_loop3A_432 = arith.constant 192 : index
        %parallel_loop3A_433 = tpu.vector_load %arg9[%parallel_loop3A_431, %parallel_loop3A_432] {strides = array<i32>} : memref<64x512xf32, #tpu.memory_space<vmem>>, vector<1x16xf32>,
        %parallel_loop3A_434 = vector.shape_cast %parallel_loop3A_433 : vector<1x16xf32> to vector<16xf32>
        %parallel_loop3A_435 = vector.shape_cast %parallel_loop3A_430 : vector<16xf32> to vector<1x16xf32>
        tpu.vector_store %arg9[%parallel_loop3A_431, %parallel_loop3A_432], %parallel_loop3A_435 {strides = array<i32>} : memref<64x512xf32, #tpu.memory_space<vmem>>, vector<1x16xf32>,
        %parallel_loop3A_436 = arith.index_cast %parallel_loop3A_305 : i32 to index
        %parallel_loop3A_437 = arith.constant 208 : index
        %parallel_loop3A_438 = tpu.vector_load %arg6[%parallel_loop3A_436, %parallel_loop3A_437] {strides = array<i32>} : memref<64x512xf32, #tpu.memory_space<vmem>>, vector<1x16xf32>,
        %parallel_loop3A_439 = vector.shape_cast %parallel_loop3A_438 : vector<1x16xf32> to vector<16xf32>
        %parallel_loop3A_440 = arith.addf %parallel_loop3A_439, %get3A_110 : vector<16xf32>
        %parallel_loop3A_441 = arith.index_cast %parallel_loop3A_296 : i32 to index
        %parallel_loop3A_442 = arith.constant 208 : index
        %parallel_loop3A_443 = tpu.vector_load %arg9[%parallel_loop3A_441, %parallel_loop3A_442] {strides = array<i32>} : memref<64x512xf32, #tpu.memory_space<vmem>>, vector<1x16xf32>,
        %parallel_loop3A_444 = vector.shape_cast %parallel_loop3A_443 : vector<1x16xf32> to vector<16xf32>
        %parallel_loop3A_445 = vector.shape_cast %parallel_loop3A_440 : vector<16xf32> to vector<1x16xf32>
        tpu.vector_store %arg9[%parallel_loop3A_441, %parallel_loop3A_442], %parallel_loop3A_445 {strides = array<i32>} : memref<64x512xf32, #tpu.memory_space<vmem>>, vector<1x16xf32>,
        %parallel_loop3A_446 = arith.index_cast %parallel_loop3A_305 : i32 to index
        %parallel_loop3A_447 = arith.constant 224 : index
        %parallel_loop3A_448 = tpu.vector_load %arg6[%parallel_loop3A_446, %parallel_loop3A_447] {strides = array<i32>} : memref<64x512xf32, #tpu.memory_space<vmem>>, vector<1x16xf32>,
        %parallel_loop3A_449 = vector.shape_cast %parallel_loop3A_448 : vector<1x16xf32> to vector<16xf32>
        %parallel_loop3A_450 = arith.addf %parallel_loop3A_449, %get3A_114 : vector<16xf32>
        %parallel_loop3A_451 = arith.index_cast %parallel_loop3A_296 : i32 to index
        %parallel_loop3A_452 = arith.constant 224 : index
        %parallel_loop3A_453 = tpu.vector_load %arg9[%parallel_loop3A_451, %parallel_loop3A_452] {strides = array<i32>} : memref<64x512xf32, #tpu.memory_space<vmem>>, vector<1x16xf32>,
        %parallel_loop3A_454 = vector.shape_cast %parallel_loop3A_453 : vector<1x16xf32> to vector<16xf32>
        %parallel_loop3A_455 = vector.shape_cast %parallel_loop3A_450 : vector<16xf32> to vector<1x16xf32>
        tpu.vector_store %arg9[%parallel_loop3A_451, %parallel_loop3A_452], %parallel_loop3A_455 {strides = array<i32>} : memref<64x512xf32, #tpu.memory_space<vmem>>, vector<1x16xf32>,
        %parallel_loop3A_456 = arith.index_cast %parallel_loop3A_305 : i32 to index
        %parallel_loop3A_457 = arith.constant 240 : index
        %parallel_loop3A_458 = tpu.vector_load %arg6[%parallel_loop3A_456, %parallel_loop3A_457] {strides = array<i32>} : memref<64x512xf32, #tpu.memory_space<vmem>>, vector<1x16xf32>,
        %parallel_loop3A_459 = vector.shape_cast %parallel_loop3A_458 : vector<1x16xf32> to vector<16xf32>
        %parallel_loop3A_460 = arith.addf %parallel_loop3A_459, %get3A_118 : vector<16xf32>
        %parallel_loop3A_461 = arith.index_cast %parallel_loop3A_296 : i32 to index
        %parallel_loop3A_462 = arith.constant 240 : index
        %parallel_loop3A_463 = tpu.vector_load %arg9[%parallel_loop3A_461, %parallel_loop3A_462] {strides = array<i32>} : memref<64x512xf32, #tpu.memory_space<vmem>>, vector<1x16xf32>,
        %parallel_loop3A_464 = vector.shape_cast %parallel_loop3A_463 : vector<1x16xf32> to vector<16xf32>
        %parallel_loop3A_465 = vector.shape_cast %parallel_loop3A_460 : vector<16xf32> to vector<1x16xf32>
        tpu.vector_store %arg9[%parallel_loop3A_461, %parallel_loop3A_462], %parallel_loop3A_465 {strides = array<i32>} : memref<64x512xf32, #tpu.memory_space<vmem>>, vector<1x16xf32>,
        %parallel_loop3A_466 = arith.index_cast %parallel_loop3A_305 : i32 to index
        %parallel_loop3A_467 = arith.constant 256 : index
        %parallel_loop3A_468 = tpu.vector_load %arg6[%parallel_loop3A_466, %parallel_loop3A_467] {strides = array<i32>} : memref<64x512xf32, #tpu.memory_space<vmem>>, vector<1x16xf32>,
        %parallel_loop3A_469 = vector.shape_cast %parallel_loop3A_468 : vector<1x16xf32> to vector<16xf32>
        %parallel_loop3A_470 = arith.addf %parallel_loop3A_469, %get3A_122 : vector<16xf32>
        %parallel_loop3A_471 = arith.index_cast %parallel_loop3A_296 : i32 to index
        %parallel_loop3A_472 = arith.constant 256 : index
        %parallel_loop3A_473 = tpu.vector_load %arg9[%parallel_loop3A_471, %parallel_loop3A_472] {strides = array<i32>} : memref<64x512xf32, #tpu.memory_space<vmem>>, vector<1x16xf32>,
        %parallel_loop3A_474 = vector.shape_cast %parallel_loop3A_473 : vector<1x16xf32> to vector<16xf32>
        %parallel_loop3A_475 = vector.shape_cast %parallel_loop3A_470 : vector<16xf32> to vector<1x16xf32>
        tpu.vector_store %arg9[%parallel_loop3A_471, %parallel_loop3A_472], %parallel_loop3A_475 {strides = array<i32>} : memref<64x512xf32, #tpu.memory_space<vmem>>, vector<1x16xf32>,
        %parallel_loop3A_476 = arith.index_cast %parallel_loop3A_305 : i32 to index
        %parallel_loop3A_477 = arith.constant 272 : index
        %parallel_loop3A_478 = tpu.vector_load %arg6[%parallel_loop3A_476, %parallel_loop3A_477] {strides = array<i32>} : memref<64x512xf32, #tpu.memory_space<vmem>>, vector<1x16xf32>,
        %parallel_loop3A_479 = vector.shape_cast %parallel_loop3A_478 : vector<1x16xf32> to vector<16xf32>
        %parallel_loop3A_480 = arith.addf %parallel_loop3A_479, %get3A_126 : vector<16xf32>
        %parallel_loop3A_481 = arith.index_cast %parallel_loop3A_296 : i32 to index
        %parallel_loop3A_482 = arith.constant 272 : index
        %parallel_loop3A_483 = tpu.vector_load %arg9[%parallel_loop3A_481, %parallel_loop3A_482] {strides = array<i32>} : memref<64x512xf32, #tpu.memory_space<vmem>>, vector<1x16xf32>,
        %parallel_loop3A_484 = vector.shape_cast %parallel_loop3A_483 : vector<1x16xf32> to vector<16xf32>
        %parallel_loop3A_485 = vector.shape_cast %parallel_loop3A_480 : vector<16xf32> to vector<1x16xf32>
        tpu.vector_store %arg9[%parallel_loop3A_481, %parallel_loop3A_482], %parallel_loop3A_485 {strides = array<i32>} : memref<64x512xf32, #tpu.memory_space<vmem>>, vector<1x16xf32>,
        %parallel_loop3A_486 = arith.index_cast %parallel_loop3A_305 : i32 to index
        %parallel_loop3A_487 = arith.constant 288 : index
        %parallel_loop3A_488 = tpu.vector_load %arg6[%parallel_loop3A_486, %parallel_loop3A_487] {strides = array<i32>} : memref<64x512xf32, #tpu.memory_space<vmem>>, vector<1x16xf32>,
        %parallel_loop3A_489 = vector.shape_cast %parallel_loop3A_488 : vector<1x16xf32> to vector<16xf32>
        %parallel_loop3A_490 = arith.addf %parallel_loop3A_489, %get3A_130 : vector<16xf32>
        %parallel_loop3A_491 = arith.index_cast %parallel_loop3A_296 : i32 to index
        %parallel_loop3A_492 = arith.constant 288 : index
        %parallel_loop3A_493 = tpu.vector_load %arg9[%parallel_loop3A_491, %parallel_loop3A_492] {strides = array<i32>} : memref<64x512xf32, #tpu.memory_space<vmem>>, vector<1x16xf32>,
        %parallel_loop3A_494 = vector.shape_cast %parallel_loop3A_493 : vector<1x16xf32> to vector<16xf32>
        %parallel_loop3A_495 = vector.shape_cast %parallel_loop3A_490 : vector<16xf32> to vector<1x16xf32>
        tpu.vector_store %arg9[%parallel_loop3A_491, %parallel_loop3A_492], %parallel_loop3A_495 {strides = array<i32>} : memref<64x512xf32, #tpu.memory_space<vmem>>, vector<1x16xf32>,
        %parallel_loop3A_496 = arith.index_cast %parallel_loop3A_305 : i32 to index
        %parallel_loop3A_497 = arith.constant 304 : index
        %parallel_loop3A_498 = tpu.vector_load %arg6[%parallel_loop3A_496, %parallel_loop3A_497] {strides = array<i32>} : memref<64x512xf32, #tpu.memory_space<vmem>>, vector<1x16xf32>,
        %parallel_loop3A_499 = vector.shape_cast %parallel_loop3A_498 : vector<1x16xf32> to vector<16xf32>
        %parallel_loop3A_500 = arith.addf %parallel_loop3A_499, %get3A_134 : vector<16xf32>
        %parallel_loop3A_501 = arith.index_cast %parallel_loop3A_296 : i32 to index
        %parallel_loop3A_502 = arith.constant 304 : index
        %parallel_loop3A_503 = tpu.vector_load %arg9[%parallel_loop3A_501, %parallel_loop3A_502] {strides = array<i32>} : memref<64x512xf32, #tpu.memory_space<vmem>>, vector<1x16xf32>,
        %parallel_loop3A_504 = vector.shape_cast %parallel_loop3A_503 : vector<1x16xf32> to vector<16xf32>
        %parallel_loop3A_505 = vector.shape_cast %parallel_loop3A_500 : vector<16xf32> to vector<1x16xf32>
        tpu.vector_store %arg9[%parallel_loop3A_501, %parallel_loop3A_502], %parallel_loop3A_505 {strides = array<i32>} : memref<64x512xf32, #tpu.memory_space<vmem>>, vector<1x16xf32>,
        %parallel_loop3A_506 = arith.index_cast %parallel_loop3A_305 : i32 to index
        %parallel_loop3A_507 = arith.constant 320 : index
        %parallel_loop3A_508 = tpu.vector_load %arg6[%parallel_loop3A_506, %parallel_loop3A_507] {strides = array<i32>} : memref<64x512xf32, #tpu.memory_space<vmem>>, vector<1x16xf32>,
        %parallel_loop3A_509 = vector.shape_cast %parallel_loop3A_508 : vector<1x16xf32> to vector<16xf32>
        %parallel_loop3A_510 = arith.addf %parallel_loop3A_509, %get3A_138 : vector<16xf32>
        %parallel_loop3A_511 = arith.index_cast %parallel_loop3A_296 : i32 to index
        %parallel_loop3A_512 = arith.constant 320 : index
        %parallel_loop3A_513 = tpu.vector_load %arg9[%parallel_loop3A_511, %parallel_loop3A_512] {strides = array<i32>} : memref<64x512xf32, #tpu.memory_space<vmem>>, vector<1x16xf32>,
        %parallel_loop3A_514 = vector.shape_cast %parallel_loop3A_513 : vector<1x16xf32> to vector<16xf32>
        %parallel_loop3A_515 = vector.shape_cast %parallel_loop3A_510 : vector<16xf32> to vector<1x16xf32>
        tpu.vector_store %arg9[%parallel_loop3A_511, %parallel_loop3A_512], %parallel_loop3A_515 {strides = array<i32>} : memref<64x512xf32, #tpu.memory_space<vmem>>, vector<1x16xf32>,
        %parallel_loop3A_516 = arith.index_cast %parallel_loop3A_305 : i32 to index
        %parallel_loop3A_517 = arith.constant 336 : index
        %parallel_loop3A_518 = tpu.vector_load %arg6[%parallel_loop3A_516, %parallel_loop3A_517] {strides = array<i32>} : memref<64x512xf32, #tpu.memory_space<vmem>>, vector<1x16xf32>,
        %parallel_loop3A_519 = vector.shape_cast %parallel_loop3A_518 : vector<1x16xf32> to vector<16xf32>
        %parallel_loop3A_520 = arith.addf %parallel_loop3A_519, %get3A_142 : vector<16xf32>
        %parallel_loop3A_521 = arith.index_cast %parallel_loop3A_296 : i32 to index
        %parallel_loop3A_522 = arith.constant 336 : index
        %parallel_loop3A_523 = tpu.vector_load %arg9[%parallel_loop3A_521, %parallel_loop3A_522] {strides = array<i32>} : memref<64x512xf32, #tpu.memory_space<vmem>>, vector<1x16xf32>,
        %parallel_loop3A_524 = vector.shape_cast %parallel_loop3A_523 : vector<1x16xf32> to vector<16xf32>
        %parallel_loop3A_525 = vector.shape_cast %parallel_loop3A_520 : vector<16xf32> to vector<1x16xf32>
        tpu.vector_store %arg9[%parallel_loop3A_521, %parallel_loop3A_522], %parallel_loop3A_525 {strides = array<i32>} : memref<64x512xf32, #tpu.memory_space<vmem>>, vector<1x16xf32>,
        %parallel_loop3A_526 = arith.index_cast %parallel_loop3A_305 : i32 to index
        %parallel_loop3A_527 = arith.constant 352 : index
        %parallel_loop3A_528 = tpu.vector_load %arg6[%parallel_loop3A_526, %parallel_loop3A_527] {strides = array<i32>} : memref<64x512xf32, #tpu.memory_space<vmem>>, vector<1x16xf32>,
        %parallel_loop3A_529 = vector.shape_cast %parallel_loop3A_528 : vector<1x16xf32> to vector<16xf32>
        %parallel_loop3A_530 = arith.addf %parallel_loop3A_529, %get3A_146 : vector<16xf32>
        %parallel_loop3A_531 = arith.index_cast %parallel_loop3A_296 : i32 to index
        %parallel_loop3A_532 = arith.constant 352 : index
        %parallel_loop3A_533 = tpu.vector_load %arg9[%parallel_loop3A_531, %parallel_loop3A_532] {strides = array<i32>} : memref<64x512xf32, #tpu.memory_space<vmem>>, vector<1x16xf32>,
        %parallel_loop3A_534 = vector.shape_cast %parallel_loop3A_533 : vector<1x16xf32> to vector<16xf32>
        %parallel_loop3A_535 = vector.shape_cast %parallel_loop3A_530 : vector<16xf32> to vector<1x16xf32>
        tpu.vector_store %arg9[%parallel_loop3A_531, %parallel_loop3A_532], %parallel_loop3A_535 {strides = array<i32>} : memref<64x512xf32, #tpu.memory_space<vmem>>, vector<1x16xf32>,
        %parallel_loop3A_536 = arith.index_cast %parallel_loop3A_305 : i32 to index
        %parallel_loop3A_537 = arith.constant 368 : index
        %parallel_loop3A_538 = tpu.vector_load %arg6[%parallel_loop3A_536, %parallel_loop3A_537] {strides = array<i32>} : memref<64x512xf32, #tpu.memory_space<vmem>>, vector<1x16xf32>,
        %parallel_loop3A_539 = vector.shape_cast %parallel_loop3A_538 : vector<1x16xf32> to vector<16xf32>
        %parallel_loop3A_540 = arith.addf %parallel_loop3A_539, %get3A_150 : vector<16xf32>
        %parallel_loop3A_541 = arith.index_cast %parallel_loop3A_296 : i32 to index
        %parallel_loop3A_542 = arith.constant 368 : index
        %parallel_loop3A_543 = tpu.vector_load %arg9[%parallel_loop3A_541, %parallel_loop3A_542] {strides = array<i32>} : memref<64x512xf32, #tpu.memory_space<vmem>>, vector<1x16xf32>,
        %parallel_loop3A_544 = vector.shape_cast %parallel_loop3A_543 : vector<1x16xf32> to vector<16xf32>
        %parallel_loop3A_545 = vector.shape_cast %parallel_loop3A_540 : vector<16xf32> to vector<1x16xf32>
        tpu.vector_store %arg9[%parallel_loop3A_541, %parallel_loop3A_542], %parallel_loop3A_545 {strides = array<i32>} : memref<64x512xf32, #tpu.memory_space<vmem>>, vector<1x16xf32>,
        %parallel_loop3A_546 = arith.index_cast %parallel_loop3A_305 : i32 to index
        %parallel_loop3A_547 = arith.constant 384 : index
        %parallel_loop3A_548 = tpu.vector_load %arg6[%parallel_loop3A_546, %parallel_loop3A_547] {strides = array<i32>} : memref<64x512xf32, #tpu.memory_space<vmem>>, vector<1x16xf32>,
        %parallel_loop3A_549 = vector.shape_cast %parallel_loop3A_548 : vector<1x16xf32> to vector<16xf32>
        %parallel_loop3A_550 = arith.addf %parallel_loop3A_549, %get3A_154 : vector<16xf32>
        %parallel_loop3A_551 = arith.index_cast %parallel_loop3A_296 : i32 to index
        %parallel_loop3A_552 = arith.constant 384 : index
        %parallel_loop3A_553 = tpu.vector_load %arg9[%parallel_loop3A_551, %parallel_loop3A_552] {strides = array<i32>} : memref<64x512xf32, #tpu.memory_space<vmem>>, vector<1x16xf32>,
        %parallel_loop3A_554 = vector.shape_cast %parallel_loop3A_553 : vector<1x16xf32> to vector<16xf32>
        %parallel_loop3A_555 = vector.shape_cast %parallel_loop3A_550 : vector<16xf32> to vector<1x16xf32>
        tpu.vector_store %arg9[%parallel_loop3A_551, %parallel_loop3A_552], %parallel_loop3A_555 {strides = array<i32>} : memref<64x512xf32, #tpu.memory_space<vmem>>, vector<1x16xf32>,
        %parallel_loop3A_556 = arith.index_cast %parallel_loop3A_305 : i32 to index
        %parallel_loop3A_557 = arith.constant 400 : index
        %parallel_loop3A_558 = tpu.vector_load %arg6[%parallel_loop3A_556, %parallel_loop3A_557] {strides = array<i32>} : memref<64x512xf32, #tpu.memory_space<vmem>>, vector<1x16xf32>,
        %parallel_loop3A_559 = vector.shape_cast %parallel_loop3A_558 : vector<1x16xf32> to vector<16xf32>
        %parallel_loop3A_560 = arith.addf %parallel_loop3A_559, %get3A_158 : vector<16xf32>
        %parallel_loop3A_561 = arith.index_cast %parallel_loop3A_296 : i32 to index
        %parallel_loop3A_562 = arith.constant 400 : index
        %parallel_loop3A_563 = tpu.vector_load %arg9[%parallel_loop3A_561, %parallel_loop3A_562] {strides = array<i32>} : memref<64x512xf32, #tpu.memory_space<vmem>>, vector<1x16xf32>,
        %parallel_loop3A_564 = vector.shape_cast %parallel_loop3A_563 : vector<1x16xf32> to vector<16xf32>
        %parallel_loop3A_565 = vector.shape_cast %parallel_loop3A_560 : vector<16xf32> to vector<1x16xf32>
        tpu.vector_store %arg9[%parallel_loop3A_561, %parallel_loop3A_562], %parallel_loop3A_565 {strides = array<i32>} : memref<64x512xf32, #tpu.memory_space<vmem>>, vector<1x16xf32>,
        %parallel_loop3A_566 = arith.index_cast %parallel_loop3A_305 : i32 to index
        %parallel_loop3A_567 = arith.constant 416 : index
        %parallel_loop3A_568 = tpu.vector_load %arg6[%parallel_loop3A_566, %parallel_loop3A_567] {strides = array<i32>} : memref<64x512xf32, #tpu.memory_space<vmem>>, vector<1x16xf32>,
        %parallel_loop3A_569 = vector.shape_cast %parallel_loop3A_568 : vector<1x16xf32> to vector<16xf32>
        %parallel_loop3A_570 = arith.addf %parallel_loop3A_569, %get3A_162 : vector<16xf32>
        %parallel_loop3A_571 = arith.index_cast %parallel_loop3A_296 : i32 to index
        %parallel_loop3A_572 = arith.constant 416 : index
        %parallel_loop3A_573 = tpu.vector_load %arg9[%parallel_loop3A_571, %parallel_loop3A_572] {strides = array<i32>} : memref<64x512xf32, #tpu.memory_space<vmem>>, vector<1x16xf32>,
        %parallel_loop3A_574 = vector.shape_cast %parallel_loop3A_573 : vector<1x16xf32> to vector<16xf32>
        %parallel_loop3A_575 = vector.shape_cast %parallel_loop3A_570 : vector<16xf32> to vector<1x16xf32>
        tpu.vector_store %arg9[%parallel_loop3A_571, %parallel_loop3A_572], %parallel_loop3A_575 {strides = array<i32>} : memref<64x512xf32, #tpu.memory_space<vmem>>, vector<1x16xf32>,
        %parallel_loop3A_576 = arith.index_cast %parallel_loop3A_305 : i32 to index
        %parallel_loop3A_577 = arith.constant 432 : index
        %parallel_loop3A_578 = tpu.vector_load %arg6[%parallel_loop3A_576, %parallel_loop3A_577] {strides = array<i32>} : memref<64x512xf32, #tpu.memory_space<vmem>>, vector<1x16xf32>,
        %parallel_loop3A_579 = vector.shape_cast %parallel_loop3A_578 : vector<1x16xf32> to vector<16xf32>
        %parallel_loop3A_580 = arith.addf %parallel_loop3A_579, %get3A_166 : vector<16xf32>
        %parallel_loop3A_581 = arith.index_cast %parallel_loop3A_296 : i32 to index
        %parallel_loop3A_582 = arith.constant 432 : index
        %parallel_loop3A_583 = tpu.vector_load %arg9[%parallel_loop3A_581, %parallel_loop3A_582] {strides = array<i32>} : memref<64x512xf32, #tpu.memory_space<vmem>>, vector<1x16xf32>,
        %parallel_loop3A_584 = vector.shape_cast %parallel_loop3A_583 : vector<1x16xf32> to vector<16xf32>
        %parallel_loop3A_585 = vector.shape_cast %parallel_loop3A_580 : vector<16xf32> to vector<1x16xf32>
        tpu.vector_store %arg9[%parallel_loop3A_581, %parallel_loop3A_582], %parallel_loop3A_585 {strides = array<i32>} : memref<64x512xf32, #tpu.memory_space<vmem>>, vector<1x16xf32>,
        %parallel_loop3A_586 = arith.index_cast %parallel_loop3A_305 : i32 to index
        %parallel_loop3A_587 = arith.constant 448 : index
        %parallel_loop3A_588 = tpu.vector_load %arg6[%parallel_loop3A_586, %parallel_loop3A_587] {strides = array<i32>} : memref<64x512xf32, #tpu.memory_space<vmem>>, vector<1x16xf32>,
        %parallel_loop3A_589 = vector.shape_cast %parallel_loop3A_588 : vector<1x16xf32> to vector<16xf32>
        %parallel_loop3A_590 = arith.addf %parallel_loop3A_589, %get3A_170 : vector<16xf32>
        %parallel_loop3A_591 = arith.index_cast %parallel_loop3A_296 : i32 to index
        %parallel_loop3A_592 = arith.constant 448 : index
        %parallel_loop3A_593 = tpu.vector_load %arg9[%parallel_loop3A_591, %parallel_loop3A_592] {strides = array<i32>} : memref<64x512xf32, #tpu.memory_space<vmem>>, vector<1x16xf32>,
        %parallel_loop3A_594 = vector.shape_cast %parallel_loop3A_593 : vector<1x16xf32> to vector<16xf32>
        %parallel_loop3A_595 = vector.shape_cast %parallel_loop3A_590 : vector<16xf32> to vector<1x16xf32>
        tpu.vector_store %arg9[%parallel_loop3A_591, %parallel_loop3A_592], %parallel_loop3A_595 {strides = array<i32>} : memref<64x512xf32, #tpu.memory_space<vmem>>, vector<1x16xf32>,
        %parallel_loop3A_596 = arith.index_cast %parallel_loop3A_305 : i32 to index
        %parallel_loop3A_597 = arith.constant 464 : index
        %parallel_loop3A_598 = tpu.vector_load %arg6[%parallel_loop3A_596, %parallel_loop3A_597] {strides = array<i32>} : memref<64x512xf32, #tpu.memory_space<vmem>>, vector<1x16xf32>,
        %parallel_loop3A_599 = vector.shape_cast %parallel_loop3A_598 : vector<1x16xf32> to vector<16xf32>
        %parallel_loop3A_600 = arith.addf %parallel_loop3A_599, %get3A_174 : vector<16xf32>
        %parallel_loop3A_601 = arith.index_cast %parallel_loop3A_296 : i32 to index
        %parallel_loop3A_602 = arith.constant 464 : index
        %parallel_loop3A_603 = tpu.vector_load %arg9[%parallel_loop3A_601, %parallel_loop3A_602] {strides = array<i32>} : memref<64x512xf32, #tpu.memory_space<vmem>>, vector<1x16xf32>,
        %parallel_loop3A_604 = vector.shape_cast %parallel_loop3A_603 : vector<1x16xf32> to vector<16xf32>
        %parallel_loop3A_605 = vector.shape_cast %parallel_loop3A_600 : vector<16xf32> to vector<1x16xf32>
        tpu.vector_store %arg9[%parallel_loop3A_601, %parallel_loop3A_602], %parallel_loop3A_605 {strides = array<i32>} : memref<64x512xf32, #tpu.memory_space<vmem>>, vector<1x16xf32>,
        %parallel_loop3A_606 = arith.index_cast %parallel_loop3A_305 : i32 to index
        %parallel_loop3A_607 = arith.constant 480 : index
        %parallel_loop3A_608 = tpu.vector_load %arg6[%parallel_loop3A_606, %parallel_loop3A_607] {strides = array<i32>} : memref<64x512xf32, #tpu.memory_space<vmem>>, vector<1x16xf32>,
        %parallel_loop3A_609 = vector.shape_cast %parallel_loop3A_608 : vector<1x16xf32> to vector<16xf32>
        %parallel_loop3A_610 = arith.addf %parallel_loop3A_609, %get3A_178 : vector<16xf32>
        %parallel_loop3A_611 = arith.index_cast %parallel_loop3A_296 : i32 to index
        %parallel_loop3A_612 = arith.constant 480 : index
        %parallel_loop3A_613 = tpu.vector_load %arg9[%parallel_loop3A_611, %parallel_loop3A_612] {strides = array<i32>} : memref<64x512xf32, #tpu.memory_space<vmem>>, vector<1x16xf32>,
        %parallel_loop3A_614 = vector.shape_cast %parallel_loop3A_613 : vector<1x16xf32> to vector<16xf32>
        %parallel_loop3A_615 = vector.shape_cast %parallel_loop3A_610 : vector<16xf32> to vector<1x16xf32>
        tpu.vector_store %arg9[%parallel_loop3A_611, %parallel_loop3A_612], %parallel_loop3A_615 {strides = array<i32>} : memref<64x512xf32, #tpu.memory_space<vmem>>, vector<1x16xf32>,
        %parallel_loop3A_616 = arith.index_cast %parallel_loop3A_305 : i32 to index
        %parallel_loop3A_617 = arith.constant 496 : index
        %parallel_loop3A_618 = tpu.vector_load %arg6[%parallel_loop3A_616, %parallel_loop3A_617] {strides = array<i32>} : memref<64x512xf32, #tpu.memory_space<vmem>>, vector<1x16xf32>,
        %parallel_loop3A_619 = vector.shape_cast %parallel_loop3A_618 : vector<1x16xf32> to vector<16xf32>
        %parallel_loop3A_620 = arith.addf %parallel_loop3A_619, %get3A_182 : vector<16xf32>
        %parallel_loop3A_621 = arith.index_cast %parallel_loop3A_296 : i32 to index
        %parallel_loop3A_622 = arith.constant 496 : index
        %parallel_loop3A_623 = tpu.vector_load %arg9[%parallel_loop3A_621, %parallel_loop3A_622] {strides = array<i32>} : memref<64x512xf32, #tpu.memory_space<vmem>>, vector<1x16xf32>,
        %parallel_loop3A_624 = vector.shape_cast %parallel_loop3A_623 : vector<1x16xf32> to vector<16xf32>
        %parallel_loop3A_625 = vector.shape_cast %parallel_loop3A_620 : vector<16xf32> to vector<1x16xf32>
        tpu.vector_store %arg9[%parallel_loop3A_621, %parallel_loop3A_622], %parallel_loop3A_625 {strides = array<i32>} : memref<64x512xf32, #tpu.memory_space<vmem>>, vector<1x16xf32>,
      } {sc.loop_unroll_factor = 1 : i64, sc.parallel_access}
      %add3A_187 = arith.constant 0 : i32
      %add3A_188 = vector.broadcast %add3A_187 : i32 to vector<16xi32>
      %add3A_189 = arith.addi %iota3A, %add3A_188 : vector<16xi32>
      %mul3A_190 = arith.constant 512 : i32
      %mul3A_191 = vector.broadcast %mul3A_190 : i32 to vector<16xi32>
      %mul3A_192 = arith.muli %add3A_189, %mul3A_191 : vector<16xi32>
      %add3A_193 = vector.broadcast %add3A_55 : i32 to vector<16xi32>
      %add3A_194 = arith.addi %mul3A_192, %add3A_193 : vector<16xi32>
      %swap3A = arith.constant 0 : index
      %swap3A_195 = tpu.vector_load %arg11[%swap3A] {strides = array<i32>} : memref<64xi32, #tpu.memory_space<vmem>>, vector<16xi32>,
      %swap3A_196 = vector.shape_cast %swap3A_195 : vector<16xi32> to vector<16xi32>
      %swap3A_197 = vector.shape_cast %add3A_194 : vector<16xi32> to vector<16xi32>
      tpu.vector_store %arg11[%swap3A], %swap3A_197 {strides = array<i32>} : memref<64xi32, #tpu.memory_space<vmem>>, vector<16xi32>,
      %add3A_198 = arith.constant 16 : i32
      %add3A_199 = vector.broadcast %add3A_198 : i32 to vector<16xi32>
      %add3A_200 = arith.addi %iota3A, %add3A_199 : vector<16xi32>
      %mul3A_201 = arith.constant 512 : i32
      %mul3A_202 = vector.broadcast %mul3A_201 : i32 to vector<16xi32>
      %mul3A_203 = arith.muli %add3A_200, %mul3A_202 : vector<16xi32>
      %add3A_204 = vector.broadcast %add3A_55 : i32 to vector<16xi32>
      %add3A_205 = arith.addi %mul3A_203, %add3A_204 : vector<16xi32>
      %swap3A_206 = arith.constant 16 : index
      %swap3A_207 = tpu.vector_load %arg11[%swap3A_206] {strides = array<i32>} : memref<64xi32, #tpu.memory_space<vmem>>, vector<16xi32>,
      %swap3A_208 = vector.shape_cast %swap3A_207 : vector<16xi32> to vector<16xi32>
      %swap3A_209 = vector.shape_cast %add3A_205 : vector<16xi32> to vector<16xi32>
      tpu.vector_store %arg11[%swap3A_206], %swap3A_209 {strides = array<i32>} : memref<64xi32, #tpu.memory_space<vmem>>, vector<16xi32>,
      %add3A_210 = arith.constant 32 : i32
      %add3A_211 = vector.broadcast %add3A_210 : i32 to vector<16xi32>
      %add3A_212 = arith.addi %iota3A, %add3A_211 : vector<16xi32>
      %mul3A_213 = arith.constant 512 : i32
      %mul3A_214 = vector.broadcast %mul3A_213 : i32 to vector<16xi32>
      %mul3A_215 = arith.muli %add3A_212, %mul3A_214 : vector<16xi32>
      %add3A_216 = vector.broadcast %add3A_55 : i32 to vector<16xi32>
      %add3A_217 = arith.addi %mul3A_215, %add3A_216 : vector<16xi32>
      %swap3A_218 = arith.constant 32 : index
      %swap3A_219 = tpu.vector_load %arg11[%swap3A_218] {strides = array<i32>} : memref<64xi32, #tpu.memory_space<vmem>>, vector<16xi32>,
      %swap3A_220 = vector.shape_cast %swap3A_219 : vector<16xi32> to vector<16xi32>
      %swap3A_221 = vector.shape_cast %add3A_217 : vector<16xi32> to vector<16xi32>
      tpu.vector_store %arg11[%swap3A_218], %swap3A_221 {strides = array<i32>} : memref<64xi32, #tpu.memory_space<vmem>>, vector<16xi32>,
      %add3A_222 = arith.constant 48 : i32
      %add3A_223 = vector.broadcast %add3A_222 : i32 to vector<16xi32>
      %add3A_224 = arith.addi %iota3A, %add3A_223 : vector<16xi32>
      %mul3A_225 = arith.constant 512 : i32
      %mul3A_226 = vector.broadcast %mul3A_225 : i32 to vector<16xi32>
      %mul3A_227 = arith.muli %add3A_224, %mul3A_226 : vector<16xi32>
      %add3A_228 = vector.broadcast %add3A_55 : i32 to vector<16xi32>
      %add3A_229 = arith.addi %mul3A_227, %add3A_228 : vector<16xi32>
      %swap3A_230 = arith.constant 48 : index
      %swap3A_231 = tpu.vector_load %arg11[%swap3A_230] {strides = array<i32>} : memref<64xi32, #tpu.memory_space<vmem>>, vector<16xi32>,
      %swap3A_232 = vector.shape_cast %swap3A_231 : vector<16xi32> to vector<16xi32>
      %swap3A_233 = vector.shape_cast %add3A_229 : vector<16xi32> to vector<16xi32>
      tpu.vector_store %arg11[%swap3A_230], %swap3A_233 {strides = array<i32>} : memref<64xi32, #tpu.memory_space<vmem>>, vector<16xi32>,
      %dma_start3A = arith.constant 0 : i32
      %dma_start3A_234 = arith.constant 0 : i32
      %dma_start3A_235 = tpu.memref_slice %arg5[%dma_start3A, %dma_start3A_234] : memref<65536x512xf32, #tpu.memory_space<hbm>> -> memref<65536x512xf32, #tpu.memory_space<hbm>>
      tpu.enqueue_indirect_dma source(%arg9 : memref<64x512xf32, #tpu.memory_space<vmem>>) target(%dma_start3A_235 : memref<65536x512xf32, #tpu.memory_space<hbm>>) offsets(%arg11 : memref<64xi32, #tpu.memory_space<vmem>>) semaphore(%arg13 : memref<!tpu.dma_semaphore, #tpu.memory_space<semaphore_mem>>)
      %gt3A_236 = arith.constant 0 : i32
      %gt3A_237 = arith.cmpi sgt, %scan3A_53, %gt3A_236 : i32
      %convert_element_type3A_238 = arith.extui %gt3A_237 : i1 to i32
      %cond3A_239 = arith.constant 0 : i32
      %cond3A_240 = arith.cmpi ne, %convert_element_type3A_238, %cond3A_239 : i32
      scf.if %cond3A_240 {
        %dma_wait3A_296 = arith.constant 0 : i32
        %dma_wait3A_297 = arith.constant 0 : i32
        %dma_wait3A_298 = tpu.memref_slice %arg5[%dma_wait3A_296, %dma_wait3A_297] : memref<65536x512xf32, #tpu.memory_space<hbm>> -> memref<65536x512xf32, #tpu.memory_space<hbm>>
        tpu.wait_indirect_dma semaphore(%arg14 : memref<!tpu.dma_semaphore, #tpu.memory_space<semaphore_mem>>) src(%arg10 : memref<64x512xf32, #tpu.memory_space<vmem>>) dst(%dma_wait3A_298 : memref<65536x512xf32, #tpu.memory_space<hbm>>)
      } else {
      }
      %parallel_loop3A_241 = arith.constant 0 : i32
      %parallel_loop3A_242 = arith.constant 64 : i32
      %parallel_loop3A_243 = arith.constant 1 : i32
      scf.for %parallel_loop3A_296 = %parallel_loop3A_241 to %parallel_loop3A_242 step %parallel_loop3A_243  : i32 {
        %parallel_loop3A_297 = arith.constant 64 : i32
        %parallel_loop3A_298 = arith.addi %parallel_loop3A_297, %parallel_loop3A_296 : i32
        %parallel_loop3A_299 = arith.addi %select_n3A_40, %scan3A_53 : i32
        %parallel_loop3A_300 = arith.index_cast %parallel_loop3A_298 : i32 to index
        %parallel_loop3A_301 = arith.index_cast %parallel_loop3A_299 : i32 to index
        %parallel_loop3A_302 = tpu.vector_load %arg8[%parallel_loop3A_300, %parallel_loop3A_301] {strides = array<i32>} : memref<129x128xi32, #tpu.memory_space<vmem>>, vector<1x16xi32>,
        %parallel_loop3A_303 = vector.shape_cast %parallel_loop3A_302 : vector<1x16xi32> to vector<16xi32>
        %parallel_loop3A_304 = vector.extract_strided_slice %parallel_loop3A_303 {offsets = [0], sizes = [1], strides = [1]} : vector<16xi32> to vector<1xi32>
        %parallel_loop3A_305 = vector.extract %parallel_loop3A_304[0] : i32 from vector<1xi32>
        %parallel_loop3A_306 = arith.index_cast %parallel_loop3A_305 : i32 to index
        %parallel_loop3A_307 = arith.constant 0 : index
        %parallel_loop3A_308 = tpu.vector_load %arg6[%parallel_loop3A_306, %parallel_loop3A_307] {strides = array<i32>} : memref<64x512xf32, #tpu.memory_space<vmem>>, vector<1x16xf32>,
        %parallel_loop3A_309 = vector.shape_cast %parallel_loop3A_308 : vector<1x16xf32> to vector<16xf32>
        %parallel_loop3A_310 = arith.addf %parallel_loop3A_309, %get3A_58 : vector<16xf32>
        %parallel_loop3A_311 = arith.index_cast %parallel_loop3A_296 : i32 to index
        %parallel_loop3A_312 = arith.constant 0 : index
        %parallel_loop3A_313 = tpu.vector_load %arg10[%parallel_loop3A_311, %parallel_loop3A_312] {strides = array<i32>} : memref<64x512xf32, #tpu.memory_space<vmem>>, vector<1x16xf32>,
        %parallel_loop3A_314 = vector.shape_cast %parallel_loop3A_313 : vector<1x16xf32> to vector<16xf32>
        %parallel_loop3A_315 = vector.shape_cast %parallel_loop3A_310 : vector<16xf32> to vector<1x16xf32>
        tpu.vector_store %arg10[%parallel_loop3A_311, %parallel_loop3A_312], %parallel_loop3A_315 {strides = array<i32>} : memref<64x512xf32, #tpu.memory_space<vmem>>, vector<1x16xf32>,
        %parallel_loop3A_316 = arith.index_cast %parallel_loop3A_305 : i32 to index
        %parallel_loop3A_317 = arith.constant 16 : index
        %parallel_loop3A_318 = tpu.vector_load %arg6[%parallel_loop3A_316, %parallel_loop3A_317] {strides = array<i32>} : memref<64x512xf32, #tpu.memory_space<vmem>>, vector<1x16xf32>,
        %parallel_loop3A_319 = vector.shape_cast %parallel_loop3A_318 : vector<1x16xf32> to vector<16xf32>
        %parallel_loop3A_320 = arith.addf %parallel_loop3A_319, %get3A_62 : vector<16xf32>
        %parallel_loop3A_321 = arith.index_cast %parallel_loop3A_296 : i32 to index
        %parallel_loop3A_322 = arith.constant 16 : index
        %parallel_loop3A_323 = tpu.vector_load %arg10[%parallel_loop3A_321, %parallel_loop3A_322] {strides = array<i32>} : memref<64x512xf32, #tpu.memory_space<vmem>>, vector<1x16xf32>,
        %parallel_loop3A_324 = vector.shape_cast %parallel_loop3A_323 : vector<1x16xf32> to vector<16xf32>
        %parallel_loop3A_325 = vector.shape_cast %parallel_loop3A_320 : vector<16xf32> to vector<1x16xf32>
        tpu.vector_store %arg10[%parallel_loop3A_321, %parallel_loop3A_322], %parallel_loop3A_325 {strides = array<i32>} : memref<64x512xf32, #tpu.memory_space<vmem>>, vector<1x16xf32>,
        %parallel_loop3A_326 = arith.index_cast %parallel_loop3A_305 : i32 to index
        %parallel_loop3A_327 = arith.constant 32 : index
        %parallel_loop3A_328 = tpu.vector_load %arg6[%parallel_loop3A_326, %parallel_loop3A_327] {strides = array<i32>} : memref<64x512xf32, #tpu.memory_space<vmem>>, vector<1x16xf32>,
        %parallel_loop3A_329 = vector.shape_cast %parallel_loop3A_328 : vector<1x16xf32> to vector<16xf32>
        %parallel_loop3A_330 = arith.addf %parallel_loop3A_329, %get3A_66 : vector<16xf32>
        %parallel_loop3A_331 = arith.index_cast %parallel_loop3A_296 : i32 to index
        %parallel_loop3A_332 = arith.constant 32 : index
        %parallel_loop3A_333 = tpu.vector_load %arg10[%parallel_loop3A_331, %parallel_loop3A_332] {strides = array<i32>} : memref<64x512xf32, #tpu.memory_space<vmem>>, vector<1x16xf32>,
        %parallel_loop3A_334 = vector.shape_cast %parallel_loop3A_333 : vector<1x16xf32> to vector<16xf32>
        %parallel_loop3A_335 = vector.shape_cast %parallel_loop3A_330 : vector<16xf32> to vector<1x16xf32>
        tpu.vector_store %arg10[%parallel_loop3A_331, %parallel_loop3A_332], %parallel_loop3A_335 {strides = array<i32>} : memref<64x512xf32, #tpu.memory_space<vmem>>, vector<1x16xf32>,
        %parallel_loop3A_336 = arith.index_cast %parallel_loop3A_305 : i32 to index
        %parallel_loop3A_337 = arith.constant 48 : index
        %parallel_loop3A_338 = tpu.vector_load %arg6[%parallel_loop3A_336, %parallel_loop3A_337] {strides = array<i32>} : memref<64x512xf32, #tpu.memory_space<vmem>>, vector<1x16xf32>,
        %parallel_loop3A_339 = vector.shape_cast %parallel_loop3A_338 : vector<1x16xf32> to vector<16xf32>
        %parallel_loop3A_340 = arith.addf %parallel_loop3A_339, %get3A_70 : vector<16xf32>
        %parallel_loop3A_341 = arith.index_cast %parallel_loop3A_296 : i32 to index
        %parallel_loop3A_342 = arith.constant 48 : index
        %parallel_loop3A_343 = tpu.vector_load %arg10[%parallel_loop3A_341, %parallel_loop3A_342] {strides = array<i32>} : memref<64x512xf32, #tpu.memory_space<vmem>>, vector<1x16xf32>,
        %parallel_loop3A_344 = vector.shape_cast %parallel_loop3A_343 : vector<1x16xf32> to vector<16xf32>
        %parallel_loop3A_345 = vector.shape_cast %parallel_loop3A_340 : vector<16xf32> to vector<1x16xf32>
        tpu.vector_store %arg10[%parallel_loop3A_341, %parallel_loop3A_342], %parallel_loop3A_345 {strides = array<i32>} : memref<64x512xf32, #tpu.memory_space<vmem>>, vector<1x16xf32>,
        %parallel_loop3A_346 = arith.index_cast %parallel_loop3A_305 : i32 to index
        %parallel_loop3A_347 = arith.constant 64 : index
        %parallel_loop3A_348 = tpu.vector_load %arg6[%parallel_loop3A_346, %parallel_loop3A_347] {strides = array<i32>} : memref<64x512xf32, #tpu.memory_space<vmem>>, vector<1x16xf32>,
        %parallel_loop3A_349 = vector.shape_cast %parallel_loop3A_348 : vector<1x16xf32> to vector<16xf32>
        %parallel_loop3A_350 = arith.addf %parallel_loop3A_349, %get3A_74 : vector<16xf32>
        %parallel_loop3A_351 = arith.index_cast %parallel_loop3A_296 : i32 to index
        %parallel_loop3A_352 = arith.constant 64 : index
        %parallel_loop3A_353 = tpu.vector_load %arg10[%parallel_loop3A_351, %parallel_loop3A_352] {strides = array<i32>} : memref<64x512xf32, #tpu.memory_space<vmem>>, vector<1x16xf32>,
        %parallel_loop3A_354 = vector.shape_cast %parallel_loop3A_353 : vector<1x16xf32> to vector<16xf32>
        %parallel_loop3A_355 = vector.shape_cast %parallel_loop3A_350 : vector<16xf32> to vector<1x16xf32>
        tpu.vector_store %arg10[%parallel_loop3A_351, %parallel_loop3A_352], %parallel_loop3A_355 {strides = array<i32>} : memref<64x512xf32, #tpu.memory_space<vmem>>, vector<1x16xf32>,
        %parallel_loop3A_356 = arith.index_cast %parallel_loop3A_305 : i32 to index
        %parallel_loop3A_357 = arith.constant 80 : index
        %parallel_loop3A_358 = tpu.vector_load %arg6[%parallel_loop3A_356, %parallel_loop3A_357] {strides = array<i32>} : memref<64x512xf32, #tpu.memory_space<vmem>>, vector<1x16xf32>,
        %parallel_loop3A_359 = vector.shape_cast %parallel_loop3A_358 : vector<1x16xf32> to vector<16xf32>
        %parallel_loop3A_360 = arith.addf %parallel_loop3A_359, %get3A_78 : vector<16xf32>
        %parallel_loop3A_361 = arith.index_cast %parallel_loop3A_296 : i32 to index
        %parallel_loop3A_362 = arith.constant 80 : index
        %parallel_loop3A_363 = tpu.vector_load %arg10[%parallel_loop3A_361, %parallel_loop3A_362] {strides = array<i32>} : memref<64x512xf32, #tpu.memory_space<vmem>>, vector<1x16xf32>,
        %parallel_loop3A_364 = vector.shape_cast %parallel_loop3A_363 : vector<1x16xf32> to vector<16xf32>
        %parallel_loop3A_365 = vector.shape_cast %parallel_loop3A_360 : vector<16xf32> to vector<1x16xf32>
        tpu.vector_store %arg10[%parallel_loop3A_361, %parallel_loop3A_362], %parallel_loop3A_365 {strides = array<i32>} : memref<64x512xf32, #tpu.memory_space<vmem>>, vector<1x16xf32>,
        %parallel_loop3A_366 = arith.index_cast %parallel_loop3A_305 : i32 to index
        %parallel_loop3A_367 = arith.constant 96 : index
        %parallel_loop3A_368 = tpu.vector_load %arg6[%parallel_loop3A_366, %parallel_loop3A_367] {strides = array<i32>} : memref<64x512xf32, #tpu.memory_space<vmem>>, vector<1x16xf32>,
        %parallel_loop3A_369 = vector.shape_cast %parallel_loop3A_368 : vector<1x16xf32> to vector<16xf32>
        %parallel_loop3A_370 = arith.addf %parallel_loop3A_369, %get3A_82 : vector<16xf32>
        %parallel_loop3A_371 = arith.index_cast %parallel_loop3A_296 : i32 to index
        %parallel_loop3A_372 = arith.constant 96 : index
        %parallel_loop3A_373 = tpu.vector_load %arg10[%parallel_loop3A_371, %parallel_loop3A_372] {strides = array<i32>} : memref<64x512xf32, #tpu.memory_space<vmem>>, vector<1x16xf32>,
        %parallel_loop3A_374 = vector.shape_cast %parallel_loop3A_373 : vector<1x16xf32> to vector<16xf32>
        %parallel_loop3A_375 = vector.shape_cast %parallel_loop3A_370 : vector<16xf32> to vector<1x16xf32>
        tpu.vector_store %arg10[%parallel_loop3A_371, %parallel_loop3A_372], %parallel_loop3A_375 {strides = array<i32>} : memref<64x512xf32, #tpu.memory_space<vmem>>, vector<1x16xf32>,
        %parallel_loop3A_376 = arith.index_cast %parallel_loop3A_305 : i32 to index
        %parallel_loop3A_377 = arith.constant 112 : index
        %parallel_loop3A_378 = tpu.vector_load %arg6[%parallel_loop3A_376, %parallel_loop3A_377] {strides = array<i32>} : memref<64x512xf32, #tpu.memory_space<vmem>>, vector<1x16xf32>,
        %parallel_loop3A_379 = vector.shape_cast %parallel_loop3A_378 : vector<1x16xf32> to vector<16xf32>
        %parallel_loop3A_380 = arith.addf %parallel_loop3A_379, %get3A_86 : vector<16xf32>
        %parallel_loop3A_381 = arith.index_cast %parallel_loop3A_296 : i32 to index
        %parallel_loop3A_382 = arith.constant 112 : index
        %parallel_loop3A_383 = tpu.vector_load %arg10[%parallel_loop3A_381, %parallel_loop3A_382] {strides = array<i32>} : memref<64x512xf32, #tpu.memory_space<vmem>>, vector<1x16xf32>,
        %parallel_loop3A_384 = vector.shape_cast %parallel_loop3A_383 : vector<1x16xf32> to vector<16xf32>
        %parallel_loop3A_385 = vector.shape_cast %parallel_loop3A_380 : vector<16xf32> to vector<1x16xf32>
        tpu.vector_store %arg10[%parallel_loop3A_381, %parallel_loop3A_382], %parallel_loop3A_385 {strides = array<i32>} : memref<64x512xf32, #tpu.memory_space<vmem>>, vector<1x16xf32>,
        %parallel_loop3A_386 = arith.index_cast %parallel_loop3A_305 : i32 to index
        %parallel_loop3A_387 = arith.constant 128 : index
        %parallel_loop3A_388 = tpu.vector_load %arg6[%parallel_loop3A_386, %parallel_loop3A_387] {strides = array<i32>} : memref<64x512xf32, #tpu.memory_space<vmem>>, vector<1x16xf32>,
        %parallel_loop3A_389 = vector.shape_cast %parallel_loop3A_388 : vector<1x16xf32> to vector<16xf32>
        %parallel_loop3A_390 = arith.addf %parallel_loop3A_389, %get3A_90 : vector<16xf32>
        %parallel_loop3A_391 = arith.index_cast %parallel_loop3A_296 : i32 to index
        %parallel_loop3A_392 = arith.constant 128 : index
        %parallel_loop3A_393 = tpu.vector_load %arg10[%parallel_loop3A_391, %parallel_loop3A_392] {strides = array<i32>} : memref<64x512xf32, #tpu.memory_space<vmem>>, vector<1x16xf32>,
        %parallel_loop3A_394 = vector.shape_cast %parallel_loop3A_393 : vector<1x16xf32> to vector<16xf32>
        %parallel_loop3A_395 = vector.shape_cast %parallel_loop3A_390 : vector<16xf32> to vector<1x16xf32>
        tpu.vector_store %arg10[%parallel_loop3A_391, %parallel_loop3A_392], %parallel_loop3A_395 {strides = array<i32>} : memref<64x512xf32, #tpu.memory_space<vmem>>, vector<1x16xf32>,
        %parallel_loop3A_396 = arith.index_cast %parallel_loop3A_305 : i32 to index
        %parallel_loop3A_397 = arith.constant 144 : index
        %parallel_loop3A_398 = tpu.vector_load %arg6[%parallel_loop3A_396, %parallel_loop3A_397] {strides = array<i32>} : memref<64x512xf32, #tpu.memory_space<vmem>>, vector<1x16xf32>,
        %parallel_loop3A_399 = vector.shape_cast %parallel_loop3A_398 : vector<1x16xf32> to vector<16xf32>
        %parallel_loop3A_400 = arith.addf %parallel_loop3A_399, %get3A_94 : vector<16xf32>
        %parallel_loop3A_401 = arith.index_cast %parallel_loop3A_296 : i32 to index
        %parallel_loop3A_402 = arith.constant 144 : index
        %parallel_loop3A_403 = tpu.vector_load %arg10[%parallel_loop3A_401, %parallel_loop3A_402] {strides = array<i32>} : memref<64x512xf32, #tpu.memory_space<vmem>>, vector<1x16xf32>,
        %parallel_loop3A_404 = vector.shape_cast %parallel_loop3A_403 : vector<1x16xf32> to vector<16xf32>
        %parallel_loop3A_405 = vector.shape_cast %parallel_loop3A_400 : vector<16xf32> to vector<1x16xf32>
        tpu.vector_store %arg10[%parallel_loop3A_401, %parallel_loop3A_402], %parallel_loop3A_405 {strides = array<i32>} : memref<64x512xf32, #tpu.memory_space<vmem>>, vector<1x16xf32>,
        %parallel_loop3A_406 = arith.index_cast %parallel_loop3A_305 : i32 to index
        %parallel_loop3A_407 = arith.constant 160 : index
        %parallel_loop3A_408 = tpu.vector_load %arg6[%parallel_loop3A_406, %parallel_loop3A_407] {strides = array<i32>} : memref<64x512xf32, #tpu.memory_space<vmem>>, vector<1x16xf32>,
        %parallel_loop3A_409 = vector.shape_cast %parallel_loop3A_408 : vector<1x16xf32> to vector<16xf32>
        %parallel_loop3A_410 = arith.addf %parallel_loop3A_409, %get3A_98 : vector<16xf32>
        %parallel_loop3A_411 = arith.index_cast %parallel_loop3A_296 : i32 to index
        %parallel_loop3A_412 = arith.constant 160 : index
        %parallel_loop3A_413 = tpu.vector_load %arg10[%parallel_loop3A_411, %parallel_loop3A_412] {strides = array<i32>} : memref<64x512xf32, #tpu.memory_space<vmem>>, vector<1x16xf32>,
        %parallel_loop3A_414 = vector.shape_cast %parallel_loop3A_413 : vector<1x16xf32> to vector<16xf32>
        %parallel_loop3A_415 = vector.shape_cast %parallel_loop3A_410 : vector<16xf32> to vector<1x16xf32>
        tpu.vector_store %arg10[%parallel_loop3A_411, %parallel_loop3A_412], %parallel_loop3A_415 {strides = array<i32>} : memref<64x512xf32, #tpu.memory_space<vmem>>, vector<1x16xf32>,
        %parallel_loop3A_416 = arith.index_cast %parallel_loop3A_305 : i32 to index
        %parallel_loop3A_417 = arith.constant 176 : index
        %parallel_loop3A_418 = tpu.vector_load %arg6[%parallel_loop3A_416, %parallel_loop3A_417] {strides = array<i32>} : memref<64x512xf32, #tpu.memory_space<vmem>>, vector<1x16xf32>,
        %parallel_loop3A_419 = vector.shape_cast %parallel_loop3A_418 : vector<1x16xf32> to vector<16xf32>
        %parallel_loop3A_420 = arith.addf %parallel_loop3A_419, %get3A_102 : vector<16xf32>
        %parallel_loop3A_421 = arith.index_cast %parallel_loop3A_296 : i32 to index
        %parallel_loop3A_422 = arith.constant 176 : index
        %parallel_loop3A_423 = tpu.vector_load %arg10[%parallel_loop3A_421, %parallel_loop3A_422] {strides = array<i32>} : memref<64x512xf32, #tpu.memory_space<vmem>>, vector<1x16xf32>,
        %parallel_loop3A_424 = vector.shape_cast %parallel_loop3A_423 : vector<1x16xf32> to vector<16xf32>
        %parallel_loop3A_425 = vector.shape_cast %parallel_loop3A_420 : vector<16xf32> to vector<1x16xf32>
        tpu.vector_store %arg10[%parallel_loop3A_421, %parallel_loop3A_422], %parallel_loop3A_425 {strides = array<i32>} : memref<64x512xf32, #tpu.memory_space<vmem>>, vector<1x16xf32>,
        %parallel_loop3A_426 = arith.index_cast %parallel_loop3A_305 : i32 to index
        %parallel_loop3A_427 = arith.constant 192 : index
        %parallel_loop3A_428 = tpu.vector_load %arg6[%parallel_loop3A_426, %parallel_loop3A_427] {strides = array<i32>} : memref<64x512xf32, #tpu.memory_space<vmem>>, vector<1x16xf32>,
        %parallel_loop3A_429 = vector.shape_cast %parallel_loop3A_428 : vector<1x16xf32> to vector<16xf32>
        %parallel_loop3A_430 = arith.addf %parallel_loop3A_429, %get3A_106 : vector<16xf32>
        %parallel_loop3A_431 = arith.index_cast %parallel_loop3A_296 : i32 to index
        %parallel_loop3A_432 = arith.constant 192 : index
        %parallel_loop3A_433 = tpu.vector_load %arg10[%parallel_loop3A_431, %parallel_loop3A_432] {strides = array<i32>} : memref<64x512xf32, #tpu.memory_space<vmem>>, vector<1x16xf32>,
        %parallel_loop3A_434 = vector.shape_cast %parallel_loop3A_433 : vector<1x16xf32> to vector<16xf32>
        %parallel_loop3A_435 = vector.shape_cast %parallel_loop3A_430 : vector<16xf32> to vector<1x16xf32>
        tpu.vector_store %arg10[%parallel_loop3A_431, %parallel_loop3A_432], %parallel_loop3A_435 {strides = array<i32>} : memref<64x512xf32, #tpu.memory_space<vmem>>, vector<1x16xf32>,
        %parallel_loop3A_436 = arith.index_cast %parallel_loop3A_305 : i32 to index
        %parallel_loop3A_437 = arith.constant 208 : index
        %parallel_loop3A_438 = tpu.vector_load %arg6[%parallel_loop3A_436, %parallel_loop3A_437] {strides = array<i32>} : memref<64x512xf32, #tpu.memory_space<vmem>>, vector<1x16xf32>,
        %parallel_loop3A_439 = vector.shape_cast %parallel_loop3A_438 : vector<1x16xf32> to vector<16xf32>
        %parallel_loop3A_440 = arith.addf %parallel_loop3A_439, %get3A_110 : vector<16xf32>
        %parallel_loop3A_441 = arith.index_cast %parallel_loop3A_296 : i32 to index
        %parallel_loop3A_442 = arith.constant 208 : index
        %parallel_loop3A_443 = tpu.vector_load %arg10[%parallel_loop3A_441, %parallel_loop3A_442] {strides = array<i32>} : memref<64x512xf32, #tpu.memory_space<vmem>>, vector<1x16xf32>,
        %parallel_loop3A_444 = vector.shape_cast %parallel_loop3A_443 : vector<1x16xf32> to vector<16xf32>
        %parallel_loop3A_445 = vector.shape_cast %parallel_loop3A_440 : vector<16xf32> to vector<1x16xf32>
        tpu.vector_store %arg10[%parallel_loop3A_441, %parallel_loop3A_442], %parallel_loop3A_445 {strides = array<i32>} : memref<64x512xf32, #tpu.memory_space<vmem>>, vector<1x16xf32>,
        %parallel_loop3A_446 = arith.index_cast %parallel_loop3A_305 : i32 to index
        %parallel_loop3A_447 = arith.constant 224 : index
        %parallel_loop3A_448 = tpu.vector_load %arg6[%parallel_loop3A_446, %parallel_loop3A_447] {strides = array<i32>} : memref<64x512xf32, #tpu.memory_space<vmem>>, vector<1x16xf32>,
        %parallel_loop3A_449 = vector.shape_cast %parallel_loop3A_448 : vector<1x16xf32> to vector<16xf32>
        %parallel_loop3A_450 = arith.addf %parallel_loop3A_449, %get3A_114 : vector<16xf32>
        %parallel_loop3A_451 = arith.index_cast %parallel_loop3A_296 : i32 to index
        %parallel_loop3A_452 = arith.constant 224 : index
        %parallel_loop3A_453 = tpu.vector_load %arg10[%parallel_loop3A_451, %parallel_loop3A_452] {strides = array<i32>} : memref<64x512xf32, #tpu.memory_space<vmem>>, vector<1x16xf32>,
        %parallel_loop3A_454 = vector.shape_cast %parallel_loop3A_453 : vector<1x16xf32> to vector<16xf32>
        %parallel_loop3A_455 = vector.shape_cast %parallel_loop3A_450 : vector<16xf32> to vector<1x16xf32>
        tpu.vector_store %arg10[%parallel_loop3A_451, %parallel_loop3A_452], %parallel_loop3A_455 {strides = array<i32>} : memref<64x512xf32, #tpu.memory_space<vmem>>, vector<1x16xf32>,
        %parallel_loop3A_456 = arith.index_cast %parallel_loop3A_305 : i32 to index
        %parallel_loop3A_457 = arith.constant 240 : index
        %parallel_loop3A_458 = tpu.vector_load %arg6[%parallel_loop3A_456, %parallel_loop3A_457] {strides = array<i32>} : memref<64x512xf32, #tpu.memory_space<vmem>>, vector<1x16xf32>,
        %parallel_loop3A_459 = vector.shape_cast %parallel_loop3A_458 : vector<1x16xf32> to vector<16xf32>
        %parallel_loop3A_460 = arith.addf %parallel_loop3A_459, %get3A_118 : vector<16xf32>
        %parallel_loop3A_461 = arith.index_cast %parallel_loop3A_296 : i32 to index
        %parallel_loop3A_462 = arith.constant 240 : index
        %parallel_loop3A_463 = tpu.vector_load %arg10[%parallel_loop3A_461, %parallel_loop3A_462] {strides = array<i32>} : memref<64x512xf32, #tpu.memory_space<vmem>>, vector<1x16xf32>,
        %parallel_loop3A_464 = vector.shape_cast %parallel_loop3A_463 : vector<1x16xf32> to vector<16xf32>
        %parallel_loop3A_465 = vector.shape_cast %parallel_loop3A_460 : vector<16xf32> to vector<1x16xf32>
        tpu.vector_store %arg10[%parallel_loop3A_461, %parallel_loop3A_462], %parallel_loop3A_465 {strides = array<i32>} : memref<64x512xf32, #tpu.memory_space<vmem>>, vector<1x16xf32>,
        %parallel_loop3A_466 = arith.index_cast %parallel_loop3A_305 : i32 to index
        %parallel_loop3A_467 = arith.constant 256 : index
        %parallel_loop3A_468 = tpu.vector_load %arg6[%parallel_loop3A_466, %parallel_loop3A_467] {strides = array<i32>} : memref<64x512xf32, #tpu.memory_space<vmem>>, vector<1x16xf32>,
        %parallel_loop3A_469 = vector.shape_cast %parallel_loop3A_468 : vector<1x16xf32> to vector<16xf32>
        %parallel_loop3A_470 = arith.addf %parallel_loop3A_469, %get3A_122 : vector<16xf32>
        %parallel_loop3A_471 = arith.index_cast %parallel_loop3A_296 : i32 to index
        %parallel_loop3A_472 = arith.constant 256 : index
        %parallel_loop3A_473 = tpu.vector_load %arg10[%parallel_loop3A_471, %parallel_loop3A_472] {strides = array<i32>} : memref<64x512xf32, #tpu.memory_space<vmem>>, vector<1x16xf32>,
        %parallel_loop3A_474 = vector.shape_cast %parallel_loop3A_473 : vector<1x16xf32> to vector<16xf32>
        %parallel_loop3A_475 = vector.shape_cast %parallel_loop3A_470 : vector<16xf32> to vector<1x16xf32>
        tpu.vector_store %arg10[%parallel_loop3A_471, %parallel_loop3A_472], %parallel_loop3A_475 {strides = array<i32>} : memref<64x512xf32, #tpu.memory_space<vmem>>, vector<1x16xf32>,
        %parallel_loop3A_476 = arith.index_cast %parallel_loop3A_305 : i32 to index
        %parallel_loop3A_477 = arith.constant 272 : index
        %parallel_loop3A_478 = tpu.vector_load %arg6[%parallel_loop3A_476, %parallel_loop3A_477] {strides = array<i32>} : memref<64x512xf32, #tpu.memory_space<vmem>>, vector<1x16xf32>,
        %parallel_loop3A_479 = vector.shape_cast %parallel_loop3A_478 : vector<1x16xf32> to vector<16xf32>
        %parallel_loop3A_480 = arith.addf %parallel_loop3A_479, %get3A_126 : vector<16xf32>
        %parallel_loop3A_481 = arith.index_cast %parallel_loop3A_296 : i32 to index
        %parallel_loop3A_482 = arith.constant 272 : index
        %parallel_loop3A_483 = tpu.vector_load %arg10[%parallel_loop3A_481, %parallel_loop3A_482] {strides = array<i32>} : memref<64x512xf32, #tpu.memory_space<vmem>>, vector<1x16xf32>,
        %parallel_loop3A_484 = vector.shape_cast %parallel_loop3A_483 : vector<1x16xf32> to vector<16xf32>
        %parallel_loop3A_485 = vector.shape_cast %parallel_loop3A_480 : vector<16xf32> to vector<1x16xf32>
        tpu.vector_store %arg10[%parallel_loop3A_481, %parallel_loop3A_482], %parallel_loop3A_485 {strides = array<i32>} : memref<64x512xf32, #tpu.memory_space<vmem>>, vector<1x16xf32>,
        %parallel_loop3A_486 = arith.index_cast %parallel_loop3A_305 : i32 to index
        %parallel_loop3A_487 = arith.constant 288 : index
        %parallel_loop3A_488 = tpu.vector_load %arg6[%parallel_loop3A_486, %parallel_loop3A_487] {strides = array<i32>} : memref<64x512xf32, #tpu.memory_space<vmem>>, vector<1x16xf32>,
        %parallel_loop3A_489 = vector.shape_cast %parallel_loop3A_488 : vector<1x16xf32> to vector<16xf32>
        %parallel_loop3A_490 = arith.addf %parallel_loop3A_489, %get3A_130 : vector<16xf32>
        %parallel_loop3A_491 = arith.index_cast %parallel_loop3A_296 : i32 to index
        %parallel_loop3A_492 = arith.constant 288 : index
        %parallel_loop3A_493 = tpu.vector_load %arg10[%parallel_loop3A_491, %parallel_loop3A_492] {strides = array<i32>} : memref<64x512xf32, #tpu.memory_space<vmem>>, vector<1x16xf32>,
        %parallel_loop3A_494 = vector.shape_cast %parallel_loop3A_493 : vector<1x16xf32> to vector<16xf32>
        %parallel_loop3A_495 = vector.shape_cast %parallel_loop3A_490 : vector<16xf32> to vector<1x16xf32>
        tpu.vector_store %arg10[%parallel_loop3A_491, %parallel_loop3A_492], %parallel_loop3A_495 {strides = array<i32>} : memref<64x512xf32, #tpu.memory_space<vmem>>, vector<1x16xf32>,
        %parallel_loop3A_496 = arith.index_cast %parallel_loop3A_305 : i32 to index
        %parallel_loop3A_497 = arith.constant 304 : index
        %parallel_loop3A_498 = tpu.vector_load %arg6[%parallel_loop3A_496, %parallel_loop3A_497] {strides = array<i32>} : memref<64x512xf32, #tpu.memory_space<vmem>>, vector<1x16xf32>,
        %parallel_loop3A_499 = vector.shape_cast %parallel_loop3A_498 : vector<1x16xf32> to vector<16xf32>
        %parallel_loop3A_500 = arith.addf %parallel_loop3A_499, %get3A_134 : vector<16xf32>
        %parallel_loop3A_501 = arith.index_cast %parallel_loop3A_296 : i32 to index
        %parallel_loop3A_502 = arith.constant 304 : index
        %parallel_loop3A_503 = tpu.vector_load %arg10[%parallel_loop3A_501, %parallel_loop3A_502] {strides = array<i32>} : memref<64x512xf32, #tpu.memory_space<vmem>>, vector<1x16xf32>,
        %parallel_loop3A_504 = vector.shape_cast %parallel_loop3A_503 : vector<1x16xf32> to vector<16xf32>
        %parallel_loop3A_505 = vector.shape_cast %parallel_loop3A_500 : vector<16xf32> to vector<1x16xf32>
        tpu.vector_store %arg10[%parallel_loop3A_501, %parallel_loop3A_502], %parallel_loop3A_505 {strides = array<i32>} : memref<64x512xf32, #tpu.memory_space<vmem>>, vector<1x16xf32>,
        %parallel_loop3A_506 = arith.index_cast %parallel_loop3A_305 : i32 to index
        %parallel_loop3A_507 = arith.constant 320 : index
        %parallel_loop3A_508 = tpu.vector_load %arg6[%parallel_loop3A_506, %parallel_loop3A_507] {strides = array<i32>} : memref<64x512xf32, #tpu.memory_space<vmem>>, vector<1x16xf32>,
        %parallel_loop3A_509 = vector.shape_cast %parallel_loop3A_508 : vector<1x16xf32> to vector<16xf32>
        %parallel_loop3A_510 = arith.addf %parallel_loop3A_509, %get3A_138 : vector<16xf32>
        %parallel_loop3A_511 = arith.index_cast %parallel_loop3A_296 : i32 to index
        %parallel_loop3A_512 = arith.constant 320 : index
        %parallel_loop3A_513 = tpu.vector_load %arg10[%parallel_loop3A_511, %parallel_loop3A_512] {strides = array<i32>} : memref<64x512xf32, #tpu.memory_space<vmem>>, vector<1x16xf32>,
        %parallel_loop3A_514 = vector.shape_cast %parallel_loop3A_513 : vector<1x16xf32> to vector<16xf32>
        %parallel_loop3A_515 = vector.shape_cast %parallel_loop3A_510 : vector<16xf32> to vector<1x16xf32>
        tpu.vector_store %arg10[%parallel_loop3A_511, %parallel_loop3A_512], %parallel_loop3A_515 {strides = array<i32>} : memref<64x512xf32, #tpu.memory_space<vmem>>, vector<1x16xf32>,
        %parallel_loop3A_516 = arith.index_cast %parallel_loop3A_305 : i32 to index
        %parallel_loop3A_517 = arith.constant 336 : index
        %parallel_loop3A_518 = tpu.vector_load %arg6[%parallel_loop3A_516, %parallel_loop3A_517] {strides = array<i32>} : memref<64x512xf32, #tpu.memory_space<vmem>>, vector<1x16xf32>,
        %parallel_loop3A_519 = vector.shape_cast %parallel_loop3A_518 : vector<1x16xf32> to vector<16xf32>
        %parallel_loop3A_520 = arith.addf %parallel_loop3A_519, %get3A_142 : vector<16xf32>
        %parallel_loop3A_521 = arith.index_cast %parallel_loop3A_296 : i32 to index
        %parallel_loop3A_522 = arith.constant 336 : index
        %parallel_loop3A_523 = tpu.vector_load %arg10[%parallel_loop3A_521, %parallel_loop3A_522] {strides = array<i32>} : memref<64x512xf32, #tpu.memory_space<vmem>>, vector<1x16xf32>,
        %parallel_loop3A_524 = vector.shape_cast %parallel_loop3A_523 : vector<1x16xf32> to vector<16xf32>
        %parallel_loop3A_525 = vector.shape_cast %parallel_loop3A_520 : vector<16xf32> to vector<1x16xf32>
        tpu.vector_store %arg10[%parallel_loop3A_521, %parallel_loop3A_522], %parallel_loop3A_525 {strides = array<i32>} : memref<64x512xf32, #tpu.memory_space<vmem>>, vector<1x16xf32>,
        %parallel_loop3A_526 = arith.index_cast %parallel_loop3A_305 : i32 to index
        %parallel_loop3A_527 = arith.constant 352 : index
        %parallel_loop3A_528 = tpu.vector_load %arg6[%parallel_loop3A_526, %parallel_loop3A_527] {strides = array<i32>} : memref<64x512xf32, #tpu.memory_space<vmem>>, vector<1x16xf32>,
        %parallel_loop3A_529 = vector.shape_cast %parallel_loop3A_528 : vector<1x16xf32> to vector<16xf32>
        %parallel_loop3A_530 = arith.addf %parallel_loop3A_529, %get3A_146 : vector<16xf32>
        %parallel_loop3A_531 = arith.index_cast %parallel_loop3A_296 : i32 to index
        %parallel_loop3A_532 = arith.constant 352 : index
        %parallel_loop3A_533 = tpu.vector_load %arg10[%parallel_loop3A_531, %parallel_loop3A_532] {strides = array<i32>} : memref<64x512xf32, #tpu.memory_space<vmem>>, vector<1x16xf32>,
        %parallel_loop3A_534 = vector.shape_cast %parallel_loop3A_533 : vector<1x16xf32> to vector<16xf32>
        %parallel_loop3A_535 = vector.shape_cast %parallel_loop3A_530 : vector<16xf32> to vector<1x16xf32>
        tpu.vector_store %arg10[%parallel_loop3A_531, %parallel_loop3A_532], %parallel_loop3A_535 {strides = array<i32>} : memref<64x512xf32, #tpu.memory_space<vmem>>, vector<1x16xf32>,
        %parallel_loop3A_536 = arith.index_cast %parallel_loop3A_305 : i32 to index
        %parallel_loop3A_537 = arith.constant 368 : index
        %parallel_loop3A_538 = tpu.vector_load %arg6[%parallel_loop3A_536, %parallel_loop3A_537] {strides = array<i32>} : memref<64x512xf32, #tpu.memory_space<vmem>>, vector<1x16xf32>,
        %parallel_loop3A_539 = vector.shape_cast %parallel_loop3A_538 : vector<1x16xf32> to vector<16xf32>
        %parallel_loop3A_540 = arith.addf %parallel_loop3A_539, %get3A_150 : vector<16xf32>
        %parallel_loop3A_541 = arith.index_cast %parallel_loop3A_296 : i32 to index
        %parallel_loop3A_542 = arith.constant 368 : index
        %parallel_loop3A_543 = tpu.vector_load %arg10[%parallel_loop3A_541, %parallel_loop3A_542] {strides = array<i32>} : memref<64x512xf32, #tpu.memory_space<vmem>>, vector<1x16xf32>,
        %parallel_loop3A_544 = vector.shape_cast %parallel_loop3A_543 : vector<1x16xf32> to vector<16xf32>
        %parallel_loop3A_545 = vector.shape_cast %parallel_loop3A_540 : vector<16xf32> to vector<1x16xf32>
        tpu.vector_store %arg10[%parallel_loop3A_541, %parallel_loop3A_542], %parallel_loop3A_545 {strides = array<i32>} : memref<64x512xf32, #tpu.memory_space<vmem>>, vector<1x16xf32>,
        %parallel_loop3A_546 = arith.index_cast %parallel_loop3A_305 : i32 to index
        %parallel_loop3A_547 = arith.constant 384 : index
        %parallel_loop3A_548 = tpu.vector_load %arg6[%parallel_loop3A_546, %parallel_loop3A_547] {strides = array<i32>} : memref<64x512xf32, #tpu.memory_space<vmem>>, vector<1x16xf32>,
        %parallel_loop3A_549 = vector.shape_cast %parallel_loop3A_548 : vector<1x16xf32> to vector<16xf32>
        %parallel_loop3A_550 = arith.addf %parallel_loop3A_549, %get3A_154 : vector<16xf32>
        %parallel_loop3A_551 = arith.index_cast %parallel_loop3A_296 : i32 to index
        %parallel_loop3A_552 = arith.constant 384 : index
        %parallel_loop3A_553 = tpu.vector_load %arg10[%parallel_loop3A_551, %parallel_loop3A_552] {strides = array<i32>} : memref<64x512xf32, #tpu.memory_space<vmem>>, vector<1x16xf32>,
        %parallel_loop3A_554 = vector.shape_cast %parallel_loop3A_553 : vector<1x16xf32> to vector<16xf32>
        %parallel_loop3A_555 = vector.shape_cast %parallel_loop3A_550 : vector<16xf32> to vector<1x16xf32>
        tpu.vector_store %arg10[%parallel_loop3A_551, %parallel_loop3A_552], %parallel_loop3A_555 {strides = array<i32>} : memref<64x512xf32, #tpu.memory_space<vmem>>, vector<1x16xf32>,
        %parallel_loop3A_556 = arith.index_cast %parallel_loop3A_305 : i32 to index
        %parallel_loop3A_557 = arith.constant 400 : index
        %parallel_loop3A_558 = tpu.vector_load %arg6[%parallel_loop3A_556, %parallel_loop3A_557] {strides = array<i32>} : memref<64x512xf32, #tpu.memory_space<vmem>>, vector<1x16xf32>,
        %parallel_loop3A_559 = vector.shape_cast %parallel_loop3A_558 : vector<1x16xf32> to vector<16xf32>
        %parallel_loop3A_560 = arith.addf %parallel_loop3A_559, %get3A_158 : vector<16xf32>
        %parallel_loop3A_561 = arith.index_cast %parallel_loop3A_296 : i32 to index
        %parallel_loop3A_562 = arith.constant 400 : index
        %parallel_loop3A_563 = tpu.vector_load %arg10[%parallel_loop3A_561, %parallel_loop3A_562] {strides = array<i32>} : memref<64x512xf32, #tpu.memory_space<vmem>>, vector<1x16xf32>,
        %parallel_loop3A_564 = vector.shape_cast %parallel_loop3A_563 : vector<1x16xf32> to vector<16xf32>
        %parallel_loop3A_565 = vector.shape_cast %parallel_loop3A_560 : vector<16xf32> to vector<1x16xf32>
        tpu.vector_store %arg10[%parallel_loop3A_561, %parallel_loop3A_562], %parallel_loop3A_565 {strides = array<i32>} : memref<64x512xf32, #tpu.memory_space<vmem>>, vector<1x16xf32>,
        %parallel_loop3A_566 = arith.index_cast %parallel_loop3A_305 : i32 to index
        %parallel_loop3A_567 = arith.constant 416 : index
        %parallel_loop3A_568 = tpu.vector_load %arg6[%parallel_loop3A_566, %parallel_loop3A_567] {strides = array<i32>} : memref<64x512xf32, #tpu.memory_space<vmem>>, vector<1x16xf32>,
        %parallel_loop3A_569 = vector.shape_cast %parallel_loop3A_568 : vector<1x16xf32> to vector<16xf32>
        %parallel_loop3A_570 = arith.addf %parallel_loop3A_569, %get3A_162 : vector<16xf32>
        %parallel_loop3A_571 = arith.index_cast %parallel_loop3A_296 : i32 to index
        %parallel_loop3A_572 = arith.constant 416 : index
        %parallel_loop3A_573 = tpu.vector_load %arg10[%parallel_loop3A_571, %parallel_loop3A_572] {strides = array<i32>} : memref<64x512xf32, #tpu.memory_space<vmem>>, vector<1x16xf32>,
        %parallel_loop3A_574 = vector.shape_cast %parallel_loop3A_573 : vector<1x16xf32> to vector<16xf32>
        %parallel_loop3A_575 = vector.shape_cast %parallel_loop3A_570 : vector<16xf32> to vector<1x16xf32>
        tpu.vector_store %arg10[%parallel_loop3A_571, %parallel_loop3A_572], %parallel_loop3A_575 {strides = array<i32>} : memref<64x512xf32, #tpu.memory_space<vmem>>, vector<1x16xf32>,
        %parallel_loop3A_576 = arith.index_cast %parallel_loop3A_305 : i32 to index
        %parallel_loop3A_577 = arith.constant 432 : index
        %parallel_loop3A_578 = tpu.vector_load %arg6[%parallel_loop3A_576, %parallel_loop3A_577] {strides = array<i32>} : memref<64x512xf32, #tpu.memory_space<vmem>>, vector<1x16xf32>,
        %parallel_loop3A_579 = vector.shape_cast %parallel_loop3A_578 : vector<1x16xf32> to vector<16xf32>
        %parallel_loop3A_580 = arith.addf %parallel_loop3A_579, %get3A_166 : vector<16xf32>
        %parallel_loop3A_581 = arith.index_cast %parallel_loop3A_296 : i32 to index
        %parallel_loop3A_582 = arith.constant 432 : index
        %parallel_loop3A_583 = tpu.vector_load %arg10[%parallel_loop3A_581, %parallel_loop3A_582] {strides = array<i32>} : memref<64x512xf32, #tpu.memory_space<vmem>>, vector<1x16xf32>,
        %parallel_loop3A_584 = vector.shape_cast %parallel_loop3A_583 : vector<1x16xf32> to vector<16xf32>
        %parallel_loop3A_585 = vector.shape_cast %parallel_loop3A_580 : vector<16xf32> to vector<1x16xf32>
        tpu.vector_store %arg10[%parallel_loop3A_581, %parallel_loop3A_582], %parallel_loop3A_585 {strides = array<i32>} : memref<64x512xf32, #tpu.memory_space<vmem>>, vector<1x16xf32>,
        %parallel_loop3A_586 = arith.index_cast %parallel_loop3A_305 : i32 to index
        %parallel_loop3A_587 = arith.constant 448 : index
        %parallel_loop3A_588 = tpu.vector_load %arg6[%parallel_loop3A_586, %parallel_loop3A_587] {strides = array<i32>} : memref<64x512xf32, #tpu.memory_space<vmem>>, vector<1x16xf32>,
        %parallel_loop3A_589 = vector.shape_cast %parallel_loop3A_588 : vector<1x16xf32> to vector<16xf32>
        %parallel_loop3A_590 = arith.addf %parallel_loop3A_589, %get3A_170 : vector<16xf32>
        %parallel_loop3A_591 = arith.index_cast %parallel_loop3A_296 : i32 to index
        %parallel_loop3A_592 = arith.constant 448 : index
        %parallel_loop3A_593 = tpu.vector_load %arg10[%parallel_loop3A_591, %parallel_loop3A_592] {strides = array<i32>} : memref<64x512xf32, #tpu.memory_space<vmem>>, vector<1x16xf32>,
        %parallel_loop3A_594 = vector.shape_cast %parallel_loop3A_593 : vector<1x16xf32> to vector<16xf32>
        %parallel_loop3A_595 = vector.shape_cast %parallel_loop3A_590 : vector<16xf32> to vector<1x16xf32>
        tpu.vector_store %arg10[%parallel_loop3A_591, %parallel_loop3A_592], %parallel_loop3A_595 {strides = array<i32>} : memref<64x512xf32, #tpu.memory_space<vmem>>, vector<1x16xf32>,
        %parallel_loop3A_596 = arith.index_cast %parallel_loop3A_305 : i32 to index
        %parallel_loop3A_597 = arith.constant 464 : index
        %parallel_loop3A_598 = tpu.vector_load %arg6[%parallel_loop3A_596, %parallel_loop3A_597] {strides = array<i32>} : memref<64x512xf32, #tpu.memory_space<vmem>>, vector<1x16xf32>,
        %parallel_loop3A_599 = vector.shape_cast %parallel_loop3A_598 : vector<1x16xf32> to vector<16xf32>
        %parallel_loop3A_600 = arith.addf %parallel_loop3A_599, %get3A_174 : vector<16xf32>
        %parallel_loop3A_601 = arith.index_cast %parallel_loop3A_296 : i32 to index
        %parallel_loop3A_602 = arith.constant 464 : index
        %parallel_loop3A_603 = tpu.vector_load %arg10[%parallel_loop3A_601, %parallel_loop3A_602] {strides = array<i32>} : memref<64x512xf32, #tpu.memory_space<vmem>>, vector<1x16xf32>,
        %parallel_loop3A_604 = vector.shape_cast %parallel_loop3A_603 : vector<1x16xf32> to vector<16xf32>
        %parallel_loop3A_605 = vector.shape_cast %parallel_loop3A_600 : vector<16xf32> to vector<1x16xf32>
        tpu.vector_store %arg10[%parallel_loop3A_601, %parallel_loop3A_602], %parallel_loop3A_605 {strides = array<i32>} : memref<64x512xf32, #tpu.memory_space<vmem>>, vector<1x16xf32>,
        %parallel_loop3A_606 = arith.index_cast %parallel_loop3A_305 : i32 to index
        %parallel_loop3A_607 = arith.constant 480 : index
        %parallel_loop3A_608 = tpu.vector_load %arg6[%parallel_loop3A_606, %parallel_loop3A_607] {strides = array<i32>} : memref<64x512xf32, #tpu.memory_space<vmem>>, vector<1x16xf32>,
        %parallel_loop3A_609 = vector.shape_cast %parallel_loop3A_608 : vector<1x16xf32> to vector<16xf32>
        %parallel_loop3A_610 = arith.addf %parallel_loop3A_609, %get3A_178 : vector<16xf32>
        %parallel_loop3A_611 = arith.index_cast %parallel_loop3A_296 : i32 to index
        %parallel_loop3A_612 = arith.constant 480 : index
        %parallel_loop3A_613 = tpu.vector_load %arg10[%parallel_loop3A_611, %parallel_loop3A_612] {strides = array<i32>} : memref<64x512xf32, #tpu.memory_space<vmem>>, vector<1x16xf32>,
        %parallel_loop3A_614 = vector.shape_cast %parallel_loop3A_613 : vector<1x16xf32> to vector<16xf32>
        %parallel_loop3A_615 = vector.shape_cast %parallel_loop3A_610 : vector<16xf32> to vector<1x16xf32>
        tpu.vector_store %arg10[%parallel_loop3A_611, %parallel_loop3A_612], %parallel_loop3A_615 {strides = array<i32>} : memref<64x512xf32, #tpu.memory_space<vmem>>, vector<1x16xf32>,
        %parallel_loop3A_616 = arith.index_cast %parallel_loop3A_305 : i32 to index
        %parallel_loop3A_617 = arith.constant 496 : index
        %parallel_loop3A_618 = tpu.vector_load %arg6[%parallel_loop3A_616, %parallel_loop3A_617] {strides = array<i32>} : memref<64x512xf32, #tpu.memory_space<vmem>>, vector<1x16xf32>,
        %parallel_loop3A_619 = vector.shape_cast %parallel_loop3A_618 : vector<1x16xf32> to vector<16xf32>
        %parallel_loop3A_620 = arith.addf %parallel_loop3A_619, %get3A_182 : vector<16xf32>
        %parallel_loop3A_621 = arith.index_cast %parallel_loop3A_296 : i32 to index
        %parallel_loop3A_622 = arith.constant 496 : index
        %parallel_loop3A_623 = tpu.vector_load %arg10[%parallel_loop3A_621, %parallel_loop3A_622] {strides = array<i32>} : memref<64x512xf32, #tpu.memory_space<vmem>>, vector<1x16xf32>,
        %parallel_loop3A_624 = vector.shape_cast %parallel_loop3A_623 : vector<1x16xf32> to vector<16xf32>
        %parallel_loop3A_625 = vector.shape_cast %parallel_loop3A_620 : vector<16xf32> to vector<1x16xf32>
        tpu.vector_store %arg10[%parallel_loop3A_621, %parallel_loop3A_622], %parallel_loop3A_625 {strides = array<i32>} : memref<64x512xf32, #tpu.memory_space<vmem>>, vector<1x16xf32>,
      } {sc.loop_unroll_factor = 1 : i64, sc.parallel_access}
      %add3A_244 = arith.constant 64 : i32
      %add3A_245 = vector.broadcast %add3A_244 : i32 to vector<16xi32>
      %add3A_246 = arith.addi %iota3A, %add3A_245 : vector<16xi32>
      %mul3A_247 = arith.constant 512 : i32
      %mul3A_248 = vector.broadcast %mul3A_247 : i32 to vector<16xi32>
      %mul3A_249 = arith.muli %add3A_246, %mul3A_248 : vector<16xi32>
      %add3A_250 = vector.broadcast %add3A_55 : i32 to vector<16xi32>
      %add3A_251 = arith.addi %mul3A_249, %add3A_250 : vector<16xi32>
      %swap3A_252 = arith.constant 0 : index
      %swap3A_253 = tpu.vector_load %arg12[%swap3A_252] {strides = array<i32>} : memref<64xi32, #tpu.memory_space<vmem>>, vector<16xi32>,
      %swap3A_254 = vector.shape_cast %swap3A_253 : vector<16xi32> to vector<16xi32>
      %swap3A_255 = vector.shape_cast %add3A_251 : vector<16xi32> to vector<16xi32>
      tpu.vector_store %arg12[%swap3A_252], %swap3A_255 {strides = array<i32>} : memref<64xi32, #tpu.memory_space<vmem>>, vector<16xi32>,
      %add3A_256 = arith.constant 80 : i32
      %add3A_257 = vector.broadcast %add3A_256 : i32 to vector<16xi32>
      %add3A_258 = arith.addi %iota3A, %add3A_257 : vector<16xi32>
      %mul3A_259 = arith.constant 512 : i32
      %mul3A_260 = vector.broadcast %mul3A_259 : i32 to vector<16xi32>
      %mul3A_261 = arith.muli %add3A_258, %mul3A_260 : vector<16xi32>
      %add3A_262 = vector.broadcast %add3A_55 : i32 to vector<16xi32>
      %add3A_263 = arith.addi %mul3A_261, %add3A_262 : vector<16xi32>
      %swap3A_264 = arith.constant 16 : index
      %swap3A_265 = tpu.vector_load %arg12[%swap3A_264] {strides = array<i32>} : memref<64xi32, #tpu.memory_space<vmem>>, vector<16xi32>,
      %swap3A_266 = vector.shape_cast %swap3A_265 : vector<16xi32> to vector<16xi32>
      %swap3A_267 = vector.shape_cast %add3A_263 : vector<16xi32> to vector<16xi32>
      tpu.vector_store %arg12[%swap3A_264], %swap3A_267 {strides = array<i32>} : memref<64xi32, #tpu.memory_space<vmem>>, vector<16xi32>,
      %add3A_268 = arith.constant 96 : i32
      %add3A_269 = vector.broadcast %add3A_268 : i32 to vector<16xi32>
      %add3A_270 = arith.addi %iota3A, %add3A_269 : vector<16xi32>
      %mul3A_271 = arith.constant 512 : i32
      %mul3A_272 = vector.broadcast %mul3A_271 : i32 to vector<16xi32>
      %mul3A_273 = arith.muli %add3A_270, %mul3A_272 : vector<16xi32>
      %add3A_274 = vector.broadcast %add3A_55 : i32 to vector<16xi32>
      %add3A_275 = arith.addi %mul3A_273, %add3A_274 : vector<16xi32>
      %swap3A_276 = arith.constant 32 : index
      %swap3A_277 = tpu.vector_load %arg12[%swap3A_276] {strides = array<i32>} : memref<64xi32, #tpu.memory_space<vmem>>, vector<16xi32>,
      %swap3A_278 = vector.shape_cast %swap3A_277 : vector<16xi32> to vector<16xi32>
      %swap3A_279 = vector.shape_cast %add3A_275 : vector<16xi32> to vector<16xi32>
      tpu.vector_store %arg12[%swap3A_276], %swap3A_279 {strides = array<i32>} : memref<64xi32, #tpu.memory_space<vmem>>, vector<16xi32>,
      %add3A_280 = arith.constant 112 : i32
      %add3A_281 = vector.broadcast %add3A_280 : i32 to vector<16xi32>
      %add3A_282 = arith.addi %iota3A, %add3A_281 : vector<16xi32>
      %mul3A_283 = arith.constant 512 : i32
      %mul3A_284 = vector.broadcast %mul3A_283 : i32 to vector<16xi32>
      %mul3A_285 = arith.muli %add3A_282, %mul3A_284 : vector<16xi32>
      %add3A_286 = vector.broadcast %add3A_55 : i32 to vector<16xi32>
      %add3A_287 = arith.addi %mul3A_285, %add3A_286 : vector<16xi32>
      %swap3A_288 = arith.constant 48 : index
      %swap3A_289 = tpu.vector_load %arg12[%swap3A_288] {strides = array<i32>} : memref<64xi32, #tpu.memory_space<vmem>>, vector<16xi32>,
      %swap3A_290 = vector.shape_cast %swap3A_289 : vector<16xi32> to vector<16xi32>
      %swap3A_291 = vector.shape_cast %add3A_287 : vector<16xi32> to vector<16xi32>
      tpu.vector_store %arg12[%swap3A_288], %swap3A_291 {strides = array<i32>} : memref<64xi32, #tpu.memory_space<vmem>>, vector<16xi32>,
      %dma_start3A_292 = arith.constant 0 : i32
      %dma_start3A_293 = arith.constant 0 : i32
      %dma_start3A_294 = tpu.memref_slice %arg5[%dma_start3A_292, %dma_start3A_293] : memref<65536x512xf32, #tpu.memory_space<hbm>> -> memref<65536x512xf32, #tpu.memory_space<hbm>>
      tpu.enqueue_indirect_dma source(%arg10 : memref<64x512xf32, #tpu.memory_space<vmem>>) target(%dma_start3A_294 : memref<65536x512xf32, #tpu.memory_space<hbm>>) offsets(%arg12 : memref<64xi32, #tpu.memory_space<vmem>>) semaphore(%arg14 : memref<!tpu.dma_semaphore, #tpu.memory_space<semaphore_mem>>)
      %scan3A_295 = arith.constant 0 : i32
      scf.yield %scan3A_295 : i32
    }
    %scan3A_47 = arith.constant 16 : i32
    %dma_wait3A = arith.constant 0 : i32
    %dma_wait3A_48 = arith.constant 0 : i32
    %dma_wait3A_49 = tpu.memref_slice %arg5[%dma_wait3A, %dma_wait3A_48] : memref<65536x512xf32, #tpu.memory_space<hbm>> -> memref<65536x512xf32, #tpu.memory_space<hbm>>
    tpu.wait_indirect_dma semaphore(%arg13 : memref<!tpu.dma_semaphore, #tpu.memory_space<semaphore_mem>>) src(%arg9 : memref<64x512xf32, #tpu.memory_space<vmem>>) dst(%dma_wait3A_49 : memref<65536x512xf32, #tpu.memory_space<hbm>>)
    %dma_wait3A_50 = arith.constant 0 : i32
    %dma_wait3A_51 = arith.constant 0 : i32
    %dma_wait3A_52 = tpu.memref_slice %arg5[%dma_wait3A_50, %dma_wait3A_51] : memref<65536x512xf32, #tpu.memory_space<hbm>> -> memref<65536x512xf32, #tpu.memory_space<hbm>>
    tpu.wait_indirect_dma semaphore(%arg14 : memref<!tpu.dma_semaphore, #tpu.memory_space<semaphore_mem>>) src(%arg10 : memref<64x512xf32, #tpu.memory_space<vmem>>) dst(%dma_wait3A_52 : memref<65536x512xf32, #tpu.memory_space<hbm>>)
    return
  }
}

</mosaic_0001>

<sc_bundles>
// kernel: _sc_call.3.cloned.1.call-start
scs
__scs_entry_jumppad:
0x0: {  	(pc) =	sbr.rel $0x88, $3  }
0x1: {  	(tag) =	ssettag $0x0;
	lr =	simm.s32 $0x1  }
0x2: {  	[smem:$0x3F9E] =	sst lr;
	_ =	strace $0xD0000000  }
0x3: {  	_ = 	snop  }
0x4: {  	_ = 	snop  }
0x5: {  	_ = 	snop  }
0x6: {  	_ = 	snop  }
0x7: {  	_ = 	snop  }
__scs_overlays_trampoline_lowered:
0x8: {  	[smem:$0x3FAD] =	sst s0  }
0x9: {  	[smem:$0x3FAE] =	sst s1  }
0xa: {  	[smem:$0x3FAF] =	sst s2  }
0xb: {  	[smem:$0x3FB0] =	sst s3  }
0xc: {  	[smem:$0x3FB1] =	sst s4  }
0xd: {  	[smem:$0x3FB2] =	sst s5  }
0xe: {  	[smem:$0x3FB3] =	sst s6  }
0xf: {  	[smem:$0x3FB4] =	sst s7  }
0x10: {  	[smem:$0x3FB5] =	sst s8  }
0x11: {  	[smem:$0x3FB6] =	sst s9;
	s0 =	simm.s32 @!p0 $0x0  }
0x12: {  	s1 =	sld [smem:$0x3F9C];
	s0 =	simm.s32 @p0 $0x1  }
0x13: {  	[smem:$0x3FB7] =	sst s0;
	s0 =	simm.s32 @!p1 $0x0  }
0x14: {  	s2 =	sld [smem:$0x3F9B];
	s0 =	simm.s32 @p1 $0x1  }
0x15: {  	[smem:$0x3FB8] =	sst s0;
	s0 =	simm.s32 @!p2 $0x0  }
0x16: {  	s3 =	sld [smem:$0x3FDB];
	s0 =	simm.s32 @p2 $0x1  }
0x17: {  	s4 =	simm.s32 $0x1BF5;
	[smem:$0x3FBA] =	sst s0  }
0x18: {  	s0 =	sld [smem:$0x3F9D];
	_ =	swait.ge [sflag:s4], $0x0  }
0x19: {  	s7 =	sld [smem:$0x3F9E]  }
0x1a: {  	s8 =	sadd.s32 $0xFFFFE003, lr  }
0x1b: {  	s9 =	sadd.s32 $0xFFFFFEF7, lr;
	s5 =	simm.s32 $0xFFFFFFFF;
	p2 =	slt.u32 s8, $0xFFFFF086  }
0x1c: {  	p1 =	slt.u32 s9, $0xF7A;
	s5 =	simm.s32 @!p2 $0x0  }
0x1d: {  	s5 =	simm.s32 @p1 $0x1;
	p0 =	seq.s32 s7, s2  }
0x1e: {  	s7 =	smul.u32 @!p0 $0xF7A, s2;
	p2 =	seq.s32 @!p0 s5, $0x0  }
0x1f: {  	s9 =	smul.u32 $0xF7A, s1;
	s8 =	simm.s32 @!p0 $0x1BF5;
	p2 =	por !p2, p0  }
0x20: {  	[sflag:s8] =	ssyncset.s32 @!p0 $0xFFFFF086;
	s6 =	sadd.s32 @!p0 s3, s7;
	s7 =	simm.s32 @!p0 $0x108  }
0x21: {  	s3 =	sadd.s32 s3, s9;
	s6 =	sadd.s32 @!p0 $0x88, s6;
	s7 =	simm.s32 @p2 $0x1082  }
0x22: {  	[simem:s7], [sflag:s8] =	dma.local @!p0 [hbm:s6], $0xF7A  }
0x23: {  	s9 =	sor.u32 $0xD0000000, s2;
	s6 =	simm.s32 $0x108;
	_ =	swait.ge @!p0 [sflag:s8], $0x0  }
0x24: {  	s3 =	sadd.s32 $0x88, s3;
	s6 =	simm.s32 @!p1 $0x1082;
	[sflag:s4] =	ssyncset.s32 $0xFFFFF086  }
0x25: {  	[simem:s6], [sflag:s4] =	dma.local [hbm:s3], $0xF7A  }
0x26: {  	[smem:$0x3F9E] =	sst s1;
	(tag) =	ssettag s2;
	_ =	strace s9  }
0x27: {  	s1 =	sld [smem:$0x3FAE]  }
0x28: {  	s2 =	sld [smem:$0x3FAF]  }
0x29: {  	s4 =	sld [smem:$0x3FB1]  }
0x2a: {  	p0 =	seq.s32 s5, $0x0;
	s5 =	sld [smem:$0x3FB2]  }
0x2b: {  	s6 =	sld [smem:$0x3FB3]  }
0x2c: {  	s7 =	sld [smem:$0x3FB4]  }
0x2d: {  	s3 =	simm.s32 $0x108;
	s8 =	sld [smem:$0x3FB5]  }
0x2e: {  	s3 =	simm.s32 @!p0 $0x1082;
	s9 =	sld [smem:$0x3FB6]  }
0x2f: {  	lr =	sadd.s32 s0, s3;
	s0 =	sld [smem:$0x3FAD]  }
0x30: {  	s3 =	sld [smem:$0x3FB0]  }
0x31: {  	[smem:$0x3FB9] =	sst s10  }
0x32: {  	s10 =	sld [smem:$0x3FB7];
	_ =	sdelay $0x3  }
0x33: {  	p0 =	seq.s32 s10, $0x1;
	s10 =	sld [smem:$0x3FB9];
	_ =	sdelay $0x3  }
0x34: {  	[smem:$0x3FB9] =	sst s10  }
0x35: {  	s10 =	sld [smem:$0x3FB8];
	_ =	sdelay $0x3  }
0x36: {  	p1 =	seq.s32 s10, $0x1;
	s10 =	sld [smem:$0x3FB9];
	_ =	sdelay $0x3  }
0x37: {  	[smem:$0x3FB9] =	sst s10  }
0x38: {  	s10 =	sld [smem:$0x3FBA]  }
0x39: {  	_ = 	snop;
	(pc) =	sbr.ind lr, $3  }
0x3a: {  	_ = 	snop  }
0x3b: {  	_ = 	snop  }
0x3c: {  	p2 =	seq.s32 s10, $0x1;
	s10 =	sld [smem:$0x3FB9]  }
0x3d: {  	_ =	shalt  }
0x3e: {  	_ =	shalt  }
0x3f: {  	_ =	shalt  }
0x40: {  	_ =	shalt  }
0x41: {  	_ =	shalt  }
0x42: {  	_ =	shalt  }
0x43: {  	_ =	shalt  }
0x44: {  	_ =	shalt  }
0x45: {  	_ =	shalt  }
0x46: {  	_ =	shalt  }
0x47: {  	_ =	shalt  }
0x48: {  	_ =	shalt  }
0x49: {  	_ =	shalt  }
0x4a: {  	_ =	shalt  }
0x4b: {  	_ =	shalt  }
0x4c: {  	_ =	shalt  }
0x4d: {  	_ =	shalt  }
0x4e: {  	_ =	shalt  }
0x4f: {  	_ =	shalt  }
0x50: {  	_ =	shalt  }
0x51: {  	_ =	shalt  }
0x52: {  	_ =	shalt  }
0x53: {  	_ =	shalt  }
0x54: {  	_ =	shalt  }
0x55: {  	_ =	shalt  }
0x56: {  	_ =	shalt  }
0x57: {  	_ =	shalt  }
0x58: {  	_ =	shalt  }
0x59: {  	_ =	shalt  }
0x5a: {  	_ =	shalt  }
0x5b: {  	_ =	shalt  }
0x5c: {  	_ =	shalt  }
0x5d: {  	_ =	shalt  }
0x5e: {  	_ =	shalt  }
0x5f: {  	_ =	shalt  }
0x60: {  	_ =	shalt  }
0x61: {  	_ =	shalt  }
0x62: {  	_ =	shalt  }
0x63: {  	_ =	shalt  }
0x64: {  	_ =	shalt  }
0x65: {  	_ =	shalt  }
0x66: {  	_ =	shalt  }
0x67: {  	_ =	shalt  }
0x68: {  	_ =	shalt  }
0x69: {  	_ =	shalt  }
0x6a: {  	_ =	shalt  }
0x6b: {  	_ =	shalt  }
0x6c: {  	_ =	shalt  }
0x6d: {  	_ =	shalt  }
0x6e: {  	_ =	shalt  }
0x6f: {  	_ =	shalt  }
0x70: {  	_ =	shalt  }
0x71: {  	_ =	shalt  }
0x72: {  	_ =	shalt  }
0x73: {  	_ =	shalt  }
0x74: {  	_ =	shalt  }
0x75: {  	_ =	shalt  }
0x76: {  	_ =	shalt  }
0x77: {  	_ =	shalt  }
0x78: {  	_ =	shalt  }
0x79: {  	_ =	shalt  }
0x7a: {  	_ =	shalt  }
0x7b: {  	_ =	shalt  }
0x7c: {  	_ =	shalt  }
0x7d: {  	_ =	shalt  }
0x7e: {  	_ =	shalt  }
0x7f: {  	_ =	shalt  }
0x80: {  	_ =	shalt  }
0x81: {  	_ =	shalt  }
0x82: {  	_ =	shalt  }
0x83: {  	_ =	shalt  }
0x84: {  	_ =	shalt  }
0x85: {  	_ =	shalt  }
0x86: {  	_ =	shalt  }
0x87: {  	_ =	shalt  }
.Lfunc_end0:
.L_simem_size_0:
called_computation_lowered:
.L_overlay_start_0:
0x88: {  	s2 =	sld [smem:$0x3FD9]  }
0x89: {  	s3 =	sld [smem:$0x3FFE];
	_ =	sdelay $0x1  }
0x8a: {  	s1 =	srdreg.scid  }
0x8b: {  	s0 =	sand.u32 $0x1, s1  }
0x8c: {  	s18 =	sshll.u32 s0, $0xA;
	s2 =	sadd.s32 s3, s2  }
0x8d: {  	s2 =	sadd.s32 s2, s18  }
0x8e: {  	[smem:$0x3FC5] =	sst s2  }
0x8f: {  	_ = 	snop  }
0x90: {  	s2 =	sld [smem:$0x3FC9]  }
0x91: {  	s19 =	sld [smem:$0x3FC8]  }
0x92: {  	s4 =	sld [smem:$0x3FC7]  }
0x93: {  	s5 =	sld [smem:$0x3FD0];
	(tm) =	ssettm $0x1  }
0x94: {  	s6 =	sld [smem:$0x3FFB];
	_ =	sdelay $0x3  }
0x95: {  	_ =	strace s6  }
0x96: {  	s6 =	sld [smem:$0x3FFC];
	_ =	sdelay $0x3  }
0x97: {  	_ =	strace s6  }
0x98: {  	s6 =	sld [smem:$0x3FFD];
	_ =	sdelay $0x3  }
0x99: {  	_ =	strace s6  }
0x9a: {  	_ =	strace $0x8FFFFFFF  }
0x9b: {  	s20 =	sld [smem:$0x3FDB];
	_ =	sdelay $0x1  }
0x9c: {  	s7 =	simm.s32 $_scs_section_size  }
0x9d: {  	s8 =	simm.s32 $_size__tile_overlayer_lowered;
	s9 =	simm.s32 $_tile_overlayer_lowered  }
0x9e: {  	s23 =	simm.s32 $0x1BFF;
	s22 =	sshll.u32 s9, $0x1;
	s6 =	sadd.s32 s7, s20  }
0x9f: {  	s10 =	simm.s32 $0x0;
	s21 =	sshll.u32 s8, $0x1;
	s8 =	sadd.s32 s22, s6  }
0xa0: {  	[timem:s10], [sflag:s23] =	dma.local [hbm:s8], s21  }
0xa1: {  	_ =	swait.ge [sflag:s23], s21  }
0xa2: {  	s7 =	ssub.s32 $0x0, s21;
	[sflag:s23] =	ssyncset.done $0x0  }
0xa3: {  	[sflag:s23] =	ssyncadd.s32 s7;
	_ =	sdelay $0x1  }
0xa4: {  	s24 =	simm.s32 $0x1B8B  }
0xa5: {  	_ =	swait.ge [sflag:s24], $0x1  }
0xa6: {  	[sflag:s24] =	ssyncset.done $0x0  }
0xa7: {  	s25 =	simm.s32 $0x1B8E;
	[sflag:s24] =	ssyncadd.s32 $0xFFFFFFFF  }
0xa8: {  	s26 =	simm.s32 $execute0_lowered;
	[smem:$0x3FD2] =	sst s25  }
0xa9: {  	s7 =	sshll.u32 s26, $0x1;
	_ =	strace $0x80000046;
	[dreg:$0x1] =	wrdreg $0xFFFFFFFF  }
0xaa: {  	s28 =	simm.s32 $_size_execute0_lowered;
	s6 =	sadd.s32 s6, s7;
	[dreg:$0x0] =	wrdreg $0x0  }
0xab: {  	s7 =	sshll.u32 s28, $0x1;
	[dreg:$0x2] =	wrdreg s6  }
0xac: {  	[dreg:$0x3] =	wrdreg s7  }
0xad: {  	[dreg:$0x4] =	wrdreg $0xC0  }
0xae: {  	_ =	task [dreg:s10], $0x5FFFF  }
0xaf: {  	[dreg:$0x1] =	wrdreg $0xFFFFFFFF  }
0xb0: {  	[dreg:$0x0] =	wrdreg $0x60  }
0xb1: {  	[dreg:$0x2] =	wrdreg s2  }
0xb2: {  	[dreg:$0x3] =	wrdreg s19  }
0xb3: {  	[dreg:$0x4] =	wrdreg s4  }
0xb4: {  	[dreg:$0x5] =	wrdreg s5  }
0xb5: {  	[dreg:$0x6] =	wrdreg $0x9  }
0xb6: {  	_ =	task.clear_ibuf [dreg:s10], $0x7FFFF;
	_ =	strace $0x90000046  }
0xb7: {  	s29 =	simm.s32 $0x9;
	_ =	strace $0x80000048  }
0xb8: {  	_ =	swait.ge [sflag:s29], $0x1  }
0xb9: {  	[sflag:s29] =	ssyncadd.s32 $0xFFFFFFFF  }
0xba: {  	_ =	strace $0x90000048  }
0xbb: {  	_ =	sfence  }
0xbc: {  	s30 =	sld [smem:$0x0];
	_ =	sdelay $0x2  }
0xbd: {  	s31 =	sshll.u32 s1, $0xD;
	s1 =	sshrl.u32 s1, $0x2  }
0xbe: {  	s3 =	sand.u32 $0x4000, s31;
	s1 =	sadd.s32 s1, s30  }
0xbf: {  	s0 =	sor.u32 s3, s0;
	s1 =	sshll.u32 s1, $0x11  }
0xc0: {  	s0 =	sor.u32 s1, s0  }
0xc1: {  	s0 =	sadd.s32 $0x8F2B, s0  }
0xc2: {  	[sflag:s0] =	ssyncadd.remote.s32 $0x1  }
0xc3: {  	_ =	sfence.sel $0xFFFF  }
0xc4: {  	[dreg:$0x0] =	wrdreg $0xFFFFFFFF;
	(pc) =	sbr.abs _section_cstart, $3  }
0xc5: {  	[dreg:$0x1] =	wrdreg $0xFFFFFFFF  }
0xc6: {  	_ =	task.clear_ibuf [dreg:s10], $0x2FFFF;
	_ =	strace $0x9FFFFFFF  }
0xc7: {  	(tm) =	ssettm $0x7FFFFFFF  }
tec
execute0_lowered:
.L_overlay_start_1:
0x0: {  	(tag) =	ssettag $0x1  }
0x1: {  	s0 =	rddreg [dreg:$0x0]  }
0x2: {  	s1 =	rddreg [dreg:$0x1]  }
0x3: {  	s3 =	rddreg [dreg:$0x3];
	s2 =	srdreg.scid  }
0x4: {  	s4 =	simm.s32 $0x0;
	s8 =	stileid.u32;
	s20 =	simm.s32 $0x1D400  }
0x5: {  	s21 =	simm.s32 $0x1DC00;
	s2 =	sand.u32 $0x1, s2;
	[smem:$0x7FF] =	sst s4  }
0x6: {  	s6 =	sshll.u32 s8, $0x1;
	s8 =	sshll.u32 s8, $0x5;
	s5 =	ssub.s32 $0x2, s2  }
0x7: {  	_ =	strace $0x80000047;
	s6 =	sor.u32 s2, s6;
	s9 =	sand.u32 $0x180, s8  }
0x8: {  	s2 =	sshll.u32 s2, $0x4;
	s7 =	sshrl.u32 s5, $0x1;
	s0 =	sadd.s32 s0, s9  }
0x9: {  	v6 =	vlaneseq.u32;
	s7 =	ssub.s32 s5, s7;
	s5 =	sshll.u32 s6, $0x4;
	s6 =	sshll.u32 s6, $0xA  }
0xa: {  	v0 =	vmul.u32 $0x200, v6;
	s29 =	sor.u32 s2, s8;
	[dreg:$0x6] =	wrdreg s0;
	s1 =	sadd.s32 s1, s6  }
0xb: {  	vm0 =	vmmov $0xffff;
	v5 =	vshrl.u32 v6, $0x3;
	v4 =	vand.u32 $0x7, v6;
	s0 =	sand.u32 $0x70, s29;
	s30 =	smax.u32 s7, $0x1;
	[dreg:$0x5] =	wrdreg s1  }
0xc: {  	s22 =	simm.s32 $0x0;
	v6 =	vor.u32 $0x8, v6;
	v5 =	vmul.u32 $0x8, v5;
	v1 =	vor.u32 $0x2000, v0;
	s31 =	sor.u32 $0xA000, s0;
	[dreg:$0x7] =	wrdreg s30  }
0xd: {  	s8 =	sadd.s32 $0x100, s3;
	v2 =	vor.u32 $0x4000, v0;
	v3 =	vor.u32 $0x6000, v0;
	v7 =	vor.u32 $0x8000, v0;
	s0 =	sor.u32 $0xC000, s0;
	[dreg:$0x8] =	wrdreg s31  }
0xe: {  	s9 =	simm.s32 $0x3;
	v8 =	vor.u32 $0xA000, v0;
	v9 =	vor.u32 $0xC000, v0;
	v10 =	vor.u32 $0xE000, v0;
	s2 =	simm.s32 $0x0;
	[dreg:$0x9] =	wrdreg s0  }
.LBB2_1:
0xf: {  	[dreg:$0xa] =	wrdreg s2  }
0x10: {  	s0 =	rddreg [dreg:$0x2]  }
0x11: {  	[tilespmem:s4], [sflag:$0x3] =	stream.linear.gather [hbm4b:s0+s4], $0x8000, $0x38;
	[tilespmem:$0x1E500] =	vst v63  }
0x12: {  	_ =	swait.ge [sflag:s9], $0x8000  }
0x13: {  	s31 =	sand.u32 $0x7000, s4;
	s1 =	sand.u32 $0x380, s4;
	[sflag:s9] =	ssyncset.done $0x0  }
0x14: {  	s0 =	sor.u32 s1, s31;
	[sflag:s9] =	ssyncadd.s32 $0xFFFF8000  }
0x15: {  	v11 =	vld [tilespmem:s0+$0x470]  }
0x16: {  	v12 =	vld [tilespmem:s0+$0x800]  }
0x17: {  	v13 =	vld [tilespmem:s0+$0x810]  }
0x18: {  	v14 =	vld [tilespmem:s0+$0x460]  }
0x19: {  	v15 =	vld [tilespmem:s0+$0x450]  }
0x1a: {  	v16 =	vld [tilespmem:s0+$0x820]  }
0x1b: {  	v17 =	vld [tilespmem:s0+$0x440]  }
0x1c: {  	v18 =	vld [tilespmem:s0+$0xC70]  }
0x1d: {  	v19 =	vld [tilespmem:s0+$0xC10]  }
0x1e: {  	v20 =	vld [tilespmem:s0+$0xC50]  }
0x1f: {  	v24 =	vld [tilespmem:s0+$0x830]  }
0x20: {  	v25 =	vld [tilespmem:s0+$0x840]  }
0x21: {  	v22 =	vld [tilespmem:s0+$0xC00]  }
0x22: {  	v21 =	vld [tilespmem:s0+$0xC40]  }
0x23: {  	v23 =	vld [tilespmem:s0+$0x430];
	v19 =	vmul.f32 $2.262741660e+01, v19  }
0x24: {  	v26 =	vld [tilespmem:s0+$0x420];
	v18 =	vmul.f32 $2.262741660e+01, v18  }
0x25: {  	v27 =	vld [tilespmem:s0+$0x410];
	v20 =	vmul.f32 $2.262741660e+01, v20;
	[tilespmem:s0+$0xC10] =	vst v19  }
0x26: {  	v32 =	vld [tilespmem:s0+$0x0];
	v22 =	vmul.f32 $2.262741660e+01, v22;
	[tilespmem:s0+$0xC70] =	vst v18  }
0x27: {  	v18 =	vld [tilespmem:s0+$0xC20];
	v19 =	vmul.f32 $2.262741660e+01, v21;
	[tilespmem:s0+$0xC50] =	vst v20  }
0x28: {  	v23 =	vmul.f32 $2.262741660e+01, v23;
	v21 =	vld [tilespmem:s0+$0x400];
	[tilespmem:s0+$0xC00] =	vst v22  }
0x29: {  	v20 =	vld [tilespmem:s0+$0x70];
	[tilespmem:s0+$0xC40] =	vst v19;
	v19 =	vmul.f32 $2.262741660e+01, v26  }
0x2a: {  	v28 =	vld [tilespmem:s0+$0x60];
	[tilespmem:s0+$0x430] =	vst v23;
	v26 =	vmul.f32 $2.262741660e+01, v17;
	v17 =	vmul.f32 $2.262741660e+01, v27  }
0x2b: {  	v30 =	vld [tilespmem:s0+$0x860];
	v29 =	vmul.f32 $2.262741660e+01, v15;
	[tilespmem:s0+$0x420] =	vst v19;
	v19 =	vmul.f32 $2.262741660e+01, v14  }
0x2c: {  	v27 =	vld [tilespmem:s0+$0x850];
	[tilespmem:s0+$0x410] =	vst v17;
	v17 =	vmul.f32 $2.262741660e+01, v16;
	v16 =	vmul.f32 $2.262741660e+01, v32  }
0x2d: {  	v31 =	vld [tilespmem:s0+$0x870];
	[tilespmem:s0+$0x450] =	vst v29;
	v15 =	vmul.f32 $2.262741660e+01, v18;
	v14 =	vmul.f32 $2.262741660e+01, v21  }
0x2e: {  	v22 =	vld [tilespmem:s0+$0x10];
	[tilespmem:s0+$0x440] =	vst v26;
	v18 =	vmul.f32 $2.262741660e+01, v11;
	v11 =	vmul.f32 $2.262741660e+01, v20  }
0x2f: {  	v23 =	vld [tilespmem:s0+$0x40];
	v20 =	vmul.f32 $2.262741660e+01, v12;
	v12 =	vmul.f32 $2.262741660e+01, v28;
	[tilespmem:s0+$0xC20] =	vst v15  }
0x30: {  	v21 =	vmul.f32 $2.262741660e+01, v13;
	[tilespmem:s0+$0x70] =	vst v11;
	v11 =	vmul.f32 $2.262741660e+01, v24;
	v24 =	vld [tilespmem:s0+$0x20]  }
0x31: {  	[tilespmem:s0+$0x400] =	vst v14;
	v15 =	vmul.f32 $2.262741660e+01, v25;
	v13 =	vmul.f32 $2.262741660e+01, v27;
	v25 =	vld [tilespmem:s0+$0x30]  }
0x32: {  	s2 =	simm.s32 $0x80;
	s1 =	simm.s32 $0x200;
	v26 =	vld [tilespmem:s0+$0xC30];
	[tilespmem:s0+$0x60] =	vst v12;
	v14 =	vmul.f32 $2.262741660e+01, v30;
	v12 =	vmul.f32 $2.262741660e+01, v31  }
.LBB2_2:
0x33: {  	s6 =	sand.u32 $0x7000, s1;
	s7 =	sand.u32 $0x380, s2;
	v22 =	vmul.f32 $2.262741660e+01, v22;
	[tilespmem:s0+$0x460] =	vst v19;
	v19 =	vld [tilespmem:s0+$0xC60]  }
0x34: {  	p0 =	sne.s32 s1, $0x7E00;
	s1 =	sadd.s32 $0x200, s1;
	s6 =	sor.u32 s7, s6;
	v23 =	vmul.f32 $2.262741660e+01, v23;
	v27 =	vld [tilespmem:s0+$0x50];
	[tilespmem:s0+$0x470] =	vst v18  }
0x35: {  	v18 =	vld [tilespmem:s6+$0x470];
	v24 =	vmul.f32 $2.262741660e+01, v24;
	[tilespmem:s0+$0x800] =	vst v20  }
0x36: {  	v20 =	vld [tilespmem:s6+$0x800];
	v25 =	vmul.f32 $2.262741660e+01, v25;
	[tilespmem:s0+$0x810] =	vst v21  }
0x37: {  	v21 =	vld [tilespmem:s6+$0x810];
	[tilespmem:s0+$0x20] =	vst v24;
	v24 =	vmul.f32 $2.262741660e+01, v26  }
0x38: {  	v26 =	vld [tilespmem:s6+$0x460];
	[tilespmem:s0+$0x30] =	vst v25;
	v19 =	vmul.f32 $2.262741660e+01, v19  }
0x39: {  	v25 =	vld [tilespmem:s6+$0x450];
	v27 =	vmul.f32 $2.262741660e+01, v27;
	[tilespmem:s0+$0x820] =	vst v17  }
0x3a: {  	v17 =	vld [tilespmem:s6+$0x820];
	[tilespmem:s0+$0xC30] =	vst v24  }
0x3b: {  	v24 =	vld [tilespmem:s6+$0x440];
	[tilespmem:s0+$0x50] =	vst v27  }
0x3c: {  	v27 =	vld [tilespmem:s6+$0xC70];
	[tilespmem:s0+$0x40] =	vst v23  }
0x3d: {  	v23 =	vld [tilespmem:s6+$0xC10];
	[tilespmem:s0+$0xC60] =	vst v19  }
0x3e: {  	v19 =	vld [tilespmem:s6+$0xC50];
	[tilespmem:s0+$0x830] =	vst v11  }
0x3f: {  	v11 =	vld [tilespmem:s6+$0x830];
	[tilespmem:s0+$0x840] =	vst v15  }
0x40: {  	v15 =	vld [tilespmem:s6+$0x840];
	[tilespmem:s0+$0x10] =	vst v22  }
0x41: {  	v22 =	vld [tilespmem:s6+$0xC40];
	[tilespmem:s0+$0x850] =	vst v13  }
0x42: {  	v27 =	vmul.f32 $2.262741660e+01, v27;
	v13 =	vld [tilespmem:s6+$0xC00];
	[tilespmem:s0+$0x860] =	vst v14  }
0x43: {  	v14 =	vld [tilespmem:s6+$0x430];
	[tilespmem:s0+$0x0] =	vst v16  }
0x44: {  	v23 =	vmul.f32 $2.262741660e+01, v23;
	v16 =	vld [tilespmem:s6+$0x420];
	[tilespmem:s0+$0x870] =	vst v12;
	s0 =	smov.u32 s6  }
0x45: {  	v19 =	vmul.f32 $2.262741660e+01, v19;
	v12 =	vld [tilespmem:s0+$0x410];
	[tilespmem:s0+$0xC70] =	vst v27  }
0x46: {  	v27 =	vmul.f32 $2.262741660e+01, v24;
	[tilespmem:s0+$0xC10] =	vst v23;
	v23 =	vld [tilespmem:s0+$0xC20];
	v22 =	vmul.f32 $2.262741660e+01, v22  }
0x47: {  	v28 =	vmul.f32 $2.262741660e+01, v25;
	v24 =	vld [tilespmem:s0+$0x400];
	v13 =	vmul.f32 $2.262741660e+01, v13;
	[tilespmem:s0+$0xC50] =	vst v19  }
0x48: {  	v19 =	vmul.f32 $2.262741660e+01, v26;
	v25 =	vld [tilespmem:s0+$0x70];
	v14 =	vmul.f32 $2.262741660e+01, v14;
	[tilespmem:s0+$0xC40] =	vst v22  }
0x49: {  	v18 =	vmul.f32 $2.262741660e+01, v18;
	v26 =	vld [tilespmem:s0+$0x60];
	v16 =	vmul.f32 $2.262741660e+01, v16;
	[tilespmem:s0+$0xC00] =	vst v13  }
0x4a: {  	v20 =	vmul.f32 $2.262741660e+01, v20;
	v12 =	vmul.f32 $2.262741660e+01, v12;
	[tilespmem:s0+$0x430] =	vst v14;
	v13 =	vld [tilespmem:s0+$0x850]  }
0x4b: {  	v21 =	vmul.f32 $2.262741660e+01, v21;
	[tilespmem:s0+$0x420] =	vst v16;
	v14 =	vld [tilespmem:s0+$0x860];
	v16 =	vmul.f32 $2.262741660e+01, v23  }
0x4c: {  	v17 =	vmul.f32 $2.262741660e+01, v17;
	v23 =	vmul.f32 $2.262741660e+01, v24;
	[tilespmem:s0+$0x410] =	vst v12;
	v12 =	vld [tilespmem:s0+$0x870]  }
0x4d: {  	v11 =	vmul.f32 $2.262741660e+01, v11;
	v29 =	vld [tilespmem:s0+$0x0];
	v24 =	vmul.f32 $2.262741660e+01, v25;
	[tilespmem:s0+$0xC20] =	vst v16  }
.Ltmp0:
0x4e: {  	v15 =	vmul.f32 $2.262741660e+01, v15;
	v22 =	vld [tilespmem:s0+$0x10];
	v16 =	vmul.f32 $2.262741660e+01, v26;
	[tilespmem:s0+$0x400] =	vst v23;
	(pc) =	sbr.rel @p0 .LBB2_2-.Ltmp0, $4  }
0x4f: {  	v23 =	vld [tilespmem:s0+$0x40];
	[tilespmem:s0+$0x70] =	vst v24;
	v13 =	vmul.f32 $2.262741660e+01, v13  }
0x50: {  	v24 =	vld [tilespmem:s0+$0x20];
	[tilespmem:s0+$0x60] =	vst v16;
	v14 =	vmul.f32 $2.262741660e+01, v14  }
0x51: {  	v25 =	vld [tilespmem:s0+$0x30];
	[tilespmem:s0+$0x440] =	vst v27;
	v12 =	vmul.f32 $2.262741660e+01, v12  }
0x52: {  	s2 =	sadd.s32 $0x80, s2;
	v16 =	vmul.f32 $2.262741660e+01, v29;
	[tilespmem:s0+$0x450] =	vst v28;
	v26 =	vld [tilespmem:s0+$0xC30]  }
0x53: {  	[tilespmem:s0+$0x460] =	vst v19  }
0x54: {  	[tilespmem:s0+$0x470] =	vst v18  }
0x55: {  	[tilespmem:s0+$0x800] =	vst v20  }
0x56: {  	[tilespmem:s0+$0x810] =	vst v21  }
0x57: {  	[tilespmem:s0+$0x820] =	vst v17  }
0x58: {  	[tilespmem:s0+$0x830] =	vst v11  }
0x59: {  	[tilespmem:s0+$0x840] =	vst v15  }
0x5a: {  	[tilespmem:s0+$0x850] =	vst v13  }
0x5b: {  	[tilespmem:s0+$0x860] =	vst v14  }
0x5c: {  	v56 =	vld [tilespmem:s0+$0x50];
	v63 =	vmul.f32 $2.262741660e+01, v22;
	[tilespmem:s0+$0x870] =	vst v12  }
0x5d: {  	v58 =	vld [tilespmem:s0+$0xC60];
	v61 =	vmul.f32 $2.262741660e+01, v23;
	[tilespmem:s0+$0x0] =	vst v16  }
0x5e: {  	v57 =	vmul.f32 $2.262741660e+01, v24;
	[tilespmem:s0+$0x10] =	vst v63  }
0x5f: {  	v59 =	vmul.f32 $2.262741660e+01, v25;
	[tilespmem:s0+$0x40] =	vst v61  }
0x60: {  	[tilespmem:s0+$0x20] =	vst v57;
	v60 =	vmul.f32 $2.262741660e+01, v26  }
0x61: {  	[tilespmem:s0+$0x30] =	vst v59;
	v19 =	vmul.f32 $2.262741660e+01, v56  }
0x62: {  	v62 =	vmul.f32 $2.262741660e+01, v58;
	[tilespmem:s0+$0xC30] =	vst v60  }
0x63: {  	[tilespmem:s0+$0x50] =	vst v19  }
0x64: {  	s29 =	rddreg [dreg:$0x5];
	s1 =	simm.s32 $0x8000;
	[tilespmem:s0+$0xC60] =	vst v62  }
0x65: {  	[tilespmem:s1], [sflag:$0x3] =	stream.linear.gather [hbm4b:s29+s22], $0x2000, $0x38;
	[tilespmem:$0x1E500] =	vst v63  }
0x66: {  	_ =	swait.ge [sflag:s9], $0x2000  }
0x67: {  	s31 =	simm.s32 $0x400;
	s2 =	simm.s32 $0x1000;
	[sflag:s9] =	ssyncset.done $0x0  }
0x68: {  	s6 =	simm.s32 $0xA000;
	s30 =	rddreg [dreg:$0x6];
	[sflag:s9] =	ssyncadd.s32 $0xFFFFE000  }
0x69: {  	[tilespmem:s6], [sflag:$0x3] =	stream.strided.gather [hbm4b:s30+s31], $0x4000, s2, s31, $0x38;
	[tilespmem:$0x1E500] =	vst v63  }
0x6a: {  	_ =	swait.ge [sflag:s9], $0x4000  }
0x6b: {  	[sflag:s9] =	ssyncset.done $0x0;
	s23 =	rddreg [dreg:$0x9]  }
0x6c: {  	s25 =	simm.s32 $0x0;
	s24 =	rddreg [dreg:$0x8];
	[sflag:s9] =	ssyncadd.s32 $0xFFFFC000  }
.LBB2_4:
0x6d: {  	s0 =	sshll.u32 s25, $0x9;
	s1 =	sshll.u32 s25, $0x7  }
0x6e: {  	s0 =	sand.u32 $0x1000, s0;
	s1 =	sand.u32 $0x380, s1  }
0x6f: {  	s0 =	sor.u32 s1, s0  }
0x70: {  	v42 =	vld [tilespmem:s0+$0x8000]  }
0x71: {  	v41 =	vld [tilespmem:s0+$0x8010]  }
0x72: {  	v40 =	vld [tilespmem:s0+$0x8020]  }
0x73: {  	v39 =	vld [tilespmem:s0+$0x8030]  }
0x74: {  	v38 =	vld [tilespmem:s0+$0x8040]  }
0x75: {  	v37 =	vld [tilespmem:s0+$0x8050]  }
0x76: {  	v36 =	vld [tilespmem:s0+$0x8060]  }
0x77: {  	v35 =	vld [tilespmem:s0+$0x8070]  }
0x78: {  	v34 =	vld [tilespmem:s0+$0x8400]  }
0x79: {  	v33 =	vld [tilespmem:s0+$0x8410]  }
0x7a: {  	v32 =	vld [tilespmem:s0+$0x8420]  }
0x7b: {  	v31 =	vld [tilespmem:s0+$0x8430]  }
0x7c: {  	v30 =	vld [tilespmem:s0+$0x8440]  }
0x7d: {  	v29 =	vld [tilespmem:s0+$0x8450]  }
0x7e: {  	v28 =	vld [tilespmem:s0+$0x8460]  }
0x7f: {  	v27 =	vld [tilespmem:s0+$0x8470]  }
0x80: {  	v26 =	vld [tilespmem:s0+$0x8800]  }
0x81: {  	v25 =	vld [tilespmem:s0+$0x8810]  }
0x82: {  	v24 =	vld [tilespmem:s0+$0x8820]  }
0x83: {  	v23 =	vld [tilespmem:s0+$0x8830]  }
0x84: {  	v22 =	vld [tilespmem:s0+$0x8840]  }
0x85: {  	v21 =	vld [tilespmem:s0+$0x8850]  }
0x86: {  	v20 =	vld [tilespmem:s0+$0x8860]  }
0x87: {  	v19 =	vld [tilespmem:s0+$0x8870]  }
0x88: {  	v18 =	vld [tilespmem:s0+$0x8C00]  }
0x89: {  	v17 =	vld [tilespmem:s0+$0x8C10]  }
0x8a: {  	v16 =	vld [tilespmem:s0+$0x8C20]  }
0x8b: {  	v15 =	vld [tilespmem:s0+$0x8C30]  }
0x8c: {  	v14 =	vld [tilespmem:s0+$0x8C40]  }
0x8d: {  	v13 =	vld [tilespmem:s0+$0x8C50]  }
0x8e: {  	p0 =	seq.s32 s25, $0x0;
	v43 =	vmov s24;
	v12 =	vld [tilespmem:s0+$0x8C60]  }
0x8f: {  	v11 =	vld [tilespmem:s0+$0x8C70];
	s0 =	simm.s32 @!p0 $0x1  }
0x90: {  	_ =	swait.ge @!p0 [sflag:s0], $0x8000  }
0x91: {  	[sflag:s0] =	ssyncset.done @!p0 $0x0  }
0x92: {  	s11 =	simm.s32 $0x0;
	[sflag:s0] =	ssyncadd.s32 @!p0 $0xFFFF8000  }
0x93: {  	v44 =	vld.idx.msk [tilespmem:v43+s11+$0x0 ss:$0x1], $0xffff;
	_ =	sdelay $0x4  }
0x94: {  	(v2sf) =	vpush v44, $0x0;
	_ =	sdelay $0xe  }
0x95: {  	s12 =	spop (v2sf)  }
0x96: {  	s13 =	sshll.u32 s12, $0x9;
	s0 =	sshll.u32 s12, $0x7  }
0x97: {  	s1 =	sand.u32 $0xFFFFF000, s13;
	s0 =	sand.u32 $0x380, s0  }
0x98: {  	s9 =	sor.u32 s0, s1  }
0x99: {  	v55 =	vld [tilespmem:s9+$0x0];
	_ =	sdelay $0x4  }
0x9a: {  	s14 =	sand.u32 $0x7000, s22;
	s15 =	sand.u32 $0x380, s22;
	v44 =	vadd.f32 v55, v42  }
0x9b: {  	s7 =	sor.u32 s15, s14  }
0x9c: {  	[tilespmem:s7+$0xE400] =	vst v44  }
0x9d: {  	s16 =	simm.s32 $0x80;
	v44 =	vld [tilespmem:s9+$0x10]  }
0x9e: {  	v45 =	vld.idx.msk [tilespmem:v43+s16+$0x0 ss:$0x1], $0xffff;
	_ =	sdelay $0x3  }
0x9f: {  	v44 =	vadd.f32 v44, v41  }
0xa0: {  	(v2sf) =	vpush v45, $0x0  }
0xa1: {  	[tilespmem:s7+$0xE410] =	vst v44  }
0xa2: {  	v44 =	vld [tilespmem:s9+$0x20];
	_ =	sdelay $0x4  }
0xa3: {  	v44 =	vadd.f32 v44, v40;
	_ =	sdelay $0x1  }
0xa4: {  	[tilespmem:s7+$0xE420] =	vst v44  }
0xa5: {  	v44 =	vld [tilespmem:s9+$0x30];
	_ =	sdelay $0x4  }
0xa6: {  	s17 =	spop (v2sf);
	v44 =	vadd.f32 v44, v39  }
0xa7: {  	s18 =	sshll.u32 s17, $0x9;
	s0 =	sshll.u32 s17, $0x7  }
0xa8: {  	s1 =	sand.u32 $0xFFFFF000, s18;
	s0 =	sand.u32 $0x380, s0;
	[tilespmem:s7+$0xE430] =	vst v44  }
0xa9: {  	s15 =	sor.u32 s0, s1;
	v44 =	vld [tilespmem:s9+$0x40]  }
0xaa: {  	v56 =	vld [tilespmem:s15+$0x0];
	_ =	sdelay $0x3  }
0xab: {  	s19 =	simm.s32 $0x200;
	s26 =	simm.s32 $0x80;
	v44 =	vadd.f32 v44, v38  }
0xac: {  	s0 =	sand.u32 $0x7000, s19;
	s1 =	sand.u32 $0x380, s26;
	v45 =	vadd.f32 v56, v42  }
0xad: {  	s14 =	sor.u32 s1, s0;
	[tilespmem:s7+$0xE440] =	vst v44  }
0xae: {  	[tilespmem:s14+$0xE400] =	vst v45;
	v44 =	vld [tilespmem:s9+$0x50]  }
0xaf: {  	s2 =	simm.s32 $0x100;
	v45 =	vld [tilespmem:s15+$0x10]  }
0xb0: {  	v46 =	vld.idx.msk [tilespmem:v43+s2+$0x0 ss:$0x1], $0xffff;
	_ =	sdelay $0x2  }
0xb1: {  	v44 =	vadd.f32 v44, v37  }
0xb2: {  	v45 =	vadd.f32 v45, v41  }
0xb3: {  	(v2sf) =	vpush v46, $0x0;
	[tilespmem:s7+$0xE450] =	vst v44  }
0xb4: {  	[tilespmem:s14+$0xE410] =	vst v45;
	v44 =	vld [tilespmem:s9+$0x60]  }
0xb5: {  	v45 =	vld [tilespmem:s15+$0x20];
	_ =	sdelay $0x3  }
0xb6: {  	v44 =	vadd.f32 v44, v36  }
0xb7: {  	v45 =	vadd.f32 v45, v40  }
0xb8: {  	[tilespmem:s7+$0xE460] =	vst v44  }
0xb9: {  	[tilespmem:s14+$0xE420] =	vst v45;
	v44 =	vld [tilespmem:s9+$0x70]  }
0xba: {  	v45 =	vld [tilespmem:s15+$0x30];
	_ =	sdelay $0x3  }
0xbb: {  	v44 =	vadd.f32 v44, v35  }
0xbc: {  	s6 =	spop (v2sf);
	v45 =	vadd.f32 v45, v39  }
0xbd: {  	s10 =	sshll.u32 s6, $0x9;
	s0 =	sshll.u32 s6, $0x7;
	[tilespmem:s7+$0xE470] =	vst v44  }
0xbe: {  	s1 =	sand.u32 $0xFFFFF000, s10;
	s0 =	sand.u32 $0x380, s0;
	[tilespmem:s14+$0xE430] =	vst v45;
	v44 =	vld [tilespmem:s9+$0x400]  }
0xbf: {  	s28 =	sor.u32 s0, s1;
	v45 =	vld [tilespmem:s15+$0x40]  }
0xc0: {  	v57 =	vld [tilespmem:s28+$0x0];
	_ =	sdelay $0x2  }
0xc1: {  	v44 =	vadd.f32 v44, v34  }
0xc2: {  	s11 =	simm.s32 $0x400;
	s12 =	simm.s32 $0x100;
	v45 =	vadd.f32 v45, v38  }
0xc3: {  	s0 =	sand.u32 $0x7000, s11;
	s1 =	sand.u32 $0x380, s12;
	v46 =	vadd.f32 v57, v42;
	[tilespmem:s7+$0xE800] =	vst v44  }
0xc4: {  	s26 =	sor.u32 s1, s0;
	[tilespmem:s14+$0xE440] =	vst v45;
	v44 =	vld [tilespmem:s9+$0x410]  }
0xc5: {  	[tilespmem:s26+$0xE400] =	vst v46;
	v45 =	vld [tilespmem:s15+$0x50]  }
0xc6: {  	s13 =	simm.s32 $0x180;
	v46 =	vld [tilespmem:s28+$0x10]  }
0xc7: {  	v47 =	vld.idx.msk [tilespmem:v43+s13+$0x0 ss:$0x1], $0xffff;
	_ =	sdelay $0x1  }
0xc8: {  	v44 =	vadd.f32 v44, v33  }
0xc9: {  	v45 =	vadd.f32 v45, v37  }
0xca: {  	v46 =	vadd.f32 v46, v41;
	[tilespmem:s7+$0xE810] =	vst v44  }
0xcb: {  	(v2sf) =	vpush v47, $0x0;
	[tilespmem:s14+$0xE450] =	vst v45;
	v44 =	vld [tilespmem:s9+$0x420]  }
0xcc: {  	[tilespmem:s26+$0xE410] =	vst v46;
	v45 =	vld [tilespmem:s15+$0x60]  }
0xcd: {  	v46 =	vld [tilespmem:s28+$0x20];
	_ =	sdelay $0x2  }
0xce: {  	v44 =	vadd.f32 v44, v32  }
0xcf: {  	v45 =	vadd.f32 v45, v36  }
0xd0: {  	v46 =	vadd.f32 v46, v40;
	[tilespmem:s7+$0xE820] =	vst v44  }
0xd1: {  	[tilespmem:s14+$0xE460] =	vst v45;
	v44 =	vld [tilespmem:s9+$0x430]  }
0xd2: {  	[tilespmem:s26+$0xE420] =	vst v46;
	v45 =	vld [tilespmem:s15+$0x70]  }
0xd3: {  	v46 =	vld [tilespmem:s28+$0x30];
	_ =	sdelay $0x2  }
0xd4: {  	v44 =	vadd.f32 v44, v31  }
0xd5: {  	v45 =	vadd.f32 v45, v35  }
0xd6: {  	s16 =	spop (v2sf);
	v46 =	vadd.f32 v46, v39;
	[tilespmem:s7+$0xE830] =	vst v44  }
0xd7: {  	s17 =	sshll.u32 s16, $0x9;
	s0 =	sshll.u32 s16, $0x7;
	[tilespmem:s14+$0xE470] =	vst v45;
	v44 =	vld [tilespmem:s9+$0x440]  }
0xd8: {  	s1 =	sand.u32 $0xFFFFF000, s17;
	s0 =	sand.u32 $0x380, s0;
	[tilespmem:s26+$0xE430] =	vst v46;
	v45 =	vld [tilespmem:s15+$0x400]  }
0xd9: {  	s30 =	sor.u32 s0, s1;
	v46 =	vld [tilespmem:s28+$0x40]  }
0xda: {  	v58 =	vld [tilespmem:s30+$0x0];
	_ =	sdelay $0x1  }
0xdb: {  	v44 =	vadd.f32 v44, v30  }
0xdc: {  	v45 =	vadd.f32 v45, v34  }
0xdd: {  	s18 =	simm.s32 $0x600;
	s19 =	simm.s32 $0x180;
	v46 =	vadd.f32 v46, v38;
	[tilespmem:s7+$0xE840] =	vst v44  }
0xde: {  	s0 =	sand.u32 $0x7000, s18;
	s1 =	sand.u32 $0x380, s19;
	v59 =	vadd.f32 v58, v42;
	[tilespmem:s14+$0xE800] =	vst v45;
	v60 =	vld [tilespmem:s9+$0x450]  }
0xdf: {  	s29 =	sor.u32 s1, s0;
	[tilespmem:s26+$0xE440] =	vst v46;
	v61 =	vld [tilespmem:s15+$0x410]  }
0xe0: {  	[tilespmem:s29+$0xE400] =	vst v59;
	v62 =	vld [tilespmem:s28+$0x50]  }
0xe1: {  	s1 =	simm.s32 $0x200;
	v63 =	vld [tilespmem:s30+$0x10]  }
0xe2: {  	v48 =	vld.idx.msk [tilespmem:v43+s1+$0x0 ss:$0x1], $0xffff  }
0xe3: {  	v45 =	vadd.f32 v60, v29  }
0xe4: {  	v46 =	vadd.f32 v61, v33  }
0xe5: {  	v44 =	vadd.f32 v62, v37;
	[tilespmem:s7+$0xE850] =	vst v45  }
0xe6: {  	v49 =	vadd.f32 v63, v41;
	[tilespmem:s14+$0xE810] =	vst v46;
	v50 =	vld [tilespmem:s9+$0x460]  }
0xe7: {  	(v2sf) =	vpush v48, $0x0;
	v51 =	vld [tilespmem:s15+$0x420];
	[tilespmem:s26+$0xE450] =	vst v44  }
0xe8: {  	[tilespmem:s29+$0xE410] =	vst v49;
	v52 =	vld [tilespmem:s28+$0x60]  }
0xe9: {  	v53 =	vld [tilespmem:s30+$0x20];
	_ =	sdelay $0x1  }
0xea: {  	v46 =	vadd.f32 v50, v28  }
0xeb: {  	v44 =	vadd.f32 v51, v32  }
0xec: {  	v45 =	vadd.f32 v52, v36;
	[tilespmem:s7+$0xE860] =	vst v46  }
0xed: {  	v54 =	vadd.f32 v53, v40;
	[tilespmem:s14+$0xE820] =	vst v44;
	v55 =	vld [tilespmem:s9+$0x470]  }
0xee: {  	v56 =	vld [tilespmem:s15+$0x430];
	[tilespmem:s26+$0xE460] =	vst v45  }
0xef: {  	[tilespmem:s29+$0xE420] =	vst v54;
	v57 =	vld [tilespmem:s28+$0x70]  }
0xf0: {  	v58 =	vld [tilespmem:s30+$0x30];
	_ =	sdelay $0x1  }
0xf1: {  	v44 =	vadd.f32 v55, v27  }
0xf2: {  	v45 =	vadd.f32 v56, v31  }
0xf3: {  	v46 =	vadd.f32 v57, v35;
	[tilespmem:s7+$0xE870] =	vst v44  }
0xf4: {  	s2 =	spop (v2sf);
	v59 =	vadd.f32 v58, v39;
	[tilespmem:s14+$0xE830] =	vst v45;
	v60 =	vld [tilespmem:s9+$0x800]  }
0xf5: {  	s6 =	sshll.u32 s2, $0x9;
	s0 =	sshll.u32 s2, $0x7;
	v61 =	vld [tilespmem:s15+$0x440];
	[tilespmem:s26+$0xE470] =	vst v46  }
0xf6: {  	s1 =	sand.u32 $0xFFFFF000, s6;
	s0 =	sand.u32 $0x380, s0;
	[tilespmem:s29+$0xE430] =	vst v59;
	v62 =	vld [tilespmem:s28+$0x400]  }
0xf7: {  	s1 =	sor.u32 s0, s1;
	v63 =	vld [tilespmem:s30+$0x40]  }
0xf8: {  	v52 =	vld [tilespmem:s1+$0x0]  }
0xf9: {  	v45 =	vadd.f32 v60, v26  }
0xfa: {  	v46 =	vadd.f32 v61, v30  }
0xfb: {  	v44 =	vadd.f32 v62, v34;
	[tilespmem:s7+$0xEC00] =	vst v45  }
0xfc: {  	s10 =	simm.s32 $0x800;
	s2 =	simm.s32 $0x200;
	v53 =	vadd.f32 v63, v38;
	[tilespmem:s14+$0xE840] =	vst v46;
	v54 =	vld [tilespmem:s9+$0x810]  }
0xfd: {  	s2 =	sand.u32 $0x380, s2;
	s0 =	sand.u32 $0x7000, s10;
	v56 =	vld [tilespmem:s15+$0x450];
	v55 =	vadd.f32 v52, v42;
	[tilespmem:s26+$0xE800] =	vst v44  }
0xfe: {  	s0 =	sor.u32 s2, s0;
	[tilespmem:s29+$0xE440] =	vst v53;
	v57 =	vld [tilespmem:s28+$0x410]  }
0xff: {  	v58 =	vld [tilespmem:s30+$0x50];
	[tilespmem:s0+$0xE400] =	vst v55  }
0x100: {  	s11 =	simm.s32 $0x280;
	v59 =	vld [tilespmem:s1+$0x10]  }
0x101: {  	v49 =	vld.idx.msk [tilespmem:v43+s11+$0x0 ss:$0x1], $0xffff;
	v46 =	vadd.f32 v54, v25  }
0x102: {  	v44 =	vadd.f32 v56, v29  }
0x103: {  	v45 =	vadd.f32 v57, v33;
	[tilespmem:s7+$0xEC10] =	vst v46  }
0x104: {  	[tilespmem:s14+$0xE850] =	vst v44;
	v60 =	vadd.f32 v58, v37;
	v61 =	vld [tilespmem:s9+$0x820]  }
0x105: {  	v63 =	vld [tilespmem:s15+$0x460];
	v62 =	vadd.f32 v59, v41;
	[tilespmem:s26+$0xE810] =	vst v45  }
0x106: {  	(v2sf) =	vpush v49, $0x0;
	[tilespmem:s29+$0xE450] =	vst v60;
	v52 =	vld [tilespmem:s28+$0x420]  }
0x107: {  	[tilespmem:s0+$0xE410] =	vst v62;
	v53 =	vld [tilespmem:s30+$0x60]  }
0x108: {  	v54 =	vld [tilespmem:s1+$0x20]  }
0x109: {  	v44 =	vadd.f32 v61, v24  }
0x10a: {  	v45 =	vadd.f32 v63, v28  }
0x10b: {  	v46 =	vadd.f32 v52, v32;
	[tilespmem:s7+$0xEC20] =	vst v44  }
0x10c: {  	[tilespmem:s14+$0xE860] =	vst v45;
	v55 =	vadd.f32 v53, v36;
	v56 =	vld [tilespmem:s9+$0x830]  }
0x10d: {  	v58 =	vld [tilespmem:s15+$0x470];
	[tilespmem:s26+$0xE820] =	vst v46;
	v57 =	vadd.f32 v54, v40  }
0x10e: {  	[tilespmem:s29+$0xE460] =	vst v55;
	v59 =	vld [tilespmem:s28+$0x430]  }
0x10f: {  	v60 =	vld [tilespmem:s30+$0x70];
	[tilespmem:s0+$0xE420] =	vst v57  }
0x110: {  	v61 =	vld [tilespmem:s1+$0x30]  }
0x111: {  	v45 =	vadd.f32 v56, v23  }
0x112: {  	v46 =	vadd.f32 v58, v27  }
0x113: {  	v44 =	vadd.f32 v59, v31;
	[tilespmem:s7+$0xEC30] =	vst v45  }
0x114: {  	[tilespmem:s14+$0xE870] =	vst v46;
	v62 =	vadd.f32 v60, v35;
	v63 =	vld [tilespmem:s9+$0x840]  }
0x115: {  	s12 =	spop (v2sf);
	v52 =	vld [tilespmem:s15+$0x800];
	[tilespmem:s26+$0xE830] =	vst v44;
	v51 =	vadd.f32 v61, v39  }
0x116: {  	s6 =	sshll.u32 s12, $0x9;
	s2 =	sshll.u32 s12, $0x7;
	[tilespmem:s29+$0xE470] =	vst v62;
	v53 =	vld [tilespmem:s28+$0x440]  }
0x117: {  	s6 =	sand.u32 $0xFFFFF000, s6;
	s2 =	sand.u32 $0x380, s2;
	v54 =	vld [tilespmem:s30+$0x400];
	[tilespmem:s0+$0xE430] =	vst v51  }
0x118: {  	s2 =	sor.u32 s2, s6;
	v55 =	vld [tilespmem:s1+$0x40]  }
0x119: {  	v56 =	vld [tilespmem:s2+$0x0];
	v46 =	vadd.f32 v63, v22  }
0x11a: {  	v44 =	vadd.f32 v52, v26  }
0x11b: {  	v45 =	vadd.f32 v53, v30;
	[tilespmem:s7+$0xEC40] =	vst v46  }
0x11c: {  	[tilespmem:s14+$0xEC00] =	vst v44;
	v57 =	vadd.f32 v54, v34;
	v58 =	vld [tilespmem:s9+$0x850]  }
0x11d: {  	s13 =	simm.s32 $0xA00;
	s10 =	simm.s32 $0x280;
	v60 =	vld [tilespmem:s15+$0x810];
	[tilespmem:s26+$0xE840] =	vst v45;
	v59 =	vadd.f32 v55, v38  }
0x11e: {  	s10 =	sand.u32 $0x380, s10;
	s6 =	sand.u32 $0x7000, s13;
	[tilespmem:s29+$0xE800] =	vst v57;
	v61 =	vadd.f32 v56, v42;
	v62 =	vld [tilespmem:s28+$0x450]  }
0x11f: {  	s13 =	sor.u32 s10, s6;
	[tilespmem:s0+$0xE440] =	vst v59;
	v63 =	vld [tilespmem:s30+$0x410]  }
0x120: {  	[tilespmem:s13+$0xE400] =	vst v61;
	v52 =	vld [tilespmem:s1+$0x50]  }
0x121: {  	s16 =	simm.s32 $0x300;
	v53 =	vld [tilespmem:s2+$0x10];
	v44 =	vadd.f32 v58, v21  }
0x122: {  	v50 =	vld.idx.msk [tilespmem:v43+s16+$0x0 ss:$0x1], $0xffff;
	v45 =	vadd.f32 v60, v25  }
0x123: {  	v46 =	vadd.f32 v62, v29;
	[tilespmem:s7+$0xEC50] =	vst v44  }
0x124: {  	[tilespmem:s14+$0xEC10] =	vst v45;
	v54 =	vadd.f32 v63, v33;
	v55 =	vld [tilespmem:s9+$0x860]  }
0x125: {  	v57 =	vld [tilespmem:s15+$0x820];
	[tilespmem:s26+$0xE850] =	vst v46;
	v56 =	vadd.f32 v52, v37  }
0x126: {  	v59 =	vld [tilespmem:s28+$0x460];
	[tilespmem:s29+$0xE810] =	vst v54;
	v58 =	vadd.f32 v53, v41  }
0x127: {  	(v2sf) =	vpush v50, $0x0;
	[tilespmem:s0+$0xE450] =	vst v56;
	v60 =	vld [tilespmem:s30+$0x420]  }
0x128: {  	v61 =	vld [tilespmem:s1+$0x60];
	[tilespmem:s13+$0xE410] =	vst v58  }
0x129: {  	v62 =	vld [tilespmem:s2+$0x20];
	v45 =	vadd.f32 v55, v20  }
0x12a: {  	v46 =	vadd.f32 v57, v24  }
0x12b: {  	v44 =	vadd.f32 v59, v28;
	[tilespmem:s7+$0xEC60] =	vst v45  }
0x12c: {  	[tilespmem:s14+$0xEC20] =	vst v46;
	v63 =	vadd.f32 v60, v32;
	v52 =	vld [tilespmem:s9+$0x870]  }
0x12d: {  	v54 =	vld [tilespmem:s15+$0x830];
	[tilespmem:s26+$0xE860] =	vst v44;
	v53 =	vadd.f32 v61, v36  }
0x12e: {  	v56 =	vld [tilespmem:s28+$0x470];
	[tilespmem:s29+$0xE820] =	vst v63;
	v55 =	vadd.f32 v62, v40  }
0x12f: {  	[tilespmem:s0+$0xE460] =	vst v53;
	v57 =	vld [tilespmem:s30+$0x430]  }
0x130: {  	v58 =	vld [tilespmem:s1+$0x70];
	[tilespmem:s13+$0xE420] =	vst v55  }
0x131: {  	v59 =	vld [tilespmem:s2+$0x30];
	v46 =	vadd.f32 v52, v19  }
0x132: {  	v44 =	vadd.f32 v54, v23  }
0x133: {  	v45 =	vadd.f32 v56, v27;
	[tilespmem:s7+$0xEC70] =	vst v46  }
0x134: {  	[tilespmem:s14+$0xEC30] =	vst v44;
	v60 =	vadd.f32 v57, v31;
	v61 =	vld [tilespmem:s9+$0xC00]  }
0x135: {  	v63 =	vld [tilespmem:s15+$0x840];
	[tilespmem:s26+$0xE870] =	vst v45;
	v62 =	vadd.f32 v58, v35  }
0x136: {  	s17 =	spop (v2sf);
	v53 =	vld [tilespmem:s28+$0x800];
	[tilespmem:s29+$0xE830] =	vst v60;
	v52 =	vadd.f32 v59, v39  }
0x137: {  	s19 =	simm.s32 $0xC00;
	s18 =	sshll.u32 s17, $0x9;
	s6 =	sshll.u32 s17, $0x7;
	[tilespmem:s0+$0xE470] =	vst v62;
	v54 =	vld [tilespmem:s30+$0x440]  }
0x138: {  	s11 =	simm.s32 $0x300;
	s10 =	sand.u32 $0xFFFFF000, s18;
	s6 =	sand.u32 $0x380, s6;
	v55 =	vld [tilespmem:s1+$0x400];
	[tilespmem:s13+$0xE430] =	vst v52  }
0x139: {  	s11 =	sand.u32 $0x380, s11;
	s6 =	sor.u32 s6, s10;
	s10 =	sand.u32 $0x7000, s19;
	v56 =	vld [tilespmem:s2+$0x40];
	v44 =	vadd.f32 v61, v18  }
0x13a: {  	s16 =	sor.u32 s11, s10;
	s11 =	simm.s32 $0x380;
	v45 =	vadd.f32 v63, v22;
	v57 =	vld [tilespmem:s6+$0x0]  }
0x13b: {  	v51 =	vld.idx.msk [tilespmem:v43+s11+$0x0 ss:$0x1], $0xffff;
	v46 =	vadd.f32 v53, v26;
	[tilespmem:s7+$0xF000] =	vst v44  }
0x13c: {  	[tilespmem:s14+$0xEC40] =	vst v45;
	v58 =	vadd.f32 v54, v30;
	v59 =	vld [tilespmem:s9+$0xC10]  }
0x13d: {  	[tilespmem:s26+$0xEC00] =	vst v46;
	v60 =	vadd.f32 v55, v34;
	v61 =	vld [tilespmem:s15+$0x850]  }
0x13e: {  	v63 =	vld [tilespmem:s28+$0x810];
	[tilespmem:s29+$0xE840] =	vst v58;
	v62 =	vadd.f32 v56, v38  }
0x13f: {  	v54 =	vadd.f32 v57, v42;
	[tilespmem:s0+$0xE800] =	vst v60;
	v55 =	vld [tilespmem:s30+$0x450]  }
0x140: {  	(v2sf) =	vpush v51, $0x0;
	v56 =	vld [tilespmem:s1+$0x410];
	[tilespmem:s13+$0xE440] =	vst v62  }
0x141: {  	[tilespmem:s16+$0xE400] =	vst v54;
	v57 =	vld [tilespmem:s2+$0x50];
	v45 =	vadd.f32 v59, v17  }
0x142: {  	v58 =	vld [tilespmem:s6+$0x10];
	v46 =	vadd.f32 v61, v21  }
0x143: {  	v44 =	vadd.f32 v63, v25;
	[tilespmem:s7+$0xF010] =	vst v45  }
0x144: {  	[tilespmem:s14+$0xEC50] =	vst v46;
	v59 =	vadd.f32 v55, v29;
	v60 =	vld [tilespmem:s9+$0xC20]  }
0x145: {  	[tilespmem:s26+$0xEC10] =	vst v44;
	v61 =	vadd.f32 v56, v33;
	v62 =	vld [tilespmem:s15+$0x860]  }
0x146: {  	v52 =	vld [tilespmem:s28+$0x820];
	v63 =	vadd.f32 v57, v37;
	[tilespmem:s29+$0xE850] =	vst v59  }
0x147: {  	v53 =	vadd.f32 v58, v41;
	[tilespmem:s0+$0xE810] =	vst v61;
	v54 =	vld [tilespmem:s30+$0x460]  }
0x148: {  	v55 =	vld [tilespmem:s1+$0x420];
	[tilespmem:s13+$0xE450] =	vst v63  }
0x149: {  	[tilespmem:s16+$0xE410] =	vst v53;
	v56 =	vld [tilespmem:s2+$0x60];
	v46 =	vadd.f32 v60, v16  }
0x14a: {  	v57 =	vld [tilespmem:s6+$0x20];
	v44 =	vadd.f32 v62, v20  }
0x14b: {  	v45 =	vadd.f32 v52, v24;
	[tilespmem:s7+$0xF020] =	vst v46  }
0x14c: {  	[tilespmem:s14+$0xEC60] =	vst v44;
	v58 =	vadd.f32 v54, v28;
	v59 =	vld [tilespmem:s9+$0xC30]  }
0x14d: {  	[tilespmem:s26+$0xEC20] =	vst v45;
	v60 =	vadd.f32 v55, v32;
	v61 =	vld [tilespmem:s15+$0x870]  }
0x14e: {  	v63 =	vld [tilespmem:s28+$0x830];
	v62 =	vadd.f32 v56, v36;
	[tilespmem:s29+$0xE860] =	vst v58  }
0x14f: {  	s17 =	spop (v2sf);
	v53 =	vadd.f32 v57, v40;
	[tilespmem:s0+$0xE820] =	vst v60;
	v54 =	vld [tilespmem:s30+$0x470]  }
0x150: {  	s18 =	sshll.u32 s17, $0x9;
	s10 =	sshll.u32 s17, $0x7;
	[tilespmem:s13+$0xE460] =	vst v62;
	v55 =	vld [tilespmem:s1+$0x430]  }
0x151: {  	s11 =	sand.u32 $0xFFFFF000, s18;
	s10 =	sand.u32 $0x380, s10;
	[tilespmem:s16+$0xE420] =	vst v53;
	v56 =	vld [tilespmem:s2+$0x70];
	v57 =	vadd.f32 v59, v15  }
0x152: {  	s10 =	sor.u32 s10, s11;
	v58 =	vld [tilespmem:s6+$0x30];
	v45 =	vadd.f32 v61, v19  }
0x153: {  	v52 =	vld [tilespmem:s10+$0x0];
	v46 =	vadd.f32 v63, v23;
	[tilespmem:s7+$0xF030] =	vst v57  }
0x154: {  	[tilespmem:s14+$0xEC70] =	vst v45;
	v47 =	vadd.f32 v54, v27;
	v59 =	vld [tilespmem:s9+$0xC40]  }
0x155: {  	[tilespmem:s26+$0xEC30] =	vst v46;
	v48 =	vadd.f32 v55, v31;
	v60 =	vld [tilespmem:s15+$0xC00]  }
0x156: {  	v61 =	vld [tilespmem:s28+$0x840];
	v49 =	vadd.f32 v56, v35;
	[tilespmem:s29+$0xE870] =	vst v47  }
0x157: {  	v62 =	vadd.f32 v58, v39;
	[tilespmem:s0+$0xE830] =	vst v48;
	v63 =	vld [tilespmem:s30+$0x800]  }
0x158: {  	[tilespmem:s13+$0xE470] =	vst v49;
	v56 =	vld [tilespmem:s1+$0x440]  }
0x159: {  	[tilespmem:s16+$0xE430] =	vst v62;
	v57 =	vld [tilespmem:s2+$0x400];
	v45 =	vadd.f32 v59, v14  }
0x15a: {  	s12 =	simm.s32 $0x400;
	v58 =	vld [tilespmem:s6+$0x40];
	v46 =	vadd.f32 v60, v18  }
0x15b: {  	v44 =	vld.idx.msk [tilespmem:v43+s12+$0x0 ss:$0x1], $0xffff;
	v47 =	vadd.f32 v61, v22;
	[tilespmem:s7+$0xF040] =	vst v45  }
0x15c: {  	[tilespmem:s14+$0xF000] =	vst v46;
	v59 =	vadd.f32 v63, v26;
	v53 =	vld [tilespmem:s9+$0xC50]  }
0x15d: {  	[tilespmem:s26+$0xEC40] =	vst v47;
	v60 =	vadd.f32 v56, v30;
	v54 =	vld [tilespmem:s15+$0xC10]  }
0x15e: {  	v61 =	vadd.f32 v57, v34;
	[tilespmem:s29+$0xEC00] =	vst v59;
	v45 =	vld [tilespmem:s28+$0x850]  }
0x15f: {  	s19 =	simm.s32 $0xE00;
	s12 =	simm.s32 $0x380;
	v62 =	vadd.f32 v58, v38;
	[tilespmem:s0+$0xE840] =	vst v60;
	v46 =	vld [tilespmem:s30+$0x810]  }
0x160: {  	s11 =	sand.u32 $0x7000, s19;
	s17 =	sand.u32 $0x380, s12;
	v63 =	vadd.f32 v52, v42;
	[tilespmem:s13+$0xE800] =	vst v61;
	v47 =	vld [tilespmem:s1+$0x450]  }
0x161: {  	s11 =	sor.u32 s17, s11;
	[tilespmem:s16+$0xE440] =	vst v62;
	v48 =	vld [tilespmem:s2+$0x410];
	v49 =	vadd.f32 v53, v13  }
0x162: {  	s31 =	sor.u32 s5, s25;
	s18 =	simm.s32 $0x1200;
	s17 =	simm.s32 $0x1000;
	[tilespmem:s11+$0xE400] =	vst v63;
	v51 =	vld [tilespmem:s6+$0x50];
	v50 =	vadd.f32 v54, v17  }
.LBB2_5:
0x163: {  	p1 =	sne.s32 s18, $0x7E00;
	v52 =	vld [tilespmem:s10+$0x10];
	v45 =	vadd.f32 v45, v21;
	[tilespmem:s7+$0xF050] =	vst v49  }
0x164: {  	v46 =	vadd.f32 v46, v25;
	[tilespmem:s14+$0xF010] =	vst v50;
	v49 =	vld [tilespmem:s9+$0xC60]  }
0x165: {  	v47 =	vadd.f32 v47, v29;
	[tilespmem:s26+$0xEC50] =	vst v45;
	v45 =	vld [tilespmem:s15+$0xC20]  }
0x166: {  	v48 =	vadd.f32 v48, v33;
	[tilespmem:s29+$0xEC10] =	vst v46;
	v46 =	vld [tilespmem:s28+$0x860]  }
0x167: {  	v50 =	vadd.f32 v51, v37;
	[tilespmem:s0+$0xE850] =	vst v47;
	v47 =	vld [tilespmem:s30+$0x820]  }
0x168: {  	v51 =	vadd.f32 v52, v41;
	[tilespmem:s13+$0xE810] =	vst v48;
	v48 =	vld [tilespmem:s1+$0x460]  }
0x169: {  	(v2sf) =	vpush v44, $0x0;
	[tilespmem:s16+$0xE450] =	vst v50;
	v44 =	vld [tilespmem:s2+$0x420];
	v49 =	vadd.f32 v49, v12  }
0x16a: {  	[tilespmem:s11+$0xE410] =	vst v51;
	v50 =	vld [tilespmem:s6+$0x60];
	v45 =	vadd.f32 v45, v16  }
0x16b: {  	v51 =	vld [tilespmem:s10+$0x20];
	v46 =	vadd.f32 v46, v20;
	[tilespmem:s7+$0xF060] =	vst v49  }
0x16c: {  	v47 =	vadd.f32 v47, v24;
	[tilespmem:s14+$0xF020] =	vst v45;
	v45 =	vld [tilespmem:s9+$0xC70];
	s9 =	smov.u32 s15;
	s15 =	smov.u32 s28;
	s28 =	smov.u32 s30  }
0x16d: {  	s30 =	smov.u32 s1;
	s1 =	smov.u32 s2;
	s2 =	smov.u32 s6;
	v48 =	vadd.f32 v48, v28;
	[tilespmem:s26+$0xEC60] =	vst v46;
	v46 =	vld [tilespmem:s9+$0xC30]  }
0x16e: {  	s6 =	smov.u32 s10;
	v44 =	vadd.f32 v44, v32;
	[tilespmem:s29+$0xEC20] =	vst v47;
	v47 =	vld [tilespmem:s15+$0x870]  }
0x16f: {  	v49 =	vadd.f32 v50, v36;
	[tilespmem:s0+$0xE860] =	vst v48;
	v48 =	vld [tilespmem:s28+$0x830]  }
0x170: {  	v50 =	vadd.f32 v51, v40;
	[tilespmem:s13+$0xE820] =	vst v44;
	v51 =	vld [tilespmem:s30+$0x470]  }
0x171: {  	[tilespmem:s16+$0xE460] =	vst v49;
	v49 =	vld [tilespmem:s1+$0x430];
	v44 =	vadd.f32 v45, v11  }
0x172: {  	[tilespmem:s11+$0xE420] =	vst v50;
	v45 =	vld [tilespmem:s2+$0x70];
	v46 =	vadd.f32 v46, v15  }
0x173: {  	s10 =	sshra.s32 s18, $0x2;
	v50 =	vld [tilespmem:s6+$0x30];
	v47 =	vadd.f32 v47, v19;
	[tilespmem:s7+$0xF070] =	vst v44;
	s7 =	smov.u32 s14;
	s14 =	smov.u32 s26  }
0x174: {  	s26 =	smov.u32 s29;
	s29 =	smov.u32 s0;
	s0 =	smov.u32 s13;
	v44 =	vld.idx.msk [tilespmem:v43+s10+$0x0 ss:$0x1], $0xffff;
	v48 =	vadd.f32 v48, v23;
	[tilespmem:s7+$0xF030] =	vst v46  }
0x175: {  	s13 =	smov.u32 s16;
	s16 =	smov.u32 s11;
	v46 =	vadd.f32 v51, v27;
	[tilespmem:s14+$0xEC70] =	vst v47;
	v47 =	vld [tilespmem:s9+$0xC40]  }
0x176: {  	v49 =	vadd.f32 v49, v31;
	[tilespmem:s26+$0xEC30] =	vst v48;
	v48 =	vld [tilespmem:s15+$0xC00]  }
0x177: {  	v45 =	vadd.f32 v45, v35;
	[tilespmem:s29+$0xE870] =	vst v46;
	v46 =	vld [tilespmem:s28+$0x840]  }
0x178: {  	s10 =	spop (v2sf);
	v50 =	vadd.f32 v50, v39;
	[tilespmem:s0+$0xE830] =	vst v49;
	v49 =	vld [tilespmem:s30+$0x800]  }
0x179: {  	s11 =	sshll.u32 s10, $0x9;
	s10 =	sshll.u32 s10, $0x7;
	[tilespmem:s13+$0xE470] =	vst v45;
	v45 =	vld [tilespmem:s1+$0x440]  }
0x17a: {  	s11 =	sand.u32 $0xFFFFF000, s11;
	s10 =	sand.u32 $0x380, s10;
	[tilespmem:s16+$0xE430] =	vst v50;
	v50 =	vld [tilespmem:s2+$0x400];
	v47 =	vadd.f32 v47, v14  }
0x17b: {  	s10 =	sor.u32 s10, s11;
	v51 =	vld [tilespmem:s6+$0x40];
	v48 =	vadd.f32 v48, v18  }
0x17c: {  	v52 =	vld [tilespmem:s10+$0x0];
	v46 =	vadd.f32 v46, v22;
	[tilespmem:s7+$0xF040] =	vst v47  }
0x17d: {  	v47 =	vadd.f32 v49, v26;
	[tilespmem:s14+$0xF000] =	vst v48;
	v49 =	vld [tilespmem:s9+$0xC50]  }
0x17e: {  	v48 =	vadd.f32 v45, v30;
	[tilespmem:s26+$0xEC40] =	vst v46;
	v53 =	vld [tilespmem:s15+$0xC10]  }
.Ltmp1:
0x17f: {  	v50 =	vadd.f32 v50, v34;
	[tilespmem:s29+$0xEC00] =	vst v47;
	v45 =	vld [tilespmem:s28+$0x850];
	(pc) =	sbr.rel @p1 .LBB2_5-.Ltmp1, $4  }
0x180: {  	s12 =	sadd.s32 $0x80, s12;
	v51 =	vadd.f32 v51, v38;
	[tilespmem:s0+$0xE840] =	vst v48;
	v46 =	vld [tilespmem:s30+$0x810]  }
0x181: {  	s19 =	sand.u32 $0x380, s12;
	s11 =	sand.u32 $0x7000, s17;
	s17 =	smov.u32 s18;
	v52 =	vadd.f32 v52, v42;
	[tilespmem:s13+$0xE800] =	vst v50;
	v47 =	vld [tilespmem:s1+$0x450]  }
0x182: {  	s11 =	sor.u32 s19, s11;
	[tilespmem:s16+$0xE440] =	vst v51;
	v48 =	vld [tilespmem:s2+$0x410];
	v49 =	vadd.f32 v49, v13  }
0x183: {  	s18 =	sadd.s32 $0x200, s18;
	[tilespmem:s11+$0xE400] =	vst v52;
	v51 =	vld [tilespmem:s6+$0x50];
	v50 =	vadd.f32 v53, v17  }
0x184: {  	v43 =	vadd.f32 v45, v21  }
0x185: {  	(v2sf) =	vpush v44, $0x0  }
0x186: {  	v53 =	vld [tilespmem:s10+$0x10];
	v54 =	vadd.f32 v46, v25;
	[tilespmem:s26+$0xEC50] =	vst v43  }
0x187: {  	v55 =	vadd.f32 v47, v29;
	v56 =	vld [tilespmem:s28+$0x860]  }
0x188: {  	[tilespmem:s29+$0xEC10] =	vst v54  }
0x189: {  	v57 =	vadd.f32 v48, v33;
	[tilespmem:s0+$0xE850] =	vst v55;
	v59 =	vld [tilespmem:s30+$0x820]  }
0x18a: {  	[tilespmem:s7+$0xF050] =	vst v49;
	v58 =	vadd.f32 v51, v37;
	v60 =	vld [tilespmem:s1+$0x460]  }
0x18b: {  	v49 =	vld [tilespmem:s9+$0xC60];
	v45 =	vadd.f32 v53, v41;
	[tilespmem:s13+$0xE810] =	vst v57  }
0x18c: {  	[tilespmem:s16+$0xE450] =	vst v58;
	v61 =	vld [tilespmem:s2+$0x420];
	v46 =	vadd.f32 v56, v20  }
0x18d: {  	[tilespmem:s11+$0xE410] =	vst v45;
	v62 =	vld [tilespmem:s6+$0x60]  }
0x18e: {  	v63 =	vld [tilespmem:s10+$0x20];
	v43 =	vadd.f32 v59, v24;
	[tilespmem:s26+$0xEC60] =	vst v46  }
0x18f: {  	[tilespmem:s14+$0xF010] =	vst v50;
	v52 =	vadd.f32 v60, v28;
	v53 =	vld [tilespmem:s28+$0x870]  }
0x190: {  	v50 =	vld [tilespmem:s15+$0xC20];
	v58 =	vadd.f32 v49, v12;
	[tilespmem:s29+$0xEC20] =	vst v43  }
0x191: {  	v44 =	vadd.f32 v61, v32;
	[tilespmem:s0+$0xE860] =	vst v52;
	v55 =	vld [tilespmem:s30+$0x830]  }
0x192: {  	[tilespmem:s7+$0xF060] =	vst v58;
	v54 =	vadd.f32 v62, v36;
	v57 =	vld [tilespmem:s1+$0x470]  }
0x193: {  	v56 =	vadd.f32 v63, v40;
	[tilespmem:s13+$0xE820] =	vst v44;
	v63 =	vld [tilespmem:s9+$0xC70]  }
0x194: {  	[tilespmem:s16+$0xE460] =	vst v54;
	v59 =	vld [tilespmem:s2+$0x430];
	s18 =	spop (v2sf);
	v47 =	vadd.f32 v53, v19  }
0x195: {  	v61 =	vadd.f32 v50, v16;
	[tilespmem:s11+$0xE420] =	vst v56;
	v60 =	vld [tilespmem:s6+$0x70];
	s19 =	sshll.u32 s18, $0x9;
	s18 =	sshll.u32 s18, $0x7  }
0x196: {  	v62 =	vld [tilespmem:s10+$0x30];
	v45 =	vadd.f32 v55, v23;
	s19 =	sand.u32 $0xFFFFF000, s19;
	s18 =	sand.u32 $0x380, s18;
	[tilespmem:s26+$0xEC70] =	vst v47  }
0x197: {  	[tilespmem:s14+$0xF020] =	vst v61;
	s9 =	sor.u32 s18, s19;
	v44 =	vadd.f32 v57, v27;
	v47 =	vld [tilespmem:s28+$0xC00]  }
0x198: {  	v55 =	vadd.f32 v63, v11;
	[tilespmem:s29+$0xEC30] =	vst v45;
	v52 =	vld [tilespmem:s9+$0x0]  }
0x199: {  	v43 =	vadd.f32 v59, v31;
	[tilespmem:s0+$0xE870] =	vst v44;
	v53 =	vld [tilespmem:s30+$0x840]  }
0x19a: {  	v46 =	vadd.f32 v60, v35;
	[tilespmem:s7+$0xF070] =	vst v55;
	v54 =	vld [tilespmem:s1+$0x800]  }
0x19b: {  	v59 =	vld [tilespmem:s15+$0xC30];
	v48 =	vadd.f32 v62, v39;
	[tilespmem:s13+$0xE830] =	vst v43  }
0x19c: {  	s12 =	sadd.s32 $0x80, s12;
	[tilespmem:s16+$0xE470] =	vst v46;
	v56 =	vld [tilespmem:s2+$0x440];
	v47 =	vadd.f32 v47, v18  }
0x19d: {  	s12 =	sand.u32 $0x380, s12;
	s19 =	sand.u32 $0x7000, s17;
	[tilespmem:s11+$0xE430] =	vst v48;
	v57 =	vld [tilespmem:s6+$0x400];
	v45 =	vadd.f32 v52, v42  }
0x19e: {  	s7 =	sor.u32 s12, s19;
	v58 =	vld [tilespmem:s10+$0x40];
	v44 =	vadd.f32 v53, v22;
	[tilespmem:s26+$0xF000] =	vst v47  }
0x19f: {  	v43 =	vadd.f32 v54, v26;
	[tilespmem:s7+$0xE400] =	vst v45;
	v47 =	vld [tilespmem:s28+$0xC10]  }
0x1a0: {  	v54 =	vadd.f32 v59, v15;
	[tilespmem:s29+$0xEC40] =	vst v44;
	v61 =	vld [tilespmem:s9+$0x10]  }
0x1a1: {  	v60 =	vadd.f32 v56, v30;
	[tilespmem:s0+$0xEC00] =	vst v43;
	v63 =	vld [tilespmem:s30+$0x850]  }
0x1a2: {  	v62 =	vadd.f32 v57, v34;
	[tilespmem:s14+$0xF030] =	vst v54;
	v53 =	vld [tilespmem:s1+$0x810]  }
0x1a3: {  	v52 =	vadd.f32 v58, v38;
	[tilespmem:s13+$0xE840] =	vst v60;
	v58 =	vld [tilespmem:s15+$0xC40]  }
0x1a4: {  	[tilespmem:s16+$0xE800] =	vst v62;
	v55 =	vld [tilespmem:s2+$0x450];
	v47 =	vadd.f32 v47, v17  }
0x1a5: {  	[tilespmem:s11+$0xE440] =	vst v52;
	v56 =	vld [tilespmem:s6+$0x410];
	v44 =	vadd.f32 v61, v41  }
0x1a6: {  	v57 =	vld [tilespmem:s10+$0x50];
	v43 =	vadd.f32 v63, v21;
	[tilespmem:s26+$0xF010] =	vst v47  }
0x1a7: {  	v45 =	vadd.f32 v53, v25;
	[tilespmem:s7+$0xE410] =	vst v44;
	v47 =	vld [tilespmem:s28+$0xC20]  }
0x1a8: {  	v53 =	vadd.f32 v58, v14;
	[tilespmem:s29+$0xEC50] =	vst v43;
	v60 =	vld [tilespmem:s9+$0x20]  }
0x1a9: {  	v59 =	vadd.f32 v55, v29;
	[tilespmem:s0+$0xEC10] =	vst v45;
	v62 =	vld [tilespmem:s30+$0x860]  }
0x1aa: {  	v61 =	vadd.f32 v56, v33;
	[tilespmem:s14+$0xF040] =	vst v53;
	v52 =	vld [tilespmem:s1+$0x820]  }
0x1ab: {  	v63 =	vadd.f32 v57, v37;
	[tilespmem:s13+$0xE850] =	vst v59;
	v57 =	vld [tilespmem:s15+$0xC50]  }
0x1ac: {  	[tilespmem:s16+$0xE810] =	vst v61;
	v54 =	vld [tilespmem:s2+$0x460];
	v47 =	vadd.f32 v47, v16  }
0x1ad: {  	[tilespmem:s11+$0xE450] =	vst v63;
	v55 =	vld [tilespmem:s6+$0x420];
	v43 =	vadd.f32 v60, v40  }
0x1ae: {  	v56 =	vld [tilespmem:s10+$0x60];
	v45 =	vadd.f32 v62, v20;
	[tilespmem:s26+$0xF020] =	vst v47  }
0x1af: {  	v44 =	vadd.f32 v52, v24;
	[tilespmem:s7+$0xE420] =	vst v43;
	v47 =	vld [tilespmem:s28+$0xC30]  }
0x1b0: {  	v52 =	vadd.f32 v57, v13;
	[tilespmem:s29+$0xEC60] =	vst v45;
	v59 =	vld [tilespmem:s9+$0x30]  }
0x1b1: {  	v58 =	vadd.f32 v54, v28;
	[tilespmem:s0+$0xEC20] =	vst v44;
	v61 =	vld [tilespmem:s30+$0x870]  }
0x1b2: {  	v60 =	vadd.f32 v55, v32;
	[tilespmem:s14+$0xF050] =	vst v52;
	v63 =	vld [tilespmem:s1+$0x830]  }
0x1b3: {  	v62 =	vadd.f32 v56, v36;
	[tilespmem:s13+$0xE860] =	vst v58;
	v56 =	vld [tilespmem:s15+$0xC60]  }
0x1b4: {  	[tilespmem:s16+$0xE820] =	vst v60;
	v53 =	vld [tilespmem:s2+$0x470];
	v47 =	vadd.f32 v47, v15  }
0x1b5: {  	[tilespmem:s11+$0xE460] =	vst v62;
	v54 =	vld [tilespmem:s6+$0x430];
	v45 =	vadd.f32 v59, v39  }
0x1b6: {  	v55 =	vld [tilespmem:s10+$0x70];
	v44 =	vadd.f32 v61, v19;
	[tilespmem:s26+$0xF030] =	vst v47  }
0x1b7: {  	v43 =	vadd.f32 v63, v23;
	[tilespmem:s7+$0xE430] =	vst v45;
	v47 =	vld [tilespmem:s28+$0xC40]  }
0x1b8: {  	v63 =	vadd.f32 v56, v12;
	[tilespmem:s29+$0xEC70] =	vst v44;
	v58 =	vld [tilespmem:s9+$0x40]  }
0x1b9: {  	v57 =	vadd.f32 v53, v27;
	[tilespmem:s0+$0xEC30] =	vst v43;
	v60 =	vld [tilespmem:s30+$0xC00]  }
0x1ba: {  	v59 =	vadd.f32 v54, v31;
	[tilespmem:s14+$0xF060] =	vst v63;
	v62 =	vld [tilespmem:s1+$0x840]  }
0x1bb: {  	v61 =	vadd.f32 v55, v35;
	[tilespmem:s13+$0xE870] =	vst v57;
	v55 =	vld [tilespmem:s15+$0xC70]  }
0x1bc: {  	[tilespmem:s16+$0xE830] =	vst v59;
	v52 =	vld [tilespmem:s2+$0x800];
	v47 =	vadd.f32 v47, v14  }
0x1bd: {  	[tilespmem:s11+$0xE470] =	vst v61;
	v53 =	vld [tilespmem:s6+$0x440];
	v44 =	vadd.f32 v58, v38  }
0x1be: {  	v54 =	vld [tilespmem:s10+$0x400];
	v43 =	vadd.f32 v60, v18;
	[tilespmem:s26+$0xF040] =	vst v47  }
0x1bf: {  	v45 =	vadd.f32 v62, v22;
	[tilespmem:s7+$0xE440] =	vst v44;
	v47 =	vld [tilespmem:s28+$0xC50]  }
0x1c0: {  	v60 =	vadd.f32 v55, v11;
	[tilespmem:s29+$0xF000] =	vst v43;
	v57 =	vld [tilespmem:s9+$0x50]  }
0x1c1: {  	v56 =	vadd.f32 v52, v26;
	[tilespmem:s0+$0xEC40] =	vst v45  }
0x1c2: {  	v48 =	vadd.f32 v53, v30;
	v43 =	vld [tilespmem:s30+$0xC10];
	[tilespmem:s14+$0xF070] =	vst v60  }
0x1c3: {  	v58 =	vadd.f32 v54, v34;
	[tilespmem:s13+$0xEC00] =	vst v56;
	v59 =	vld [tilespmem:s1+$0x850]  }
0x1c4: {  	[tilespmem:s16+$0xE840] =	vst v48;
	v61 =	vld [tilespmem:s2+$0x810];
	v47 =	vadd.f32 v47, v13  }
0x1c5: {  	[tilespmem:s11+$0xE800] =	vst v58;
	v62 =	vld [tilespmem:s6+$0x450];
	v46 =	vadd.f32 v57, v37  }
0x1c6: {  	v63 =	vld [tilespmem:s10+$0x410];
	[tilespmem:s26+$0xF050] =	vst v47  }
0x1c7: {  	[tilespmem:s7+$0xE450] =	vst v46  }
0x1c8: {  	v46 =	vld [tilespmem:s9+$0x60];
	_ =	sdelay $0x4  }
0x1c9: {  	v46 =	vadd.f32 v46, v36;
	_ =	sdelay $0x1  }
0x1ca: {  	[tilespmem:s7+$0xE460] =	vst v46  }
0x1cb: {  	v46 =	vld [tilespmem:s9+$0x70];
	_ =	sdelay $0x4  }
0x1cc: {  	v46 =	vadd.f32 v46, v35;
	_ =	sdelay $0x1  }
0x1cd: {  	[tilespmem:s7+$0xE470] =	vst v46  }
0x1ce: {  	v46 =	vld [tilespmem:s9+$0x400];
	_ =	sdelay $0x4  }
0x1cf: {  	v46 =	vadd.f32 v46, v34;
	_ =	sdelay $0x1  }
0x1d0: {  	[tilespmem:s7+$0xE800] =	vst v46  }
0x1d1: {  	v52 =	vadd.f32 v63, v33;
	v46 =	vld [tilespmem:s9+$0x410];
	_ =	sdelay $0x1  }
0x1d2: {  	[tilespmem:s11+$0xE810] =	vst v52  }
0x1d3: {  	v47 =	vld [tilespmem:s10+$0x420];
	_ =	sdelay $0x1  }
0x1d4: {  	v46 =	vadd.f32 v46, v33;
	_ =	sdelay $0x1  }
0x1d5: {  	[tilespmem:s7+$0xE810] =	vst v46  }
0x1d6: {  	v47 =	vadd.f32 v47, v32;
	v46 =	vld [tilespmem:s9+$0x420];
	_ =	sdelay $0x1  }
0x1d7: {  	[tilespmem:s11+$0xE820] =	vst v47  }
0x1d8: {  	v47 =	vld [tilespmem:s10+$0x430];
	_ =	sdelay $0x1  }
0x1d9: {  	v46 =	vadd.f32 v46, v32;
	_ =	sdelay $0x1  }
0x1da: {  	[tilespmem:s7+$0xE820] =	vst v46  }
0x1db: {  	v47 =	vadd.f32 v47, v31;
	v46 =	vld [tilespmem:s9+$0x430];
	_ =	sdelay $0x1  }
0x1dc: {  	[tilespmem:s11+$0xE830] =	vst v47  }
0x1dd: {  	v47 =	vld [tilespmem:s10+$0x440];
	_ =	sdelay $0x1  }
0x1de: {  	v46 =	vadd.f32 v46, v31;
	_ =	sdelay $0x1  }
0x1df: {  	[tilespmem:s7+$0xE830] =	vst v46  }
0x1e0: {  	v47 =	vadd.f32 v47, v30;
	v46 =	vld [tilespmem:s9+$0x440];
	_ =	sdelay $0x1  }
0x1e1: {  	[tilespmem:s11+$0xE840] =	vst v47  }
0x1e2: {  	v47 =	vld [tilespmem:s10+$0x450];
	_ =	sdelay $0x1  }
0x1e3: {  	v46 =	vadd.f32 v46, v30;
	_ =	sdelay $0x1  }
0x1e4: {  	[tilespmem:s7+$0xE840] =	vst v46  }
0x1e5: {  	v47 =	vadd.f32 v47, v29;
	v46 =	vld [tilespmem:s9+$0x450];
	_ =	sdelay $0x1  }
0x1e6: {  	[tilespmem:s11+$0xE850] =	vst v47  }
0x1e7: {  	v47 =	vld [tilespmem:s10+$0x460]  }
0x1e8: {  	v45 =	vadd.f32 v62, v29  }
0x1e9: {  	v53 =	vadd.f32 v46, v29  }
0x1ea: {  	[tilespmem:s16+$0xE850] =	vst v45  }
0x1eb: {  	v54 =	vld [tilespmem:s6+$0x460];
	[tilespmem:s7+$0xE850] =	vst v53  }
0x1ec: {  	v47 =	vadd.f32 v47, v28;
	v45 =	vld [tilespmem:s9+$0x460];
	_ =	sdelay $0x1  }
0x1ed: {  	[tilespmem:s11+$0xE860] =	vst v47  }
0x1ee: {  	v47 =	vld [tilespmem:s10+$0x470]  }
0x1ef: {  	v46 =	vadd.f32 v54, v28  }
0x1f0: {  	v45 =	vadd.f32 v45, v28  }
0x1f1: {  	[tilespmem:s16+$0xE860] =	vst v46  }
0x1f2: {  	v46 =	vld [tilespmem:s6+$0x470];
	[tilespmem:s7+$0xE860] =	vst v45  }
0x1f3: {  	v47 =	vadd.f32 v47, v27;
	v45 =	vld [tilespmem:s9+$0x470];
	_ =	sdelay $0x1  }
0x1f4: {  	[tilespmem:s11+$0xE870] =	vst v47  }
0x1f5: {  	v47 =	vld [tilespmem:s10+$0x800]  }
0x1f6: {  	v46 =	vadd.f32 v46, v27  }
0x1f7: {  	v45 =	vadd.f32 v45, v27  }
0x1f8: {  	[tilespmem:s16+$0xE870] =	vst v46  }
0x1f9: {  	v46 =	vld [tilespmem:s6+$0x800];
	[tilespmem:s7+$0xE870] =	vst v45  }
0x1fa: {  	v47 =	vadd.f32 v47, v26;
	v45 =	vld [tilespmem:s9+$0x800];
	_ =	sdelay $0x1  }
0x1fb: {  	[tilespmem:s11+$0xEC00] =	vst v47  }
0x1fc: {  	v47 =	vld [tilespmem:s10+$0x810]  }
0x1fd: {  	v46 =	vadd.f32 v46, v26  }
0x1fe: {  	v45 =	vadd.f32 v45, v26  }
0x1ff: {  	[tilespmem:s16+$0xEC00] =	vst v46  }
0x200: {  	v46 =	vld [tilespmem:s6+$0x810];
	[tilespmem:s7+$0xEC00] =	vst v45  }
0x201: {  	v47 =	vadd.f32 v47, v25;
	v45 =	vld [tilespmem:s9+$0x810];
	_ =	sdelay $0x1  }
0x202: {  	[tilespmem:s11+$0xEC10] =	vst v47  }
0x203: {  	v48 =	vadd.f32 v61, v25;
	v47 =	vld [tilespmem:s10+$0x820]  }
0x204: {  	v46 =	vadd.f32 v46, v25  }
0x205: {  	[tilespmem:s13+$0xEC10] =	vst v48;
	v45 =	vadd.f32 v45, v25  }
0x206: {  	v48 =	vld [tilespmem:s2+$0x820];
	[tilespmem:s16+$0xEC10] =	vst v46  }
0x207: {  	v46 =	vld [tilespmem:s6+$0x820];
	[tilespmem:s7+$0xEC10] =	vst v45  }
0x208: {  	v47 =	vadd.f32 v47, v24;
	v45 =	vld [tilespmem:s9+$0x820];
	_ =	sdelay $0x1  }
0x209: {  	[tilespmem:s11+$0xEC20] =	vst v47  }
0x20a: {  	v48 =	vadd.f32 v48, v24;
	v47 =	vld [tilespmem:s10+$0x830]  }
0x20b: {  	v46 =	vadd.f32 v46, v24  }
0x20c: {  	[tilespmem:s13+$0xEC20] =	vst v48;
	v45 =	vadd.f32 v45, v24  }
0x20d: {  	v48 =	vld [tilespmem:s2+$0x830];
	[tilespmem:s16+$0xEC20] =	vst v46  }
0x20e: {  	v46 =	vld [tilespmem:s6+$0x830];
	[tilespmem:s7+$0xEC20] =	vst v45  }
0x20f: {  	v47 =	vadd.f32 v47, v23;
	v45 =	vld [tilespmem:s9+$0x830];
	_ =	sdelay $0x1  }
0x210: {  	[tilespmem:s11+$0xEC30] =	vst v47  }
0x211: {  	v48 =	vadd.f32 v48, v23;
	v47 =	vld [tilespmem:s10+$0x840]  }
0x212: {  	v46 =	vadd.f32 v46, v23  }
0x213: {  	[tilespmem:s13+$0xEC30] =	vst v48;
	v45 =	vadd.f32 v45, v23  }
0x214: {  	v48 =	vld [tilespmem:s2+$0x840];
	[tilespmem:s16+$0xEC30] =	vst v46  }
0x215: {  	v46 =	vld [tilespmem:s6+$0x840];
	[tilespmem:s7+$0xEC30] =	vst v45  }
0x216: {  	v47 =	vadd.f32 v47, v22;
	v45 =	vld [tilespmem:s9+$0x840];
	_ =	sdelay $0x1  }
0x217: {  	[tilespmem:s11+$0xEC40] =	vst v47  }
0x218: {  	v48 =	vadd.f32 v48, v22;
	v47 =	vld [tilespmem:s10+$0x850]  }
0x219: {  	v46 =	vadd.f32 v46, v22  }
0x21a: {  	[tilespmem:s13+$0xEC40] =	vst v48;
	v45 =	vadd.f32 v45, v22  }
0x21b: {  	v48 =	vld [tilespmem:s2+$0x850];
	[tilespmem:s16+$0xEC40] =	vst v46  }
0x21c: {  	v46 =	vld [tilespmem:s6+$0x850];
	[tilespmem:s7+$0xEC40] =	vst v45  }
0x21d: {  	v47 =	vadd.f32 v47, v21;
	v45 =	vld [tilespmem:s9+$0x850];
	_ =	sdelay $0x1  }
0x21e: {  	v44 =	vadd.f32 v59, v21;
	[tilespmem:s11+$0xEC50] =	vst v47  }
0x21f: {  	v48 =	vadd.f32 v48, v21;
	v47 =	vld [tilespmem:s10+$0x860]  }
0x220: {  	[tilespmem:s0+$0xEC50] =	vst v44;
	v55 =	vadd.f32 v46, v21  }
0x221: {  	v56 =	vld [tilespmem:s1+$0x860];
	[tilespmem:s13+$0xEC50] =	vst v48;
	v57 =	vadd.f32 v45, v21  }
0x222: {  	v48 =	vld [tilespmem:s2+$0x860];
	[tilespmem:s16+$0xEC50] =	vst v55  }
0x223: {  	v58 =	vld [tilespmem:s6+$0x860];
	[tilespmem:s7+$0xEC50] =	vst v57  }
0x224: {  	v47 =	vadd.f32 v47, v20;
	v44 =	vld [tilespmem:s9+$0x860];
	_ =	sdelay $0x1  }
0x225: {  	[tilespmem:s11+$0xEC60] =	vst v47;
	v46 =	vadd.f32 v56, v20  }
0x226: {  	v48 =	vadd.f32 v48, v20;
	v47 =	vld [tilespmem:s10+$0x870]  }
0x227: {  	[tilespmem:s0+$0xEC60] =	vst v46;
	v45 =	vadd.f32 v58, v20  }
0x228: {  	[tilespmem:s13+$0xEC60] =	vst v48;
	v46 =	vld [tilespmem:s1+$0x870];
	v44 =	vadd.f32 v44, v20  }
0x229: {  	v48 =	vld [tilespmem:s2+$0x870];
	[tilespmem:s16+$0xEC60] =	vst v45  }
0x22a: {  	v45 =	vld [tilespmem:s6+$0x870];
	[tilespmem:s7+$0xEC60] =	vst v44  }
0x22b: {  	v47 =	vadd.f32 v47, v19;
	v44 =	vld [tilespmem:s9+$0x870];
	_ =	sdelay $0x1  }
0x22c: {  	[tilespmem:s11+$0xEC70] =	vst v47;
	v46 =	vadd.f32 v46, v19  }
0x22d: {  	v48 =	vadd.f32 v48, v19;
	v47 =	vld [tilespmem:s10+$0xC00]  }
0x22e: {  	[tilespmem:s0+$0xEC70] =	vst v46;
	v45 =	vadd.f32 v45, v19  }
0x22f: {  	[tilespmem:s13+$0xEC70] =	vst v48;
	v46 =	vld [tilespmem:s1+$0xC00];
	v44 =	vadd.f32 v44, v19  }
0x230: {  	v48 =	vld [tilespmem:s2+$0xC00];
	[tilespmem:s16+$0xEC70] =	vst v45  }
0x231: {  	v45 =	vld [tilespmem:s6+$0xC00];
	[tilespmem:s7+$0xEC70] =	vst v44  }
0x232: {  	v47 =	vadd.f32 v47, v18;
	v44 =	vld [tilespmem:s9+$0xC00];
	_ =	sdelay $0x1  }
0x233: {  	[tilespmem:s11+$0xF000] =	vst v47;
	v46 =	vadd.f32 v46, v18  }
0x234: {  	v48 =	vadd.f32 v48, v18;
	v47 =	vld [tilespmem:s10+$0xC10]  }
0x235: {  	[tilespmem:s0+$0xF000] =	vst v46;
	v45 =	vadd.f32 v45, v18  }
0x236: {  	[tilespmem:s13+$0xF000] =	vst v48;
	v46 =	vld [tilespmem:s1+$0xC10];
	v44 =	vadd.f32 v44, v18  }
0x237: {  	v48 =	vld [tilespmem:s2+$0xC10];
	[tilespmem:s16+$0xF000] =	vst v45  }
0x238: {  	v45 =	vld [tilespmem:s6+$0xC10];
	[tilespmem:s7+$0xF000] =	vst v44  }
0x239: {  	v61 =	vadd.f32 v47, v17;
	v44 =	vld [tilespmem:s9+$0xC10]  }
0x23a: {  	v43 =	vadd.f32 v43, v17  }
0x23b: {  	[tilespmem:s11+$0xF010] =	vst v61;
	v46 =	vadd.f32 v46, v17  }
0x23c: {  	[tilespmem:s29+$0xF010] =	vst v43;
	v59 =	vadd.f32 v48, v17;
	v43 =	vld [tilespmem:s10+$0xC20]  }
0x23d: {  	v60 =	vld [tilespmem:s30+$0xC20];
	[tilespmem:s0+$0xF010] =	vst v46;
	v45 =	vadd.f32 v45, v17  }
0x23e: {  	[tilespmem:s13+$0xF010] =	vst v59;
	v46 =	vld [tilespmem:s1+$0xC20];
	v44 =	vadd.f32 v44, v17  }
0x23f: {  	v62 =	vld [tilespmem:s2+$0xC20];
	[tilespmem:s16+$0xF010] =	vst v45  }
0x240: {  	v45 =	vld [tilespmem:s6+$0xC20];
	[tilespmem:s7+$0xF010] =	vst v44  }
0x241: {  	v43 =	vadd.f32 v43, v16;
	v52 =	vld [tilespmem:s9+$0xC20]  }
0x242: {  	v63 =	vadd.f32 v60, v16  }
0x243: {  	[tilespmem:s11+$0xF020] =	vst v43;
	v46 =	vadd.f32 v46, v16  }
0x244: {  	[tilespmem:s29+$0xF020] =	vst v63;
	v53 =	vadd.f32 v62, v16;
	v43 =	vld [tilespmem:s10+$0xC30]  }
0x245: {  	v54 =	vld [tilespmem:s30+$0xC30];
	[tilespmem:s0+$0xF020] =	vst v46;
	v45 =	vadd.f32 v45, v16  }
0x246: {  	[tilespmem:s13+$0xF020] =	vst v53;
	v46 =	vld [tilespmem:s1+$0xC30];
	v55 =	vadd.f32 v52, v16  }
0x247: {  	v44 =	vld [tilespmem:s2+$0xC30];
	[tilespmem:s16+$0xF020] =	vst v45  }
0x248: {  	v56 =	vld [tilespmem:s6+$0xC30];
	[tilespmem:s7+$0xF020] =	vst v55  }
0x249: {  	v43 =	vadd.f32 v43, v15;
	v58 =	vld [tilespmem:s9+$0xC30]  }
0x24a: {  	v57 =	vadd.f32 v54, v15  }
0x24b: {  	[tilespmem:s11+$0xF030] =	vst v43;
	v46 =	vadd.f32 v46, v15  }
0x24c: {  	[tilespmem:s29+$0xF030] =	vst v57;
	v43 =	vld [tilespmem:s10+$0xC40];
	v44 =	vadd.f32 v44, v15  }
0x24d: {  	v45 =	vld [tilespmem:s30+$0xC40];
	[tilespmem:s0+$0xF030] =	vst v46;
	v59 =	vadd.f32 v56, v15  }
0x24e: {  	v60 =	vld [tilespmem:s1+$0xC40];
	[tilespmem:s13+$0xF030] =	vst v44;
	v61 =	vadd.f32 v58, v15  }
0x24f: {  	v44 =	vld [tilespmem:s2+$0xC40];
	[tilespmem:s16+$0xF030] =	vst v59  }
0x250: {  	v62 =	vld [tilespmem:s6+$0xC40];
	[tilespmem:s7+$0xF030] =	vst v61  }
0x251: {  	v43 =	vadd.f32 v43, v14;
	v46 =	vld [tilespmem:s9+$0xC40]  }
0x252: {  	v45 =	vadd.f32 v45, v14  }
0x253: {  	[tilespmem:s11+$0xF040] =	vst v43;
	v48 =	vadd.f32 v60, v14  }
0x254: {  	v43 =	vld [tilespmem:s10+$0xC50];
	[tilespmem:s29+$0xF040] =	vst v45;
	v44 =	vadd.f32 v44, v14  }
0x255: {  	v45 =	vld [tilespmem:s30+$0xC50];
	[tilespmem:s0+$0xF040] =	vst v48;
	v47 =	vadd.f32 v62, v14  }
0x256: {  	v48 =	vld [tilespmem:s1+$0xC50];
	[tilespmem:s13+$0xF040] =	vst v44;
	v46 =	vadd.f32 v46, v14  }
0x257: {  	v44 =	vld [tilespmem:s2+$0xC50];
	[tilespmem:s16+$0xF040] =	vst v47  }
0x258: {  	v47 =	vld [tilespmem:s6+$0xC50];
	[tilespmem:s7+$0xF040] =	vst v46  }
0x259: {  	v43 =	vadd.f32 v43, v13;
	v46 =	vld [tilespmem:s9+$0xC50]  }
0x25a: {  	v45 =	vadd.f32 v45, v13  }
0x25b: {  	v63 =	vld [tilespmem:s28+$0xC60];
	[tilespmem:s11+$0xF050] =	vst v43;
	v48 =	vadd.f32 v48, v13  }
0x25c: {  	v53 =	vld [tilespmem:s10+$0xC60];
	[tilespmem:s29+$0xF050] =	vst v45;
	v44 =	vadd.f32 v44, v13  }
0x25d: {  	v45 =	vld [tilespmem:s30+$0xC60];
	[tilespmem:s0+$0xF050] =	vst v48;
	v47 =	vadd.f32 v47, v13  }
0x25e: {  	v48 =	vld [tilespmem:s1+$0xC60];
	[tilespmem:s13+$0xF050] =	vst v44;
	v46 =	vadd.f32 v46, v13  }
0x25f: {  	v44 =	vld [tilespmem:s2+$0xC60];
	[tilespmem:s16+$0xF050] =	vst v47  }
0x260: {  	v52 =	vadd.f32 v63, v12;
	v47 =	vld [tilespmem:s6+$0xC60];
	[tilespmem:s7+$0xF050] =	vst v46  }
0x261: {  	v58 =	vadd.f32 v53, v12;
	v46 =	vld [tilespmem:s9+$0xC60]  }
0x262: {  	[tilespmem:s26+$0xF060] =	vst v52;
	v45 =	vadd.f32 v45, v12  }
0x263: {  	v55 =	vld [tilespmem:s28+$0xC70];
	[tilespmem:s11+$0xF060] =	vst v58;
	v54 =	vadd.f32 v48, v12  }
0x264: {  	v63 =	vld [tilespmem:s10+$0xC70];
	[tilespmem:s29+$0xF060] =	vst v45;
	v44 =	vadd.f32 v44, v12  }
0x265: {  	v45 =	vld [tilespmem:s30+$0xC70];
	[tilespmem:s0+$0xF060] =	vst v54;
	v56 =	vadd.f32 v47, v12  }
0x266: {  	v57 =	vld [tilespmem:s1+$0xC70];
	[tilespmem:s13+$0xF060] =	vst v44;
	v60 =	vadd.f32 v46, v12  }
0x267: {  	v59 =	vld [tilespmem:s2+$0xC70];
	[tilespmem:s16+$0xF060] =	vst v56  }
0x268: {  	v62 =	vadd.f32 v55, v11;
	v61 =	vld [tilespmem:s6+$0xC70];
	[tilespmem:s7+$0xF060] =	vst v60  }
0x269: {  	v48 =	vadd.f32 v63, v11;
	v52 =	vld [tilespmem:s9+$0xC70]  }
0x26a: {  	[tilespmem:s26+$0xF070] =	vst v62;
	v54 =	vor.u32 s31, v0;
	v51 =	vadd.f32 v45, v11  }
0x26b: {  	v43 =	vmov s31;
	[tilespmem:s11+$0xF070] =	vst v48;
	v55 =	vshll.u32 v54, $0x2;
	v53 =	vadd.f32 v57, v11  }
0x26c: {  	v50 =	vand.u32 $0xFFFFFFE0, v55;
	[tilespmem:s29+$0xF070] =	vst v51;
	v44 =	vand.u32 $0x7, v43;
	v49 =	vadd.f32 v59, v11  }
0x26d: {  	[tilespmem:s0+$0xF070] =	vst v53;
	v56 =	vor.u32 v44, v50;
	v46 =	vadd.f32 v61, v11  }
0x26e: {  	v57 =	vperm.xlane v56, v4;
	[tilespmem:s13+$0xF070] =	vst v49;
	v45 =	vadd.f32 v52, v11  }
0x26f: {  	[tilespmem:s16+$0xF070] =	vst v46  }
0x270: {  	v58 =	vadd.s32 v5, v57;
	[tilespmem:s7+$0xF070] =	vst v45  }
0x271: {  	v59 =	vor.u32 s31, v1;
	[tilespmem:$0x1E400] =	vst v54  }
0x272: {  	v61 =	vperm.xlane v56, v6;
	v60 =	vor.u32 s31, v2;
	[tilespmem:$0x1E410] =	vst v59  }
0x273: {  	v62 =	vor.u32 s31, v3;
	[tilespmem:$0x1E420] =	vst v60  }
0x274: {  	s26 =	simm.s32 $0xE400;
	v63 =	vadd.s32 v5, v61;
	[tilespmem:$0x1E430] =	vst v62  }
0x275: {  	[hbm4b:s3+s4] =	stream.indirect_vreg.scatter [tilespmem:s26], [sflag:$0x1], $0x80, v58, vm0, $0xb8;
	[tilespmem:$0x1E500] =	vst v63  }
0x276: {  	s1 =	simm.s32 $0xEC00  }
0x277: {  	[hbm4b:s8+s4] =	stream.indirect_vreg.scatter [tilespmem:s1], [sflag:$0x1], $0x80, v58, vm0, $0xb8;
	[tilespmem:$0x1E500] =	vst v63  }
0x278: {  	s2 =	simm.s32 $0xF400  }
0x279: {  	[hbm4b:s3+s4] =	stream.indirect_vreg.scatter [tilespmem:s2], [sflag:$0x1], $0x80, v63, vm0, $0xb8;
	[tilespmem:$0x1E500] =	vst v63  }
0x27a: {  	s6 =	simm.s32 $0xFC00  }
0x27b: {  	[hbm4b:s8+s4] =	stream.indirect_vreg.scatter [tilespmem:s6], [sflag:$0x1], $0x80, v63, vm0, $0xb8;
	[tilespmem:$0x1E500] =	vst v63  }
0x27c: {  	v45 =	vld [tilespmem:$0x1E410];
	_ =	sdelay $0x4  }
0x27d: {  	v48 =	vshll.u32 v45, $0x2  }
0x27e: {  	v45 =	vand.u32 $0x7, v45;
	v46 =	vand.u32 $0xFFFFFFE0, v48  }
0x27f: {  	v45 =	vor.u32 v45, v46  }
0x280: {  	v46 =	vperm.xlane v45, v4;
	_ =	sdelay $0x1  }
0x281: {  	v46 =	vadd.s32 v5, v46;
	_ =	sdelay $0x1  }
0x282: {  	v45 =	vperm.xlane v45, v6;
	_ =	sdelay $0x1  }
0x283: {  	s7 =	simm.s32 $0x10400;
	v45 =	vadd.s32 v5, v45  }
0x284: {  	[hbm4b:s3+s4] =	stream.indirect_vreg.scatter [tilespmem:s7], [sflag:$0x1], $0x80, v46, vm0, $0xb8;
	[tilespmem:$0x1E500] =	vst v63  }
0x285: {  	s9 =	simm.s32 $0x10C00  }
0x286: {  	[hbm4b:s8+s4] =	stream.indirect_vreg.scatter [tilespmem:s9], [sflag:$0x1], $0x80, v46, vm0, $0xb8;
	[tilespmem:$0x1E500] =	vst v63  }
0x287: {  	s10 =	simm.s32 $0x11400  }
0x288: {  	[hbm4b:s3+s4] =	stream.indirect_vreg.scatter [tilespmem:s10], [sflag:$0x1], $0x80, v45, vm0, $0xb8;
	[tilespmem:$0x1E500] =	vst v63  }
0x289: {  	s11 =	simm.s32 $0x11C00  }
0x28a: {  	[hbm4b:s8+s4] =	stream.indirect_vreg.scatter [tilespmem:s11], [sflag:$0x1], $0x80, v45, vm0, $0xb8;
	[tilespmem:$0x1E500] =	vst v63  }
0x28b: {  	v45 =	vld [tilespmem:$0x1E420];
	_ =	sdelay $0x4  }
0x28c: {  	v49 =	vshll.u32 v45, $0x2  }
0x28d: {  	v45 =	vand.u32 $0x7, v45;
	v46 =	vand.u32 $0xFFFFFFE0, v49  }
0x28e: {  	v45 =	vor.u32 v45, v46  }
0x28f: {  	v46 =	vperm.xlane v45, v4;
	_ =	sdelay $0x1  }
0x290: {  	v46 =	vadd.s32 v5, v46;
	_ =	sdelay $0x1  }
0x291: {  	v45 =	vperm.xlane v45, v6;
	_ =	sdelay $0x1  }
0x292: {  	s12 =	simm.s32 $0x12400;
	v45 =	vadd.s32 v5, v45  }
0x293: {  	[hbm4b:s3+s4] =	stream.indirect_vreg.scatter [tilespmem:s12], [sflag:$0x1], $0x80, v46, vm0, $0xb8;
	[tilespmem:$0x1E500] =	vst v63  }
0x294: {  	s13 =	simm.s32 $0x12C00  }
0x295: {  	[hbm4b:s8+s4] =	stream.indirect_vreg.scatter [tilespmem:s13], [sflag:$0x1], $0x80, v46, vm0, $0xb8;
	[tilespmem:$0x1E500] =	vst v63  }
0x296: {  	s14 =	simm.s32 $0x13400  }
0x297: {  	[hbm4b:s3+s4] =	stream.indirect_vreg.scatter [tilespmem:s14], [sflag:$0x1], $0x80, v45, vm0, $0xb8;
	[tilespmem:$0x1E500] =	vst v63  }
0x298: {  	s15 =	simm.s32 $0x13C00  }
0x299: {  	[hbm4b:s8+s4] =	stream.indirect_vreg.scatter [tilespmem:s15], [sflag:$0x1], $0x80, v45, vm0, $0xb8;
	[tilespmem:$0x1E500] =	vst v63  }
0x29a: {  	v45 =	vld [tilespmem:$0x1E430];
	_ =	sdelay $0x4  }
0x29b: {  	v50 =	vshll.u32 v45, $0x2  }
0x29c: {  	v45 =	vand.u32 $0x7, v45;
	v46 =	vand.u32 $0xFFFFFFE0, v50  }
0x29d: {  	v45 =	vor.u32 v45, v46  }
0x29e: {  	v46 =	vperm.xlane v45, v4;
	_ =	sdelay $0x1  }
0x29f: {  	v46 =	vadd.s32 v5, v46;
	_ =	sdelay $0x1  }
0x2a0: {  	v45 =	vperm.xlane v45, v6;
	_ =	sdelay $0x1  }
0x2a1: {  	s16 =	simm.s32 $0x14400;
	v45 =	vadd.s32 v5, v45  }
0x2a2: {  	[hbm4b:s3+s4] =	stream.indirect_vreg.scatter [tilespmem:s16], [sflag:$0x1], $0x80, v46, vm0, $0xb8;
	[tilespmem:$0x1E500] =	vst v63  }
0x2a3: {  	s17 =	simm.s32 $0x14C00  }
0x2a4: {  	[hbm4b:s8+s4] =	stream.indirect_vreg.scatter [tilespmem:s17], [sflag:$0x1], $0x80, v46, vm0, $0xb8;
	[tilespmem:$0x1E500] =	vst v63  }
0x2a5: {  	s18 =	simm.s32 $0x15400  }
0x2a6: {  	[hbm4b:s3+s4] =	stream.indirect_vreg.scatter [tilespmem:s18], [sflag:$0x1], $0x80, v45, vm0, $0xb8;
	[tilespmem:$0x1E500] =	vst v63  }
0x2a7: {  	s19 =	simm.s32 $0x15C00  }
0x2a8: {  	[hbm4b:s8+s4] =	stream.indirect_vreg.scatter [tilespmem:s19], [sflag:$0x1], $0x80, v45, vm0, $0xb8;
	v45 =	vmov s23;
	[tilespmem:$0x1E500] =	vst v63  }
0x2a9: {  	s0 =	simm.s32 @!p0 $0x2  }
0x2aa: {  	_ =	swait.ge @!p0 [sflag:s0], $0x8000  }
0x2ab: {  	[sflag:s0] =	ssyncset.done @!p0 $0x0  }
0x2ac: {  	s26 =	simm.s32 $0x0;
	[sflag:s0] =	ssyncadd.s32 @!p0 $0xFFFF8000  }
0x2ad: {  	v51 =	vld.idx.msk [tilespmem:v45+s26+$0x0 ss:$0x1], $0xffff;
	_ =	sdelay $0x4  }
0x2ae: {  	(v2sf) =	vpush v51, $0x0;
	_ =	sdelay $0xe  }
0x2af: {  	s1 =	spop (v2sf)  }
0x2b0: {  	s2 =	sshll.u32 s1, $0x9;
	s0 =	sshll.u32 s1, $0x7  }
0x2b1: {  	s1 =	sand.u32 $0xFFFFF000, s2;
	s0 =	sand.u32 $0x380, s0  }
0x2b2: {  	s1 =	sor.u32 s0, s1  }
0x2b3: {  	v52 =	vld [tilespmem:s1+$0x0];
	_ =	sdelay $0x3  }
0x2b4: {  	s6 =	simm.s32 $0x0  }
0x2b5: {  	s7 =	sand.u32 $0x7000, s6;
	s0 =	sand.u32 $0x380, s6;
	v46 =	vadd.f32 v52, v42  }
0x2b6: {  	s0 =	sor.u32 s0, s7  }
0x2b7: {  	[tilespmem:s0+$0x16400] =	vst v46  }
0x2b8: {  	s9 =	simm.s32 $0x80;
	v46 =	vld [tilespmem:s1+$0x10]  }
0x2b9: {  	v53 =	vld.idx.msk [tilespmem:v45+s9+$0x0 ss:$0x1], $0xffff;
	_ =	sdelay $0x3  }
0x2ba: {  	v46 =	vadd.f32 v46, v41  }
0x2bb: {  	(v2sf) =	vpush v53, $0x0;
	s2 =	sadd.s32 $0x16400, s0  }
0x2bc: {  	[tilespmem:s2+$0x10] =	vst v46  }
0x2bd: {  	v46 =	vld [tilespmem:s1+$0x20];
	_ =	sdelay $0x4  }
0x2be: {  	v46 =	vadd.f32 v46, v40;
	_ =	sdelay $0x1  }
0x2bf: {  	[tilespmem:s2+$0x20] =	vst v46  }
0x2c0: {  	v46 =	vld [tilespmem:s1+$0x30];
	_ =	sdelay $0x4  }
0x2c1: {  	s10 =	spop (v2sf);
	v46 =	vadd.f32 v46, v39  }
0x2c2: {  	s11 =	sshll.u32 s10, $0x9;
	s0 =	sshll.u32 s10, $0x7  }
0x2c3: {  	s6 =	sand.u32 $0xFFFFF000, s11;
	s0 =	sand.u32 $0x380, s0;
	[tilespmem:s2+$0x30] =	vst v46  }
0x2c4: {  	s28 =	sor.u32 s0, s6;
	v46 =	vld [tilespmem:s1+$0x40]  }
0x2c5: {  	v54 =	vld [tilespmem:s28+$0x0];
	_ =	sdelay $0x3  }
0x2c6: {  	s12 =	simm.s32 $0x200;
	s13 =	simm.s32 $0x80;
	v46 =	vadd.f32 v46, v38  }
0x2c7: {  	s0 =	sand.u32 $0x7000, s12;
	s6 =	sand.u32 $0x380, s13;
	v47 =	vadd.f32 v54, v42  }
0x2c8: {  	s0 =	sor.u32 s6, s0;
	[tilespmem:s2+$0x40] =	vst v46  }
0x2c9: {  	[tilespmem:s0+$0x16400] =	vst v47;
	v46 =	vld [tilespmem:s1+$0x50]  }
0x2ca: {  	s14 =	simm.s32 $0x100;
	v47 =	vld [tilespmem:s28+$0x10]  }
0x2cb: {  	v55 =	vld.idx.msk [tilespmem:v45+s14+$0x0 ss:$0x1], $0xffff;
	_ =	sdelay $0x2  }
0x2cc: {  	v46 =	vadd.f32 v46, v37  }
0x2cd: {  	v47 =	vadd.f32 v47, v41  }
0x2ce: {  	(v2sf) =	vpush v55, $0x0;
	s26 =	sadd.s32 $0x16400, s0;
	[tilespmem:s2+$0x50] =	vst v46  }
0x2cf: {  	[tilespmem:s26+$0x10] =	vst v47;
	v46 =	vld [tilespmem:s1+$0x60]  }
0x2d0: {  	v47 =	vld [tilespmem:s28+$0x20];
	_ =	sdelay $0x3  }
0x2d1: {  	v46 =	vadd.f32 v46, v36  }
0x2d2: {  	v47 =	vadd.f32 v47, v40  }
0x2d3: {  	[tilespmem:s2+$0x60] =	vst v46  }
0x2d4: {  	[tilespmem:s26+$0x20] =	vst v47;
	v46 =	vld [tilespmem:s1+$0x70]  }
0x2d5: {  	v47 =	vld [tilespmem:s28+$0x30];
	_ =	sdelay $0x3  }
0x2d6: {  	v46 =	vadd.f32 v46, v35  }
0x2d7: {  	s15 =	spop (v2sf);
	v47 =	vadd.f32 v47, v39  }
0x2d8: {  	s16 =	sshll.u32 s15, $0x9;
	s0 =	sshll.u32 s15, $0x7;
	[tilespmem:s2+$0x70] =	vst v46  }
0x2d9: {  	s6 =	sand.u32 $0xFFFFF000, s16;
	s0 =	sand.u32 $0x380, s0;
	[tilespmem:s26+$0x30] =	vst v47;
	v46 =	vld [tilespmem:s1+$0x400]  }
0x2da: {  	s29 =	sor.u32 s0, s6;
	v47 =	vld [tilespmem:s28+$0x40]  }
0x2db: {  	v56 =	vld [tilespmem:s29+$0x0];
	_ =	sdelay $0x2  }
0x2dc: {  	v46 =	vadd.f32 v46, v34  }
0x2dd: {  	s17 =	simm.s32 $0x400;
	s18 =	simm.s32 $0x100;
	v47 =	vadd.f32 v47, v38  }
0x2de: {  	s0 =	sand.u32 $0x7000, s17;
	s6 =	sand.u32 $0x380, s18;
	v48 =	vadd.f32 v56, v42;
	[tilespmem:s2+$0x400] =	vst v46  }
0x2df: {  	s0 =	sor.u32 s6, s0;
	[tilespmem:s26+$0x40] =	vst v47;
	v46 =	vld [tilespmem:s1+$0x410]  }
0x2e0: {  	[tilespmem:s0+$0x16400] =	vst v48;
	v47 =	vld [tilespmem:s28+$0x50]  }
0x2e1: {  	s19 =	simm.s32 $0x180;
	v48 =	vld [tilespmem:s29+$0x10]  }
0x2e2: {  	v57 =	vld.idx.msk [tilespmem:v45+s19+$0x0 ss:$0x1], $0xffff;
	_ =	sdelay $0x1  }
0x2e3: {  	v46 =	vadd.f32 v46, v33  }
0x2e4: {  	v47 =	vadd.f32 v47, v37  }
0x2e5: {  	v48 =	vadd.f32 v48, v41;
	[tilespmem:s2+$0x410] =	vst v46  }
0x2e6: {  	(v2sf) =	vpush v57, $0x0;
	s30 =	sadd.s32 $0x16400, s0;
	[tilespmem:s26+$0x50] =	vst v47;
	v46 =	vld [tilespmem:s1+$0x420]  }
0x2e7: {  	[tilespmem:s30+$0x10] =	vst v48;
	v47 =	vld [tilespmem:s28+$0x60]  }
0x2e8: {  	v48 =	vld [tilespmem:s29+$0x20];
	_ =	sdelay $0x2  }
0x2e9: {  	v46 =	vadd.f32 v46, v32  }
0x2ea: {  	v47 =	vadd.f32 v47, v36  }
0x2eb: {  	v48 =	vadd.f32 v48, v40;
	[tilespmem:s2+$0x420] =	vst v46  }
0x2ec: {  	[tilespmem:s26+$0x60] =	vst v47;
	v46 =	vld [tilespmem:s1+$0x430]  }
0x2ed: {  	[tilespmem:s30+$0x20] =	vst v48;
	v47 =	vld [tilespmem:s28+$0x70]  }
0x2ee: {  	v48 =	vld [tilespmem:s29+$0x30];
	_ =	sdelay $0x2  }
0x2ef: {  	v46 =	vadd.f32 v46, v31  }
0x2f0: {  	v47 =	vadd.f32 v47, v35  }
0x2f1: {  	s7 =	spop (v2sf);
	v48 =	vadd.f32 v48, v39;
	[tilespmem:s2+$0x430] =	vst v46  }
0x2f2: {  	s9 =	sshll.u32 s7, $0x9;
	s0 =	sshll.u32 s7, $0x7;
	[tilespmem:s26+$0x70] =	vst v47;
	v46 =	vld [tilespmem:s1+$0x440]  }
0x2f3: {  	s6 =	sand.u32 $0xFFFFF000, s9;
	s0 =	sand.u32 $0x380, s0;
	[tilespmem:s30+$0x30] =	vst v48;
	v47 =	vld [tilespmem:s28+$0x400]  }
0x2f4: {  	s31 =	sor.u32 s0, s6;
	v48 =	vld [tilespmem:s29+$0x40]  }
0x2f5: {  	v58 =	vld [tilespmem:s31+$0x0];
	_ =	sdelay $0x1  }
0x2f6: {  	v46 =	vadd.f32 v46, v30  }
0x2f7: {  	v47 =	vadd.f32 v47, v34  }
0x2f8: {  	s10 =	simm.s32 $0x600;
	s11 =	simm.s32 $0x180;
	v48 =	vadd.f32 v48, v38;
	[tilespmem:s2+$0x440] =	vst v46  }
0x2f9: {  	s0 =	sand.u32 $0x7000, s10;
	s6 =	sand.u32 $0x380, s11;
	v59 =	vadd.f32 v58, v42;
	[tilespmem:s26+$0x400] =	vst v47;
	v60 =	vld [tilespmem:s1+$0x450]  }
0x2fa: {  	s0 =	sor.u32 s6, s0;
	[tilespmem:s30+$0x40] =	vst v48;
	v61 =	vld [tilespmem:s28+$0x410]  }
0x2fb: {  	[tilespmem:s0+$0x16400] =	vst v59;
	v62 =	vld [tilespmem:s29+$0x50]  }
0x2fc: {  	s12 =	simm.s32 $0x200;
	v63 =	vld [tilespmem:s31+$0x10]  }
0x2fd: {  	v52 =	vld.idx.msk [tilespmem:v45+s12+$0x0 ss:$0x1], $0xffff  }
0x2fe: {  	v47 =	vadd.f32 v60, v29  }
0x2ff: {  	v48 =	vadd.f32 v61, v33  }
0x300: {  	v46 =	vadd.f32 v62, v37;
	[tilespmem:s2+$0x450] =	vst v47  }
0x301: {  	v53 =	vadd.f32 v63, v41;
	[tilespmem:s26+$0x410] =	vst v48;
	v54 =	vld [tilespmem:s1+$0x460]  }
0x302: {  	(v2sf) =	vpush v52, $0x0;
	s0 =	sadd.s32 $0x16400, s0;
	v55 =	vld [tilespmem:s28+$0x420];
	[tilespmem:s30+$0x50] =	vst v46  }
0x303: {  	[tilespmem:s0+$0x10] =	vst v53;
	v56 =	vld [tilespmem:s29+$0x60]  }
0x304: {  	v57 =	vld [tilespmem:s31+$0x20];
	_ =	sdelay $0x1  }
0x305: {  	v48 =	vadd.f32 v54, v28  }
0x306: {  	v46 =	vadd.f32 v55, v32  }
0x307: {  	v47 =	vadd.f32 v56, v36;
	[tilespmem:s2+$0x460] =	vst v48  }
0x308: {  	v58 =	vadd.f32 v57, v40;
	[tilespmem:s26+$0x420] =	vst v46;
	v59 =	vld [tilespmem:s1+$0x470]  }
0x309: {  	v60 =	vld [tilespmem:s28+$0x430];
	[tilespmem:s30+$0x60] =	vst v47  }
0x30a: {  	[tilespmem:s0+$0x20] =	vst v58;
	v61 =	vld [tilespmem:s29+$0x70]  }
0x30b: {  	v62 =	vld [tilespmem:s31+$0x30];
	_ =	sdelay $0x1  }
0x30c: {  	v46 =	vadd.f32 v59, v27  }
0x30d: {  	v47 =	vadd.f32 v60, v31  }
0x30e: {  	v48 =	vadd.f32 v61, v35;
	[tilespmem:s2+$0x470] =	vst v46  }
0x30f: {  	s13 =	spop (v2sf);
	v63 =	vadd.f32 v62, v39;
	[tilespmem:s26+$0x430] =	vst v47;
	v52 =	vld [tilespmem:s1+$0x800]  }
0x310: {  	s14 =	sshll.u32 s13, $0x9;
	s6 =	sshll.u32 s13, $0x7;
	v53 =	vld [tilespmem:s28+$0x440];
	[tilespmem:s30+$0x70] =	vst v48  }
0x311: {  	s7 =	sand.u32 $0xFFFFF000, s14;
	s6 =	sand.u32 $0x380, s6;
	[tilespmem:s0+$0x30] =	vst v63;
	v54 =	vld [tilespmem:s29+$0x400]  }
0x312: {  	s13 =	sor.u32 s6, s7;
	v55 =	vld [tilespmem:s31+$0x40]  }
0x313: {  	v56 =	vld [tilespmem:s13+$0x0]  }
0x314: {  	v47 =	vadd.f32 v52, v26  }
0x315: {  	v48 =	vadd.f32 v53, v30  }
0x316: {  	v46 =	vadd.f32 v54, v34;
	[tilespmem:s2+$0x800] =	vst v47  }
0x317: {  	s15 =	simm.s32 $0x800;
	s16 =	simm.s32 $0x200;
	v57 =	vadd.f32 v55, v38;
	[tilespmem:s26+$0x440] =	vst v48;
	v58 =	vld [tilespmem:s1+$0x810]  }
0x318: {  	s6 =	sand.u32 $0x7000, s15;
	s7 =	sand.u32 $0x380, s16;
	v59 =	vadd.f32 v56, v42;
	v60 =	vld [tilespmem:s28+$0x450];
	[tilespmem:s30+$0x400] =	vst v46  }
0x319: {  	s6 =	sor.u32 s7, s6;
	[tilespmem:s0+$0x40] =	vst v57;
	v61 =	vld [tilespmem:s29+$0x410]  }
0x31a: {  	v62 =	vld [tilespmem:s31+$0x50];
	[tilespmem:s6+$0x16400] =	vst v59  }
0x31b: {  	s17 =	simm.s32 $0x280;
	v63 =	vld [tilespmem:s13+$0x10]  }
0x31c: {  	v54 =	vld.idx.msk [tilespmem:v45+s17+$0x0 ss:$0x1], $0xffff;
	v48 =	vadd.f32 v58, v25  }
0x31d: {  	v46 =	vadd.f32 v60, v29  }
0x31e: {  	v47 =	vadd.f32 v61, v33;
	[tilespmem:s2+$0x810] =	vst v48  }
0x31f: {  	v55 =	vadd.f32 v62, v37;
	[tilespmem:s26+$0x450] =	vst v46;
	v56 =	vld [tilespmem:s1+$0x820]  }
0x320: {  	v57 =	vadd.f32 v63, v41;
	[tilespmem:s30+$0x410] =	vst v47;
	v58 =	vld [tilespmem:s28+$0x460]  }
0x321: {  	s14 =	sadd.s32 $0x16400, s6;
	[tilespmem:s0+$0x50] =	vst v55;
	(v2sf) =	vpush v54, $0x0;
	v59 =	vld [tilespmem:s29+$0x420]  }
0x322: {  	v60 =	vld [tilespmem:s31+$0x60];
	[tilespmem:s14+$0x10] =	vst v57  }
0x323: {  	v61 =	vld [tilespmem:s13+$0x20]  }
0x324: {  	v46 =	vadd.f32 v56, v24  }
0x325: {  	v47 =	vadd.f32 v58, v28  }
0x326: {  	v48 =	vadd.f32 v59, v32;
	[tilespmem:s2+$0x820] =	vst v46  }
0x327: {  	v62 =	vadd.f32 v60, v36;
	[tilespmem:s26+$0x460] =	vst v47;
	v63 =	vld [tilespmem:s1+$0x830]  }
0x328: {  	v52 =	vadd.f32 v61, v40;
	[tilespmem:s30+$0x420] =	vst v48;
	v53 =	vld [tilespmem:s28+$0x470]  }
0x329: {  	[tilespmem:s0+$0x60] =	vst v62;
	v54 =	vld [tilespmem:s29+$0x430]  }
0x32a: {  	v55 =	vld [tilespmem:s31+$0x70];
	[tilespmem:s14+$0x20] =	vst v52  }
0x32b: {  	v56 =	vld [tilespmem:s13+$0x30]  }
0x32c: {  	v47 =	vadd.f32 v63, v23  }
0x32d: {  	v48 =	vadd.f32 v53, v27  }
0x32e: {  	v46 =	vadd.f32 v54, v31;
	[tilespmem:s2+$0x830] =	vst v47  }
0x32f: {  	v57 =	vadd.f32 v55, v35;
	[tilespmem:s26+$0x470] =	vst v48;
	v58 =	vld [tilespmem:s1+$0x840]  }
0x330: {  	s18 =	spop (v2sf);
	[tilespmem:s30+$0x430] =	vst v46;
	v59 =	vadd.f32 v56, v39;
	v60 =	vld [tilespmem:s28+$0x800]  }
0x331: {  	[tilespmem:s0+$0x70] =	vst v57;
	s19 =	sshll.u32 s18, $0x9;
	s6 =	sshll.u32 s18, $0x7;
	v61 =	vld [tilespmem:s29+$0x440]  }
0x332: {  	v62 =	vld [tilespmem:s31+$0x400];
	s7 =	sand.u32 $0xFFFFF000, s19;
	s6 =	sand.u32 $0x380, s6;
	[tilespmem:s14+$0x30] =	vst v59  }
0x333: {  	s15 =	sor.u32 s6, s7;
	v63 =	vld [tilespmem:s13+$0x40]  }
0x334: {  	v54 =	vld [tilespmem:s15+$0x0];
	v48 =	vadd.f32 v58, v22  }
0x335: {  	v46 =	vadd.f32 v60, v26  }
0x336: {  	v47 =	vadd.f32 v61, v30;
	[tilespmem:s2+$0x840] =	vst v48  }
0x337: {  	v55 =	vadd.f32 v62, v34;
	[tilespmem:s26+$0x800] =	vst v46;
	v56 =	vld [tilespmem:s1+$0x850]  }
0x338: {  	s9 =	simm.s32 $0xA00;
	s10 =	simm.s32 $0x280;
	[tilespmem:s30+$0x440] =	vst v47;
	v57 =	vadd.f32 v63, v38;
	v58 =	vld [tilespmem:s28+$0x810]  }
0x339: {  	s6 =	sand.u32 $0x7000, s9;
	s7 =	sand.u32 $0x380, s10;
	[tilespmem:s0+$0x400] =	vst v55;
	v59 =	vadd.f32 v54, v42;
	v60 =	vld [tilespmem:s29+$0x450]  }
0x33a: {  	s6 =	sor.u32 s7, s6;
	v61 =	vld [tilespmem:s31+$0x410];
	[tilespmem:s14+$0x40] =	vst v57  }
0x33b: {  	[tilespmem:s6+$0x16400] =	vst v59;
	v62 =	vld [tilespmem:s13+$0x50]  }
0x33c: {  	s11 =	simm.s32 $0x300;
	v63 =	vld [tilespmem:s15+$0x10];
	v46 =	vadd.f32 v56, v21  }
0x33d: {  	v52 =	vld.idx.msk [tilespmem:v45+s11+$0x0 ss:$0x1], $0xffff;
	v47 =	vadd.f32 v58, v25  }
0x33e: {  	v48 =	vadd.f32 v60, v29;
	[tilespmem:s2+$0x850] =	vst v46  }
0x33f: {  	[tilespmem:s26+$0x810] =	vst v47;
	v56 =	vadd.f32 v61, v33;
	v57 =	vld [tilespmem:s1+$0x860]  }
0x340: {  	[tilespmem:s30+$0x450] =	vst v48;
	v58 =	vadd.f32 v62, v37;
	v59 =	vld [tilespmem:s28+$0x820]  }
0x341: {  	v60 =	vadd.f32 v63, v41;
	v61 =	vld [tilespmem:s29+$0x460];
	[tilespmem:s0+$0x410] =	vst v56  }
0x342: {  	(v2sf) =	vpush v52, $0x0;
	s16 =	sadd.s32 $0x16400, s6;
	[tilespmem:s14+$0x50] =	vst v58;
	v62 =	vld [tilespmem:s31+$0x420]  }
0x343: {  	[tilespmem:s16+$0x10] =	vst v60;
	v63 =	vld [tilespmem:s13+$0x60]  }
0x344: {  	v54 =	vld [tilespmem:s15+$0x20];
	v47 =	vadd.f32 v57, v20  }
0x345: {  	v48 =	vadd.f32 v59, v24  }
0x346: {  	v46 =	vadd.f32 v61, v28;
	[tilespmem:s2+$0x860] =	vst v47  }
0x347: {  	[tilespmem:s26+$0x820] =	vst v48;
	v55 =	vadd.f32 v62, v32;
	v56 =	vld [tilespmem:s1+$0x870]  }
0x348: {  	[tilespmem:s30+$0x460] =	vst v46;
	v57 =	vadd.f32 v63, v36;
	v58 =	vld [tilespmem:s28+$0x830]  }
0x349: {  	v59 =	vadd.f32 v54, v40;
	v60 =	vld [tilespmem:s29+$0x470];
	[tilespmem:s0+$0x420] =	vst v55  }
0x34a: {  	[tilespmem:s14+$0x60] =	vst v57;
	v61 =	vld [tilespmem:s31+$0x430]  }
0x34b: {  	[tilespmem:s16+$0x20] =	vst v59;
	v62 =	vld [tilespmem:s13+$0x70]  }
0x34c: {  	v63 =	vld [tilespmem:s15+$0x30];
	v48 =	vadd.f32 v56, v19  }
0x34d: {  	v46 =	vadd.f32 v58, v23  }
0x34e: {  	v47 =	vadd.f32 v60, v27;
	[tilespmem:s2+$0x870] =	vst v48  }
0x34f: {  	[tilespmem:s26+$0x830] =	vst v46;
	v54 =	vadd.f32 v61, v31;
	v55 =	vld [tilespmem:s1+$0xC00]  }
0x350: {  	[tilespmem:s30+$0x470] =	vst v47;
	v56 =	vadd.f32 v62, v35;
	v57 =	vld [tilespmem:s28+$0x840]  }
0x351: {  	s12 =	spop (v2sf);
	v58 =	vadd.f32 v63, v39;
	v59 =	vld [tilespmem:s29+$0x800];
	[tilespmem:s0+$0x430] =	vst v54  }
0x352: {  	s17 =	sshll.u32 s12, $0x9;
	s6 =	sshll.u32 s12, $0x7;
	[tilespmem:s14+$0x70] =	vst v56;
	v60 =	vld [tilespmem:s31+$0x440]  }
0x353: {  	s7 =	sand.u32 $0xFFFFF000, s17;
	s6 =	sand.u32 $0x380, s6;
	[tilespmem:s16+$0x30] =	vst v58;
	v61 =	vld [tilespmem:s13+$0x400]  }
0x354: {  	s6 =	sor.u32 s6, s7;
	v62 =	vld [tilespmem:s15+$0x40];
	v46 =	vadd.f32 v55, v18  }
0x355: {  	v63 =	vld [tilespmem:s6+$0x0];
	v47 =	vadd.f32 v57, v22  }
0x356: {  	v48 =	vadd.f32 v59, v26;
	[tilespmem:s2+$0xC00] =	vst v46  }
0x357: {  	[tilespmem:s26+$0x840] =	vst v47;
	v54 =	vadd.f32 v60, v30;
	v55 =	vld [tilespmem:s1+$0xC10]  }
0x358: {  	[tilespmem:s30+$0x800] =	vst v48;
	v57 =	vadd.f32 v61, v34;
	v58 =	vld [tilespmem:s28+$0x850]  }
0x359: {  	s18 =	simm.s32 $0xC00;
	s19 =	simm.s32 $0x300;
	v59 =	vadd.f32 v62, v38;
	v60 =	vld [tilespmem:s29+$0x810];
	[tilespmem:s0+$0x440] =	vst v54  }
0x35a: {  	s9 =	sand.u32 $0x380, s19;
	s7 =	sand.u32 $0x7000, s18;
	v61 =	vadd.f32 v63, v42;
	[tilespmem:s14+$0x400] =	vst v57;
	v62 =	vld [tilespmem:s31+$0x450]  }
0x35b: {  	s7 =	sor.u32 s9, s7;
	[tilespmem:s16+$0x40] =	vst v59;
	v63 =	vld [tilespmem:s13+$0x410]  }
0x35c: {  	v56 =	vld [tilespmem:s15+$0x50];
	[tilespmem:s7+$0x16400] =	vst v61;
	v47 =	vadd.f32 v55, v17  }
0x35d: {  	s10 =	simm.s32 $0x380;
	v57 =	vld [tilespmem:s6+$0x10];
	v48 =	vadd.f32 v58, v21  }
0x35e: {  	v53 =	vld.idx.msk [tilespmem:v45+s10+$0x0 ss:$0x1], $0xffff;
	v46 =	vadd.f32 v60, v25;
	[tilespmem:s2+$0xC10] =	vst v47  }
0x35f: {  	[tilespmem:s26+$0x850] =	vst v48;
	v58 =	vadd.f32 v62, v29;
	v59 =	vld [tilespmem:s1+$0xC20]  }
0x360: {  	[tilespmem:s30+$0x810] =	vst v46;
	v60 =	vadd.f32 v63, v33;
	v61 =	vld [tilespmem:s28+$0x860]  }
0x361: {  	v62 =	vadd.f32 v56, v37;
	v63 =	vld [tilespmem:s29+$0x820];
	[tilespmem:s0+$0x450] =	vst v58  }
0x362: {  	v55 =	vadd.f32 v57, v41;
	[tilespmem:s14+$0x410] =	vst v60;
	v56 =	vld [tilespmem:s31+$0x460]  }
0x363: {  	(v2sf) =	vpush v53, $0x0;
	s7 =	sadd.s32 $0x16400, s7;
	[tilespmem:s16+$0x50] =	vst v62;
	v57 =	vld [tilespmem:s13+$0x420]  }
0x364: {  	[tilespmem:s7+$0x10] =	vst v55;
	v58 =	vld [tilespmem:s15+$0x60];
	v48 =	vadd.f32 v59, v16  }
0x365: {  	v46 =	vadd.f32 v61, v20;
	v59 =	vld [tilespmem:s6+$0x20]  }
0x366: {  	v47 =	vadd.f32 v63, v24;
	[tilespmem:s2+$0xC20] =	vst v48  }
0x367: {  	[tilespmem:s26+$0x860] =	vst v46;
	v60 =	vadd.f32 v56, v28;
	v61 =	vld [tilespmem:s1+$0xC30]  }
0x368: {  	[tilespmem:s30+$0x820] =	vst v47;
	v62 =	vadd.f32 v57, v32;
	v63 =	vld [tilespmem:s28+$0x870]  }
0x369: {  	v55 =	vadd.f32 v58, v36;
	v56 =	vld [tilespmem:s29+$0x830];
	[tilespmem:s0+$0x460] =	vst v60  }
0x36a: {  	[tilespmem:s14+$0x420] =	vst v62;
	v58 =	vld [tilespmem:s31+$0x470];
	v57 =	vadd.f32 v59, v40  }
0x36b: {  	[tilespmem:s16+$0x60] =	vst v55;
	v59 =	vld [tilespmem:s13+$0x430]  }
0x36c: {  	v60 =	vld [tilespmem:s15+$0x70];
	[tilespmem:s7+$0x20] =	vst v57;
	v46 =	vadd.f32 v61, v15  }
0x36d: {  	s11 =	simm.s32 $0x400;
	v47 =	vadd.f32 v63, v19;
	v61 =	vld [tilespmem:s6+$0x30]  }
0x36e: {  	v50 =	vld.idx.msk [tilespmem:v45+s11+$0x0 ss:$0x1], $0xffff;
	v48 =	vadd.f32 v56, v23;
	[tilespmem:s2+$0xC30] =	vst v46  }
0x36f: {  	[tilespmem:s26+$0x870] =	vst v47;
	v62 =	vadd.f32 v58, v27;
	v63 =	vld [tilespmem:s1+$0xC40]  }
0x370: {  	[tilespmem:s30+$0x830] =	vst v48;
	v57 =	vld [tilespmem:s28+$0xC00];
	v56 =	vadd.f32 v59, v31  }
0x371: {  	v51 =	vadd.f32 v60, v35;
	v58 =	vld [tilespmem:s29+$0x840];
	[tilespmem:s0+$0x470] =	vst v62  }
0x372: {  	s12 =	spop (v2sf);
	v60 =	vld [tilespmem:s31+$0x800];
	[tilespmem:s14+$0x430] =	vst v56;
	v59 =	vadd.f32 v61, v39  }
0x373: {  	s17 =	sshll.u32 s12, $0x9;
	s9 =	sshll.u32 s12, $0x7;
	[tilespmem:s16+$0x70] =	vst v51;
	v61 =	vld [tilespmem:s13+$0x440]  }
0x374: {  	s10 =	sand.u32 $0xFFFFF000, s17;
	s9 =	sand.u32 $0x380, s9;
	v62 =	vld [tilespmem:s15+$0x400];
	[tilespmem:s7+$0x30] =	vst v59;
	v47 =	vadd.f32 v63, v14  }
0x375: {  	s9 =	sor.u32 s9, s10;
	v48 =	vadd.f32 v57, v18;
	v63 =	vld [tilespmem:s6+$0x40]  }
0x376: {  	v54 =	vld [tilespmem:s9+$0x0];
	v46 =	vadd.f32 v58, v22;
	[tilespmem:s2+$0xC40] =	vst v47  }
0x377: {  	[tilespmem:s26+$0xC00] =	vst v48;
	v57 =	vadd.f32 v60, v26;
	v58 =	vld [tilespmem:s1+$0xC50]  }
0x378: {  	[tilespmem:s30+$0x840] =	vst v46;
	v60 =	vld [tilespmem:s28+$0xC10];
	v59 =	vadd.f32 v61, v30  }
0x379: {  	v61 =	vadd.f32 v62, v34;
	[tilespmem:s0+$0x800] =	vst v57;
	v47 =	vld [tilespmem:s29+$0x850]  }
0x37a: {  	s18 =	simm.s32 $0xE00;
	s10 =	simm.s32 $0x380;
	v49 =	vld [tilespmem:s31+$0x810];
	[tilespmem:s14+$0x440] =	vst v59;
	v62 =	vadd.f32 v63, v38  }
0x37b: {  	s11 =	sand.u32 $0x7000, s18;
	s19 =	sand.u32 $0x380, s10;
	[tilespmem:s16+$0x400] =	vst v61;
	v63 =	vadd.f32 v54, v42;
	v51 =	vld [tilespmem:s13+$0x450]  }
0x37c: {  	s17 =	sor.u32 s19, s11;
	v52 =	vld [tilespmem:s15+$0x410];
	[tilespmem:s7+$0x40] =	vst v62;
	v48 =	vadd.f32 v58, v13  }
0x37d: {  	s12 =	simm.s32 $0x1200;
	s11 =	simm.s32 $0x1000;
	v46 =	vadd.f32 v60, v17;
	[tilespmem:s17+$0x16400] =	vst v63;
	v53 =	vld [tilespmem:s6+$0x50]  }
.LBB2_7:
0x37e: {  	p0 =	sne.s32 s12, $0x7E00;
	v54 =	vld [tilespmem:s9+$0x10];
	v47 =	vadd.f32 v47, v21;
	[tilespmem:s2+$0xC50] =	vst v48  }
0x37f: {  	v48 =	vadd.f32 v49, v25;
	[tilespmem:s26+$0xC10] =	vst v46;
	v46 =	vld [tilespmem:s1+$0xC60]  }
0x380: {  	v49 =	vadd.f32 v51, v29;
	[tilespmem:s30+$0x850] =	vst v47;
	v47 =	vld [tilespmem:s28+$0xC20]  }
0x381: {  	v51 =	vadd.f32 v52, v33;
	[tilespmem:s0+$0x810] =	vst v48;
	v48 =	vld [tilespmem:s29+$0x860]  }
0x382: {  	v52 =	vadd.f32 v53, v37;
	[tilespmem:s14+$0x450] =	vst v49;
	v49 =	vld [tilespmem:s31+$0x820]  }
0x383: {  	v53 =	vadd.f32 v54, v41;
	[tilespmem:s16+$0x410] =	vst v51;
	v51 =	vld [tilespmem:s13+$0x460]  }
0x384: {  	s17 =	sadd.s32 $0x16400, s17;
	(v2sf) =	vpush v50, $0x0;
	[tilespmem:s7+$0x50] =	vst v52;
	v50 =	vld [tilespmem:s15+$0x420];
	v46 =	vadd.f32 v46, v12  }
0x385: {  	[tilespmem:s17+$0x10] =	vst v53;
	v52 =	vld [tilespmem:s6+$0x60];
	v47 =	vadd.f32 v47, v16  }
0x386: {  	v53 =	vld [tilespmem:s9+$0x20];
	v48 =	vadd.f32 v48, v20;
	[tilespmem:s2+$0xC60] =	vst v46  }
0x387: {  	v46 =	vadd.f32 v49, v24;
	[tilespmem:s26+$0xC20] =	vst v47;
	v47 =	vld [tilespmem:s1+$0xC70];
	s1 =	smov.u32 s28;
	s28 =	smov.u32 s29;
	s29 =	smov.u32 s31  }
0x388: {  	s31 =	smov.u32 s13;
	s13 =	smov.u32 s15;
	s15 =	smov.u32 s6;
	v49 =	vadd.f32 v51, v28;
	[tilespmem:s30+$0x860] =	vst v48;
	v48 =	vld [tilespmem:s1+$0xC30]  }
0x389: {  	s6 =	smov.u32 s9;
	v50 =	vadd.f32 v50, v32;
	[tilespmem:s0+$0x820] =	vst v46;
	v46 =	vld [tilespmem:s28+$0x870]  }
0x38a: {  	v51 =	vadd.f32 v52, v36;
	[tilespmem:s14+$0x460] =	vst v49;
	v49 =	vld [tilespmem:s29+$0x830]  }
0x38b: {  	v52 =	vadd.f32 v53, v40;
	[tilespmem:s16+$0x420] =	vst v50;
	v53 =	vld [tilespmem:s31+$0x470]  }
0x38c: {  	[tilespmem:s7+$0x60] =	vst v51;
	v51 =	vld [tilespmem:s13+$0x430];
	v47 =	vadd.f32 v47, v11  }
0x38d: {  	[tilespmem:s17+$0x20] =	vst v52;
	v52 =	vld [tilespmem:s15+$0x70];
	v48 =	vadd.f32 v48, v15  }
0x38e: {  	s9 =	sshra.s32 s12, $0x2;
	v54 =	vld [tilespmem:s6+$0x30];
	v46 =	vadd.f32 v46, v19;
	[tilespmem:s2+$0xC70] =	vst v47;
	s2 =	smov.u32 s26;
	s26 =	smov.u32 s30  }
0x38f: {  	s30 =	smov.u32 s0;
	s0 =	smov.u32 s14;
	s14 =	smov.u32 s16;
	v50 =	vld.idx.msk [tilespmem:v45+s9+$0x0 ss:$0x1], $0xffff;
	v47 =	vadd.f32 v49, v23;
	[tilespmem:s2+$0xC30] =	vst v48  }
0x390: {  	s16 =	smov.u32 s7;
	s7 =	smov.u32 s17;
	v48 =	vadd.f32 v53, v27;
	[tilespmem:s26+$0x870] =	vst v46;
	v46 =	vld [tilespmem:s1+$0xC40]  }
0x391: {  	v49 =	vadd.f32 v51, v31;
	[tilespmem:s30+$0x830] =	vst v47;
	v47 =	vld [tilespmem:s28+$0xC00]  }
0x392: {  	v51 =	vadd.f32 v52, v35;
	[tilespmem:s0+$0x470] =	vst v48;
	v48 =	vld [tilespmem:s29+$0x840]  }
0x393: {  	s9 =	spop (v2sf);
	v52 =	vadd.f32 v54, v39;
	[tilespmem:s14+$0x430] =	vst v49;
	v49 =	vld [tilespmem:s31+$0x800]  }
0x394: {  	s17 =	sshll.u32 s9, $0x9;
	s9 =	sshll.u32 s9, $0x7;
	[tilespmem:s16+$0x70] =	vst v51;
	v51 =	vld [tilespmem:s13+$0x440]  }
0x395: {  	s17 =	sand.u32 $0xFFFFF000, s17;
	s9 =	sand.u32 $0x380, s9;
	[tilespmem:s7+$0x30] =	vst v52;
	v52 =	vld [tilespmem:s15+$0x400];
	v46 =	vadd.f32 v46, v14  }
0x396: {  	s9 =	sor.u32 s9, s17;
	v53 =	vld [tilespmem:s6+$0x40];
	v47 =	vadd.f32 v47, v18  }
0x397: {  	v54 =	vld [tilespmem:s9+$0x0];
	v48 =	vadd.f32 v48, v22;
	[tilespmem:s2+$0xC40] =	vst v46  }
0x398: {  	v46 =	vadd.f32 v49, v26;
	[tilespmem:s26+$0xC00] =	vst v47;
	v55 =	vld [tilespmem:s1+$0xC50]  }
0x399: {  	v49 =	vadd.f32 v51, v30;
	[tilespmem:s30+$0x840] =	vst v48;
	v56 =	vld [tilespmem:s28+$0xC10]  }
.Ltmp2:
0x39a: {  	v48 =	vadd.f32 v52, v34;
	[tilespmem:s0+$0x800] =	vst v46;
	v47 =	vld [tilespmem:s29+$0x850];
	(pc) =	sbr.rel @p0 .LBB2_7-.Ltmp2, $4  }
0x39b: {  	s10 =	sadd.s32 $0x80, s10;
	v46 =	vadd.f32 v53, v38;
	[tilespmem:s14+$0x440] =	vst v49;
	v49 =	vld [tilespmem:s31+$0x810]  }
0x39c: {  	s18 =	sand.u32 $0x380, s10;
	s17 =	sand.u32 $0x7000, s11;
	s11 =	smov.u32 s12;
	v53 =	vadd.f32 v54, v42;
	[tilespmem:s16+$0x400] =	vst v48;
	v51 =	vld [tilespmem:s13+$0x450]  }
0x39d: {  	s17 =	sor.u32 s18, s17;
	[tilespmem:s7+$0x40] =	vst v46;
	v52 =	vld [tilespmem:s15+$0x410];
	v48 =	vadd.f32 v55, v13  }
0x39e: {  	s12 =	sadd.s32 $0x200, s12;
	[tilespmem:s17+$0x16400] =	vst v53;
	v53 =	vld [tilespmem:s6+$0x50];
	v46 =	vadd.f32 v56, v17  }
0x39f: {  	(v2sf) =	vpush v50, $0x0;
	_ =	sdelay $0xe  }
0x3a0: {  	s12 =	spop (v2sf)  }
0x3a1: {  	s18 =	sshll.u32 s12, $0x9;
	s12 =	sshll.u32 s12, $0x7  }
0x3a2: {  	s18 =	sand.u32 $0xFFFFF000, s18;
	s12 =	sand.u32 $0x380, s12  }
0x3a3: {  	s12 =	sor.u32 s12, s18  }
0x3a4: {  	v45 =	vld [tilespmem:s12+$0x0];
	_ =	sdelay $0x3  }
0x3a5: {  	s10 =	sadd.s32 $0x80, s10  }
0x3a6: {  	s11 =	sand.u32 $0x7000, s11;
	s10 =	sand.u32 $0x380, s10;
	v42 =	vadd.f32 v45, v42  }
0x3a7: {  	s11 =	sor.u32 s10, s11  }
0x3a8: {  	v57 =	vld [tilespmem:s9+$0x10];
	[tilespmem:s11+$0x16400] =	vst v42  }
0x3a9: {  	v42 =	vld [tilespmem:s12+$0x10];
	_ =	sdelay $0x3  }
0x3aa: {  	v45 =	vadd.f32 v57, v41  }
0x3ab: {  	s19 =	sadd.s32 $0x16400, s17;
	v58 =	vadd.f32 v42, v41  }
0x3ac: {  	[tilespmem:s19+$0x10] =	vst v45;
	s11 =	sadd.s32 $0x16400, s11  }
0x3ad: {  	v59 =	vld [tilespmem:s9+$0x20];
	[tilespmem:s11+$0x10] =	vst v58  }
0x3ae: {  	v41 =	vld [tilespmem:s12+$0x20];
	_ =	sdelay $0x3  }
0x3af: {  	v42 =	vadd.f32 v59, v40  }
0x3b0: {  	v60 =	vadd.f32 v41, v40  }
0x3b1: {  	[tilespmem:s19+$0x20] =	vst v42  }
0x3b2: {  	v61 =	vld [tilespmem:s9+$0x30];
	[tilespmem:s11+$0x20] =	vst v60  }
0x3b3: {  	v40 =	vld [tilespmem:s12+$0x30];
	_ =	sdelay $0x3  }
0x3b4: {  	v41 =	vadd.f32 v61, v39  }
0x3b5: {  	v62 =	vadd.f32 v40, v39  }
0x3b6: {  	[tilespmem:s19+$0x30] =	vst v41  }
0x3b7: {  	v63 =	vld [tilespmem:s9+$0x40];
	[tilespmem:s11+$0x30] =	vst v62  }
0x3b8: {  	v39 =	vld [tilespmem:s12+$0x40];
	_ =	sdelay $0x3  }
0x3b9: {  	v40 =	vadd.f32 v63, v38  }
0x3ba: {  	v45 =	vadd.f32 v39, v38  }
0x3bb: {  	[tilespmem:s19+$0x40] =	vst v40  }
0x3bc: {  	v50 =	vld [tilespmem:s9+$0x50];
	[tilespmem:s11+$0x40] =	vst v45  }
0x3bd: {  	v38 =	vld [tilespmem:s12+$0x50];
	_ =	sdelay $0x2  }
0x3be: {  	v53 =	vadd.f32 v53, v37  }
0x3bf: {  	v39 =	vadd.f32 v50, v37  }
0x3c0: {  	[tilespmem:s7+$0x50] =	vst v53;
	v54 =	vadd.f32 v38, v37  }
0x3c1: {  	v55 =	vld [tilespmem:s6+$0x60];
	[tilespmem:s19+$0x50] =	vst v39  }
0x3c2: {  	v39 =	vld [tilespmem:s9+$0x60];
	[tilespmem:s11+$0x50] =	vst v54  }
0x3c3: {  	v37 =	vld [tilespmem:s12+$0x60];
	_ =	sdelay $0x2  }
0x3c4: {  	v38 =	vadd.f32 v55, v36  }
0x3c5: {  	v39 =	vadd.f32 v39, v36  }
0x3c6: {  	[tilespmem:s7+$0x60] =	vst v38;
	v56 =	vadd.f32 v37, v36  }
0x3c7: {  	[tilespmem:s19+$0x60] =	vst v39;
	v57 =	vld [tilespmem:s6+$0x70]  }
0x3c8: {  	v58 =	vld [tilespmem:s9+$0x70];
	[tilespmem:s11+$0x60] =	vst v56  }
0x3c9: {  	v36 =	vld [tilespmem:s12+$0x70];
	_ =	sdelay $0x2  }
0x3ca: {  	v37 =	vadd.f32 v57, v35  }
0x3cb: {  	v38 =	vadd.f32 v58, v35  }
0x3cc: {  	[tilespmem:s7+$0x70] =	vst v37;
	v59 =	vadd.f32 v36, v35  }
0x3cd: {  	[tilespmem:s19+$0x70] =	vst v38;
	v60 =	vld [tilespmem:s6+$0x400]  }
0x3ce: {  	v61 =	vld [tilespmem:s9+$0x400];
	[tilespmem:s11+$0x70] =	vst v59  }
0x3cf: {  	v35 =	vld [tilespmem:s12+$0x400];
	_ =	sdelay $0x2  }
0x3d0: {  	v36 =	vadd.f32 v60, v34  }
0x3d1: {  	v37 =	vadd.f32 v61, v34  }
0x3d2: {  	[tilespmem:s7+$0x400] =	vst v36;
	v62 =	vadd.f32 v35, v34  }
0x3d3: {  	[tilespmem:s19+$0x400] =	vst v37;
	v63 =	vld [tilespmem:s6+$0x410]  }
0x3d4: {  	v40 =	vld [tilespmem:s9+$0x410];
	[tilespmem:s11+$0x400] =	vst v62  }
0x3d5: {  	v34 =	vld [tilespmem:s12+$0x410];
	_ =	sdelay $0x1  }
0x3d6: {  	v41 =	vadd.f32 v52, v33  }
0x3d7: {  	v35 =	vadd.f32 v63, v33  }
0x3d8: {  	[tilespmem:s16+$0x410] =	vst v41;
	v36 =	vadd.f32 v40, v33  }
0x3d9: {  	v37 =	vld [tilespmem:s15+$0x420];
	[tilespmem:s7+$0x410] =	vst v35;
	v42 =	vadd.f32 v34, v33  }
0x3da: {  	[tilespmem:s19+$0x410] =	vst v36;
	v45 =	vld [tilespmem:s6+$0x420]  }
0x3db: {  	v50 =	vld [tilespmem:s9+$0x420];
	[tilespmem:s11+$0x410] =	vst v42  }
0x3dc: {  	v33 =	vld [tilespmem:s12+$0x420];
	_ =	sdelay $0x1  }
0x3dd: {  	v52 =	vadd.f32 v37, v32  }
0x3de: {  	v34 =	vadd.f32 v45, v32  }
0x3df: {  	[tilespmem:s16+$0x420] =	vst v52;
	v35 =	vadd.f32 v50, v32  }
0x3e0: {  	v36 =	vld [tilespmem:s15+$0x430];
	[tilespmem:s7+$0x420] =	vst v34;
	v53 =	vadd.f32 v33, v32  }
0x3e1: {  	[tilespmem:s19+$0x420] =	vst v35;
	v54 =	vld [tilespmem:s6+$0x430]  }
0x3e2: {  	v55 =	vld [tilespmem:s9+$0x430];
	[tilespmem:s11+$0x420] =	vst v53  }
0x3e3: {  	v32 =	vld [tilespmem:s12+$0x430];
	_ =	sdelay $0x1  }
0x3e4: {  	v56 =	vadd.f32 v36, v31  }
0x3e5: {  	v33 =	vadd.f32 v54, v31  }
0x3e6: {  	[tilespmem:s16+$0x430] =	vst v56;
	v34 =	vadd.f32 v55, v31  }
0x3e7: {  	v35 =	vld [tilespmem:s15+$0x440];
	[tilespmem:s7+$0x430] =	vst v33;
	v57 =	vadd.f32 v32, v31  }
0x3e8: {  	[tilespmem:s19+$0x430] =	vst v34;
	v58 =	vld [tilespmem:s6+$0x440]  }
0x3e9: {  	v59 =	vld [tilespmem:s9+$0x440];
	[tilespmem:s11+$0x430] =	vst v57  }
0x3ea: {  	v31 =	vld [tilespmem:s12+$0x440];
	_ =	sdelay $0x1  }
0x3eb: {  	v60 =	vadd.f32 v35, v30  }
0x3ec: {  	v32 =	vadd.f32 v58, v30  }
0x3ed: {  	[tilespmem:s16+$0x440] =	vst v60;
	v33 =	vadd.f32 v59, v30  }
0x3ee: {  	v34 =	vld [tilespmem:s15+$0x450];
	[tilespmem:s7+$0x440] =	vst v32;
	v61 =	vadd.f32 v31, v30  }
0x3ef: {  	[tilespmem:s19+$0x440] =	vst v33;
	v62 =	vld [tilespmem:s6+$0x450]  }
0x3f0: {  	v63 =	vld [tilespmem:s9+$0x450];
	[tilespmem:s11+$0x440] =	vst v61  }
0x3f1: {  	v30 =	vld [tilespmem:s12+$0x450]  }
0x3f2: {  	v36 =	vadd.f32 v51, v29  }
0x3f3: {  	v34 =	vadd.f32 v34, v29  }
0x3f4: {  	[tilespmem:s14+$0x450] =	vst v36;
	v31 =	vadd.f32 v62, v29  }
0x3f5: {  	[tilespmem:s16+$0x450] =	vst v34;
	v33 =	vld [tilespmem:s13+$0x460];
	v32 =	vadd.f32 v63, v29  }
0x3f6: {  	v34 =	vld [tilespmem:s15+$0x460];
	[tilespmem:s7+$0x450] =	vst v31;
	v37 =	vadd.f32 v30, v29  }
0x3f7: {  	[tilespmem:s19+$0x450] =	vst v32;
	v38 =	vld [tilespmem:s6+$0x460]  }
0x3f8: {  	v39 =	vld [tilespmem:s9+$0x460];
	[tilespmem:s11+$0x450] =	vst v37  }
0x3f9: {  	v29 =	vld [tilespmem:s12+$0x460]  }
0x3fa: {  	v40 =	vadd.f32 v33, v28  }
0x3fb: {  	v41 =	vadd.f32 v34, v28  }
0x3fc: {  	[tilespmem:s14+$0x460] =	vst v40;
	v30 =	vadd.f32 v38, v28  }
0x3fd: {  	[tilespmem:s16+$0x460] =	vst v41;
	v32 =	vld [tilespmem:s13+$0x470];
	v31 =	vadd.f32 v39, v28  }
0x3fe: {  	v33 =	vld [tilespmem:s15+$0x470];
	[tilespmem:s7+$0x460] =	vst v30;
	v42 =	vadd.f32 v29, v28  }
0x3ff: {  	[tilespmem:s19+$0x460] =	vst v31;
	v45 =	vld [tilespmem:s6+$0x470]  }
0x400: {  	v50 =	vld [tilespmem:s9+$0x470];
	[tilespmem:s11+$0x460] =	vst v42  }
0x401: {  	v28 =	vld [tilespmem:s12+$0x470]  }
0x402: {  	v51 =	vadd.f32 v32, v27  }
0x403: {  	v52 =	vadd.f32 v33, v27  }
0x404: {  	[tilespmem:s14+$0x470] =	vst v51;
	v29 =	vadd.f32 v45, v27  }
0x405: {  	[tilespmem:s16+$0x470] =	vst v52;
	v31 =	vld [tilespmem:s13+$0x800];
	v30 =	vadd.f32 v50, v27  }
0x406: {  	v32 =	vld [tilespmem:s15+$0x800];
	[tilespmem:s7+$0x470] =	vst v29;
	v53 =	vadd.f32 v28, v27  }
0x407: {  	[tilespmem:s19+$0x470] =	vst v30;
	v54 =	vld [tilespmem:s6+$0x800]  }
0x408: {  	v55 =	vld [tilespmem:s9+$0x800];
	[tilespmem:s11+$0x470] =	vst v53  }
0x409: {  	v27 =	vld [tilespmem:s12+$0x800]  }
0x40a: {  	v56 =	vadd.f32 v31, v26  }
0x40b: {  	v57 =	vadd.f32 v32, v26  }
0x40c: {  	[tilespmem:s14+$0x800] =	vst v56;
	v28 =	vadd.f32 v54, v26  }
0x40d: {  	[tilespmem:s16+$0x800] =	vst v57;
	v30 =	vld [tilespmem:s13+$0x810];
	v29 =	vadd.f32 v55, v26  }
0x40e: {  	v31 =	vld [tilespmem:s15+$0x810];
	[tilespmem:s7+$0x800] =	vst v28;
	v58 =	vadd.f32 v27, v26  }
0x40f: {  	[tilespmem:s19+$0x800] =	vst v29;
	v59 =	vld [tilespmem:s6+$0x810]  }
0x410: {  	v60 =	vld [tilespmem:s9+$0x810];
	[tilespmem:s11+$0x800] =	vst v58  }
0x411: {  	v61 =	vadd.f32 v49, v25;
	v62 =	vld [tilespmem:s12+$0x810]  }
0x412: {  	v30 =	vadd.f32 v30, v25  }
0x413: {  	[tilespmem:s0+$0x810] =	vst v61;
	v63 =	vadd.f32 v31, v25  }
0x414: {  	v33 =	vld [tilespmem:s31+$0x820];
	[tilespmem:s14+$0x810] =	vst v30;
	v27 =	vadd.f32 v59, v25  }
0x415: {  	[tilespmem:s16+$0x810] =	vst v63;
	v30 =	vld [tilespmem:s13+$0x820];
	v34 =	vadd.f32 v60, v25  }
0x416: {  	v35 =	vld [tilespmem:s15+$0x820];
	[tilespmem:s7+$0x810] =	vst v27;
	v36 =	vadd.f32 v62, v25  }
0x417: {  	[tilespmem:s19+$0x810] =	vst v34;
	v27 =	vld [tilespmem:s6+$0x820]  }
0x418: {  	v26 =	vld [tilespmem:s9+$0x820];
	[tilespmem:s11+$0x810] =	vst v36  }
0x419: {  	v37 =	vadd.f32 v33, v24;
	v38 =	vld [tilespmem:s12+$0x820]  }
0x41a: {  	v30 =	vadd.f32 v30, v24  }
0x41b: {  	[tilespmem:s0+$0x820] =	vst v37;
	v39 =	vadd.f32 v35, v24  }
0x41c: {  	v40 =	vld [tilespmem:s31+$0x830];
	[tilespmem:s14+$0x820] =	vst v30;
	v27 =	vadd.f32 v27, v24  }
0x41d: {  	[tilespmem:s16+$0x820] =	vst v39;
	v30 =	vld [tilespmem:s13+$0x830];
	v41 =	vadd.f32 v26, v24  }
0x41e: {  	v42 =	vld [tilespmem:s15+$0x830];
	[tilespmem:s7+$0x820] =	vst v27;
	v45 =	vadd.f32 v38, v24  }
0x41f: {  	[tilespmem:s19+$0x820] =	vst v41;
	v27 =	vld [tilespmem:s6+$0x830]  }
0x420: {  	v25 =	vld [tilespmem:s9+$0x830];
	[tilespmem:s11+$0x820] =	vst v45  }
0x421: {  	v49 =	vadd.f32 v40, v23;
	v50 =	vld [tilespmem:s12+$0x830]  }
0x422: {  	v51 =	vadd.f32 v30, v23  }
0x423: {  	[tilespmem:s0+$0x830] =	vst v49;
	v52 =	vadd.f32 v42, v23  }
0x424: {  	v53 =	vld [tilespmem:s31+$0x840];
	[tilespmem:s14+$0x830] =	vst v51;
	v27 =	vadd.f32 v27, v23  }
0x425: {  	[tilespmem:s16+$0x830] =	vst v52;
	v29 =	vld [tilespmem:s13+$0x840];
	v54 =	vadd.f32 v25, v23  }
0x426: {  	v55 =	vld [tilespmem:s15+$0x840];
	[tilespmem:s7+$0x830] =	vst v27;
	v56 =	vadd.f32 v50, v23  }
0x427: {  	[tilespmem:s19+$0x830] =	vst v54;
	v27 =	vld [tilespmem:s6+$0x840]  }
0x428: {  	v24 =	vld [tilespmem:s9+$0x840];
	[tilespmem:s11+$0x830] =	vst v56  }
0x429: {  	v57 =	vadd.f32 v53, v22;
	v58 =	vld [tilespmem:s12+$0x840]  }
0x42a: {  	v59 =	vadd.f32 v29, v22  }
0x42b: {  	[tilespmem:s0+$0x840] =	vst v57;
	v60 =	vadd.f32 v55, v22  }
0x42c: {  	v61 =	vld [tilespmem:s31+$0x850];
	[tilespmem:s14+$0x840] =	vst v59;
	v27 =	vadd.f32 v27, v22  }
0x42d: {  	[tilespmem:s16+$0x840] =	vst v60;
	v28 =	vld [tilespmem:s13+$0x850];
	v62 =	vadd.f32 v24, v22  }
0x42e: {  	v63 =	vld [tilespmem:s15+$0x850];
	[tilespmem:s7+$0x840] =	vst v27;
	v31 =	vadd.f32 v58, v22  }
0x42f: {  	[tilespmem:s19+$0x840] =	vst v62;
	v32 =	vld [tilespmem:s6+$0x850]  }
0x430: {  	v33 =	vadd.f32 v47, v21;
	v34 =	vld [tilespmem:s9+$0x850];
	[tilespmem:s11+$0x840] =	vst v31  }
0x431: {  	v35 =	vadd.f32 v61, v21;
	v36 =	vld [tilespmem:s12+$0x850]  }
0x432: {  	[tilespmem:s30+$0x850] =	vst v33;
	v37 =	vadd.f32 v28, v21  }
0x433: {  	[tilespmem:s0+$0x850] =	vst v35;
	v38 =	vld [tilespmem:s29+$0x860];
	v39 =	vadd.f32 v63, v21  }
0x434: {  	v40 =	vld [tilespmem:s31+$0x860];
	[tilespmem:s14+$0x850] =	vst v37;
	v41 =	vadd.f32 v32, v21  }
0x435: {  	[tilespmem:s16+$0x850] =	vst v39;
	v42 =	vld [tilespmem:s13+$0x860];
	v45 =	vadd.f32 v34, v21  }
0x436: {  	v47 =	vld [tilespmem:s15+$0x860];
	[tilespmem:s7+$0x850] =	vst v41;
	v49 =	vadd.f32 v36, v21  }
0x437: {  	[tilespmem:s19+$0x850] =	vst v45;
	v23 =	vld [tilespmem:s6+$0x860]  }
0x438: {  	v50 =	vadd.f32 v38, v20;
	v51 =	vld [tilespmem:s9+$0x860];
	[tilespmem:s11+$0x850] =	vst v49  }
0x439: {  	[tilespmem:s2+$0xC50] =	vst v48;
	v52 =	vadd.f32 v40, v20;
	v53 =	vld [tilespmem:s12+$0x860]  }
0x43a: {  	[tilespmem:s30+$0x860] =	vst v50;
	v55 =	vadd.f32 v42, v20  }
0x43b: {  	[tilespmem:s0+$0x860] =	vst v52;
	v56 =	vld [tilespmem:s29+$0x870];
	v57 =	vadd.f32 v47, v20  }
0x43c: {  	v58 =	vld [tilespmem:s31+$0x870];
	[tilespmem:s14+$0x860] =	vst v55;
	v59 =	vadd.f32 v23, v20  }
0x43d: {  	[tilespmem:s16+$0x860] =	vst v57;
	v60 =	vld [tilespmem:s13+$0x870];
	v61 =	vadd.f32 v51, v20  }
0x43e: {  	v62 =	vld [tilespmem:s15+$0x870];
	[tilespmem:s7+$0x860] =	vst v59;
	v63 =	vadd.f32 v53, v20  }
0x43f: {  	[tilespmem:s19+$0x860] =	vst v61;
	v30 =	vld [tilespmem:s6+$0x870]  }
0x440: {  	v31 =	vadd.f32 v56, v19;
	v32 =	vld [tilespmem:s9+$0x870];
	[tilespmem:s11+$0x860] =	vst v63  }
0x441: {  	[tilespmem:s26+$0xC10] =	vst v46;
	v33 =	vadd.f32 v58, v19;
	v34 =	vld [tilespmem:s12+$0x870]  }
0x442: {  	v54 =	vld [tilespmem:s1+$0xC60];
	[tilespmem:s30+$0x870] =	vst v31;
	v36 =	vadd.f32 v60, v19  }
0x443: {  	v37 =	vld [tilespmem:s29+$0xC00];
	[tilespmem:s0+$0x870] =	vst v33;
	v38 =	vadd.f32 v62, v19  }
0x444: {  	v39 =	vld [tilespmem:s31+$0xC00];
	[tilespmem:s14+$0x870] =	vst v36;
	v40 =	vadd.f32 v30, v19  }
0x445: {  	[tilespmem:s16+$0x870] =	vst v38;
	v41 =	vld [tilespmem:s13+$0xC00];
	v42 =	vadd.f32 v32, v19  }
0x446: {  	v45 =	vld [tilespmem:s15+$0xC00];
	[tilespmem:s7+$0x870] =	vst v40;
	v47 =	vadd.f32 v34, v19  }
0x447: {  	v29 =	vadd.f32 v54, v12;
	[tilespmem:s19+$0x870] =	vst v42;
	v49 =	vld [tilespmem:s6+$0xC00]  }
0x448: {  	v50 =	vadd.f32 v37, v18;
	v51 =	vld [tilespmem:s9+$0xC00];
	[tilespmem:s11+$0x870] =	vst v47  }
0x449: {  	[tilespmem:s2+$0xC60] =	vst v29;
	v52 =	vadd.f32 v39, v18;
	v53 =	vld [tilespmem:s12+$0xC00]  }
0x44a: {  	v35 =	vld [tilespmem:s1+$0xC70];
	[tilespmem:s30+$0xC00] =	vst v50;
	v54 =	vadd.f32 v41, v18  }
0x44b: {  	v55 =	vld [tilespmem:s29+$0xC10];
	[tilespmem:s0+$0xC00] =	vst v52;
	v56 =	vadd.f32 v45, v18  }
0x44c: {  	v57 =	vld [tilespmem:s31+$0xC10];
	[tilespmem:s14+$0xC00] =	vst v54;
	v58 =	vadd.f32 v49, v18  }
0x44d: {  	[tilespmem:s16+$0xC00] =	vst v56;
	v59 =	vld [tilespmem:s13+$0xC10];
	v60 =	vadd.f32 v51, v18  }
0x44e: {  	v61 =	vld [tilespmem:s15+$0xC10];
	[tilespmem:s7+$0xC00] =	vst v58;
	v62 =	vadd.f32 v53, v18  }
0x44f: {  	v48 =	vadd.f32 v35, v11;
	[tilespmem:s19+$0xC00] =	vst v60;
	v20 =	vld [tilespmem:s6+$0xC10]  }
0x450: {  	v63 =	vadd.f32 v55, v17;
	v28 =	vld [tilespmem:s9+$0xC10];
	[tilespmem:s11+$0xC00] =	vst v62  }
0x451: {  	[tilespmem:s2+$0xC70] =	vst v48;
	v29 =	vadd.f32 v57, v17;
	v30 =	vld [tilespmem:s12+$0xC10]  }
0x452: {  	v31 =	vld [tilespmem:s28+$0xC20];
	[tilespmem:s30+$0xC10] =	vst v63;
	v32 =	vadd.f32 v59, v17  }
0x453: {  	v33 =	vld [tilespmem:s29+$0xC20];
	[tilespmem:s0+$0xC10] =	vst v29;
	v34 =	vadd.f32 v61, v17  }
0x454: {  	v35 =	vld [tilespmem:s31+$0xC20];
	[tilespmem:s14+$0xC10] =	vst v32;
	v36 =	vadd.f32 v20, v17  }
0x455: {  	[tilespmem:s16+$0xC10] =	vst v34;
	v37 =	vld [tilespmem:s13+$0xC20];
	v38 =	vadd.f32 v28, v17  }
0x456: {  	v39 =	vld [tilespmem:s15+$0xC20];
	[tilespmem:s7+$0xC10] =	vst v36;
	v40 =	vadd.f32 v30, v17  }
0x457: {  	v41 =	vadd.f32 v31, v16;
	[tilespmem:s19+$0xC10] =	vst v38;
	v42 =	vld [tilespmem:s6+$0xC20]  }
0x458: {  	v45 =	vadd.f32 v33, v16;
	v46 =	vld [tilespmem:s9+$0xC20];
	[tilespmem:s11+$0xC10] =	vst v40  }
0x459: {  	[tilespmem:s26+$0xC20] =	vst v41;
	v47 =	vadd.f32 v35, v16;
	v48 =	vld [tilespmem:s12+$0xC20]  }
0x45a: {  	v49 =	vld [tilespmem:s28+$0xC30];
	[tilespmem:s30+$0xC20] =	vst v45;
	v50 =	vadd.f32 v37, v16  }
0x45b: {  	v51 =	vld [tilespmem:s29+$0xC30];
	[tilespmem:s0+$0xC20] =	vst v47;
	v52 =	vadd.f32 v39, v16  }
0x45c: {  	v53 =	vld [tilespmem:s31+$0xC30];
	[tilespmem:s14+$0xC20] =	vst v50;
	v54 =	vadd.f32 v42, v16  }
0x45d: {  	[tilespmem:s16+$0xC20] =	vst v52;
	v55 =	vld [tilespmem:s13+$0xC30];
	v56 =	vadd.f32 v46, v16  }
0x45e: {  	v57 =	vld [tilespmem:s15+$0xC30];
	[tilespmem:s7+$0xC20] =	vst v54;
	v58 =	vadd.f32 v48, v16  }
0x45f: {  	v59 =	vadd.f32 v49, v15;
	[tilespmem:s19+$0xC20] =	vst v56;
	v60 =	vld [tilespmem:s6+$0xC30]  }
0x460: {  	v61 =	vadd.f32 v51, v15;
	v62 =	vld [tilespmem:s9+$0xC30];
	[tilespmem:s11+$0xC20] =	vst v58  }
0x461: {  	[tilespmem:s26+$0xC30] =	vst v59;
	v63 =	vadd.f32 v53, v15;
	v25 =	vld [tilespmem:s12+$0xC30]  }
0x462: {  	v26 =	vld [tilespmem:s28+$0xC40];
	[tilespmem:s30+$0xC30] =	vst v61;
	v27 =	vadd.f32 v55, v15  }
0x463: {  	v28 =	vld [tilespmem:s29+$0xC40];
	[tilespmem:s0+$0xC30] =	vst v63;
	v29 =	vadd.f32 v57, v15  }
0x464: {  	v30 =	vld [tilespmem:s31+$0xC40];
	[tilespmem:s14+$0xC30] =	vst v27;
	v31 =	vadd.f32 v60, v15  }
0x465: {  	[tilespmem:s16+$0xC30] =	vst v29;
	v32 =	vld [tilespmem:s13+$0xC40];
	v33 =	vadd.f32 v62, v15  }
0x466: {  	v34 =	vld [tilespmem:s15+$0xC40];
	[tilespmem:s7+$0xC30] =	vst v31;
	v35 =	vadd.f32 v25, v15  }
0x467: {  	v36 =	vadd.f32 v26, v14;
	[tilespmem:s19+$0xC30] =	vst v33;
	v37 =	vld [tilespmem:s6+$0xC40]  }
0x468: {  	v38 =	vadd.f32 v28, v14;
	v39 =	vld [tilespmem:s9+$0xC40];
	[tilespmem:s11+$0xC30] =	vst v35  }
0x469: {  	[tilespmem:s26+$0xC40] =	vst v36;
	v40 =	vadd.f32 v30, v14;
	v41 =	vld [tilespmem:s12+$0xC40]  }
0x46a: {  	v42 =	vld [tilespmem:s28+$0xC50];
	[tilespmem:s30+$0xC40] =	vst v38;
	v45 =	vadd.f32 v32, v14  }
0x46b: {  	v46 =	vld [tilespmem:s29+$0xC50];
	[tilespmem:s0+$0xC40] =	vst v40;
	v47 =	vadd.f32 v34, v14  }
0x46c: {  	v48 =	vld [tilespmem:s31+$0xC50];
	[tilespmem:s14+$0xC40] =	vst v45;
	v49 =	vadd.f32 v37, v14  }
0x46d: {  	[tilespmem:s16+$0xC40] =	vst v47;
	v50 =	vld [tilespmem:s13+$0xC50];
	v51 =	vadd.f32 v39, v14  }
0x46e: {  	v52 =	vld [tilespmem:s15+$0xC50];
	[tilespmem:s7+$0xC40] =	vst v49;
	v53 =	vadd.f32 v41, v14  }
0x46f: {  	v54 =	vadd.f32 v42, v13;
	[tilespmem:s19+$0xC40] =	vst v51;
	v55 =	vld [tilespmem:s6+$0xC50]  }
0x470: {  	v56 =	vadd.f32 v46, v13;
	v57 =	vld [tilespmem:s9+$0xC50];
	[tilespmem:s11+$0xC40] =	vst v53  }
0x471: {  	[tilespmem:s26+$0xC50] =	vst v54;
	v58 =	vadd.f32 v48, v13;
	v59 =	vld [tilespmem:s12+$0xC50]  }
0x472: {  	v60 =	vld [tilespmem:s28+$0xC60];
	[tilespmem:s30+$0xC50] =	vst v56;
	v61 =	vadd.f32 v50, v13  }
0x473: {  	v62 =	vld [tilespmem:s29+$0xC60];
	[tilespmem:s0+$0xC50] =	vst v58;
	v63 =	vadd.f32 v52, v13  }
0x474: {  	v24 =	vld [tilespmem:s31+$0xC60];
	[tilespmem:s14+$0xC50] =	vst v61;
	v25 =	vadd.f32 v55, v13  }
0x475: {  	[tilespmem:s16+$0xC50] =	vst v63;
	v26 =	vld [tilespmem:s13+$0xC60];
	v27 =	vadd.f32 v57, v13  }
0x476: {  	v28 =	vld [tilespmem:s15+$0xC60];
	[tilespmem:s7+$0xC50] =	vst v25;
	v29 =	vadd.f32 v59, v13  }
0x477: {  	v30 =	vadd.f32 v60, v12;
	[tilespmem:s19+$0xC50] =	vst v27;
	v31 =	vld [tilespmem:s6+$0xC60]  }
0x478: {  	v32 =	vadd.f32 v62, v12;
	v33 =	vld [tilespmem:s9+$0xC60];
	[tilespmem:s11+$0xC50] =	vst v29  }
0x479: {  	[tilespmem:s26+$0xC60] =	vst v30;
	v34 =	vadd.f32 v24, v12;
	v35 =	vld [tilespmem:s12+$0xC60]  }
0x47a: {  	v36 =	vld [tilespmem:s28+$0xC70];
	[tilespmem:s30+$0xC60] =	vst v32;
	v37 =	vadd.f32 v26, v12  }
0x47b: {  	v38 =	vld [tilespmem:s29+$0xC70];
	[tilespmem:s0+$0xC60] =	vst v34;
	v39 =	vadd.f32 v28, v12  }
0x47c: {  	v40 =	vld [tilespmem:s31+$0xC70];
	[tilespmem:s14+$0xC60] =	vst v37;
	v41 =	vadd.f32 v31, v12  }
0x47d: {  	[tilespmem:s16+$0xC60] =	vst v39;
	v42 =	vld [tilespmem:s13+$0xC70];
	v45 =	vadd.f32 v33, v12  }
0x47e: {  	v46 =	vld [tilespmem:s15+$0xC70];
	[tilespmem:s7+$0xC60] =	vst v41;
	v47 =	vadd.f32 v35, v12  }
0x47f: {  	v48 =	vadd.f32 v36, v11;
	[tilespmem:s19+$0xC60] =	vst v45;
	v14 =	vld [tilespmem:s6+$0xC70]  }
0x480: {  	v17 =	vadd.f32 v38, v11;
	v13 =	vld [tilespmem:s9+$0xC70];
	[tilespmem:s11+$0xC60] =	vst v47  }
0x481: {  	[tilespmem:s26+$0xC70] =	vst v48;
	v49 =	vadd.f32 v40, v11;
	v12 =	vld [tilespmem:s12+$0xC70]  }
0x482: {  	v50 =	vor.u32 v7, v43;
	[tilespmem:s30+$0xC70] =	vst v17;
	v16 =	vadd.f32 v42, v11  }
0x483: {  	v52 =	vshll.u32 v50, $0x2;
	[tilespmem:s0+$0xC70] =	vst v49;
	v51 =	vadd.f32 v46, v11  }
0x484: {  	v53 =	vand.u32 $0xFFFFFFE0, v52;
	[tilespmem:s14+$0xC70] =	vst v16;
	v14 =	vadd.f32 v14, v11  }
0x485: {  	v54 =	vor.u32 v44, v53;
	[tilespmem:s16+$0xC70] =	vst v51;
	v13 =	vadd.f32 v13, v11  }
0x486: {  	v55 =	vperm.xlane v54, v4;
	[tilespmem:s7+$0xC70] =	vst v14;
	v11 =	vadd.f32 v12, v11  }
0x487: {  	[tilespmem:s19+$0xC70] =	vst v13  }
0x488: {  	[tilespmem:s11+$0xC70] =	vst v11;
	v11 =	vadd.s32 v5, v55  }
0x489: {  	v56 =	vor.u32 v8, v43;
	[tilespmem:$0x1E480] =	vst v50  }
0x48a: {  	v57 =	vor.u32 v9, v43;
	v58 =	vperm.xlane v54, v6;
	[tilespmem:$0x1E490] =	vst v56  }
0x48b: {  	v59 =	vor.u32 v10, v43;
	[tilespmem:$0x1E4A0] =	vst v57  }
0x48c: {  	v60 =	vadd.s32 v5, v58;
	s11 =	simm.s32 $0x16400;
	[tilespmem:$0x1E4B0] =	vst v59  }
0x48d: {  	[hbm4b:s3+s4] =	stream.indirect_vreg.scatter [tilespmem:s11], [sflag:$0x2], $0x80, v11, vm0, $0xb8;
	[tilespmem:$0x1E500] =	vst v63  }
0x48e: {  	s12 =	simm.s32 $0x16C00  }
0x48f: {  	[hbm4b:s8+s4] =	stream.indirect_vreg.scatter [tilespmem:s12], [sflag:$0x2], $0x80, v11, vm0, $0xb8;
	[tilespmem:$0x1E500] =	vst v63  }
0x490: {  	s13 =	simm.s32 $0x17400  }
0x491: {  	[hbm4b:s3+s4] =	stream.indirect_vreg.scatter [tilespmem:s13], [sflag:$0x2], $0x80, v60, vm0, $0xb8;
	[tilespmem:$0x1E500] =	vst v63  }
0x492: {  	s14 =	simm.s32 $0x17C00  }
0x493: {  	[hbm4b:s8+s4] =	stream.indirect_vreg.scatter [tilespmem:s14], [sflag:$0x2], $0x80, v60, vm0, $0xb8;
	[tilespmem:$0x1E500] =	vst v63  }
0x494: {  	v11 =	vld [tilespmem:$0x1E490];
	_ =	sdelay $0x4  }
0x495: {  	v61 =	vshll.u32 v11, $0x2  }
0x496: {  	v11 =	vand.u32 $0x7, v11;
	v12 =	vand.u32 $0xFFFFFFE0, v61  }
0x497: {  	v11 =	vor.u32 v11, v12  }
0x498: {  	v12 =	vperm.xlane v11, v4;
	_ =	sdelay $0x1  }
0x499: {  	v12 =	vadd.s32 v5, v12;
	_ =	sdelay $0x1  }
0x49a: {  	v11 =	vperm.xlane v11, v6;
	_ =	sdelay $0x1  }
0x49b: {  	s15 =	simm.s32 $0x18400;
	v11 =	vadd.s32 v5, v11  }
0x49c: {  	[hbm4b:s3+s4] =	stream.indirect_vreg.scatter [tilespmem:s15], [sflag:$0x2], $0x80, v12, vm0, $0xb8;
	[tilespmem:$0x1E500] =	vst v63  }
0x49d: {  	s16 =	simm.s32 $0x18C00  }
0x49e: {  	[hbm4b:s8+s4] =	stream.indirect_vreg.scatter [tilespmem:s16], [sflag:$0x2], $0x80, v12, vm0, $0xb8;
	[tilespmem:$0x1E500] =	vst v63  }
0x49f: {  	s17 =	simm.s32 $0x19400  }
0x4a0: {  	[hbm4b:s3+s4] =	stream.indirect_vreg.scatter [tilespmem:s17], [sflag:$0x2], $0x80, v11, vm0, $0xb8;
	[tilespmem:$0x1E500] =	vst v63  }
0x4a1: {  	s18 =	simm.s32 $0x19C00  }
0x4a2: {  	[hbm4b:s8+s4] =	stream.indirect_vreg.scatter [tilespmem:s18], [sflag:$0x2], $0x80, v11, vm0, $0xb8;
	[tilespmem:$0x1E500] =	vst v63  }
0x4a3: {  	v11 =	vld [tilespmem:$0x1E4A0];
	_ =	sdelay $0x4  }
0x4a4: {  	v62 =	vshll.u32 v11, $0x2  }
0x4a5: {  	v11 =	vand.u32 $0x7, v11;
	v12 =	vand.u32 $0xFFFFFFE0, v62  }
0x4a6: {  	v11 =	vor.u32 v11, v12  }
0x4a7: {  	v12 =	vperm.xlane v11, v4;
	_ =	sdelay $0x1  }
0x4a8: {  	v12 =	vadd.s32 v5, v12;
	_ =	sdelay $0x1  }
0x4a9: {  	v11 =	vperm.xlane v11, v6;
	_ =	sdelay $0x1  }
0x4aa: {  	s19 =	simm.s32 $0x1A400;
	v11 =	vadd.s32 v5, v11  }
0x4ab: {  	[hbm4b:s3+s4] =	stream.indirect_vreg.scatter [tilespmem:s19], [sflag:$0x2], $0x80, v12, vm0, $0xb8;
	[tilespmem:$0x1E500] =	vst v63  }
0x4ac: {  	s26 =	simm.s32 $0x1AC00  }
0x4ad: {  	[hbm4b:s8+s4] =	stream.indirect_vreg.scatter [tilespmem:s26], [sflag:$0x2], $0x80, v12, vm0, $0xb8;
	[tilespmem:$0x1E500] =	vst v63  }
0x4ae: {  	s28 =	simm.s32 $0x1B400  }
0x4af: {  	[hbm4b:s3+s4] =	stream.indirect_vreg.scatter [tilespmem:s28], [sflag:$0x2], $0x80, v11, vm0, $0xb8;
	[tilespmem:$0x1E500] =	vst v63  }
0x4b0: {  	s29 =	simm.s32 $0x1BC00  }
0x4b1: {  	[hbm4b:s8+s4] =	stream.indirect_vreg.scatter [tilespmem:s29], [sflag:$0x2], $0x80, v11, vm0, $0xb8;
	[tilespmem:$0x1E500] =	vst v63  }
0x4b2: {  	v11 =	vld [tilespmem:$0x1E4B0];
	_ =	sdelay $0x4  }
0x4b3: {  	v63 =	vshll.u32 v11, $0x2  }
0x4b4: {  	v11 =	vand.u32 $0x7, v11;
	v12 =	vand.u32 $0xFFFFFFE0, v63  }
0x4b5: {  	v11 =	vor.u32 v11, v12  }
0x4b6: {  	v12 =	vperm.xlane v11, v4;
	_ =	sdelay $0x1  }
0x4b7: {  	v12 =	vadd.s32 v5, v12;
	_ =	sdelay $0x2  }
0x4b8: {  	v11 =	vperm.xlane v11, v6  }
0x4b9: {  	s25 =	sadd.s32 $0x1, s25;
	s30 =	simm.s32 $0x1C400  }
0x4ba: {  	v11 =	vadd.s32 v5, v11;
	[hbm4b:s3+s4] =	stream.indirect_vreg.scatter [tilespmem:s30], [sflag:$0x2], $0x80, v12, vm0, $0xb8;
	[tilespmem:$0x1E500] =	vst v63  }
0x4bb: {  	p0 =	sne.s32 s25, $0x10;
	s31 =	simm.s32 $0x1CC00  }
0x4bc: {  	[hbm4b:s8+s4] =	stream.indirect_vreg.scatter [tilespmem:s31], [sflag:$0x2], $0x80, v12, vm0, $0xb8;
	[tilespmem:$0x1E500] =	vst v63  }
.Ltmp3:
0x4bd: {  	_ = 	snop;
	(pc) =	sbr.rel @p0 .LBB2_4-.Ltmp3, $4  }
0x4be: {  	_ = 	snop  }
0x4bf: {  	[hbm4b:s3+s4] =	stream.indirect_vreg.scatter [tilespmem:s20], [sflag:$0x2], $0x80, v11, vm0, $0xb8;
	[tilespmem:$0x1E500] =	vst v63  }
0x4c0: {  	s24 =	sadd.s32 $0x1, s24;
	s23 =	sadd.s32 $0x1, s23  }
0x4c1: {  	[hbm4b:s8+s4] =	stream.indirect_vreg.scatter [tilespmem:s21], [sflag:$0x2], $0x80, v11, vm0, $0xb8;
	[tilespmem:$0x1E500] =	vst v63  }
0x4c2: {  	s0 =	simm.s32 $0x1  }
0x4c3: {  	_ =	swait.ge [sflag:s0], $0x8000  }
0x4c4: {  	[sflag:s0] =	ssyncset.done $0x0  }
0x4c5: {  	s1 =	simm.s32 $0x2;
	[sflag:s0] =	ssyncadd.s32 $0xFFFF8000  }
0x4c6: {  	_ =	swait.ge [sflag:s1], $0x8000  }
0x4c7: {  	s2 =	rddreg [dreg:$0xa]  }
0x4c8: {  	s31 =	rddreg [dreg:$0x7];
	s2 =	sadd.s32 $0x1, s2  }
0x4c9: {  	p0 =	sne.s32 s2, s31  }
.Ltmp4:
0x4ca: {  	_ = 	snop;
	(pc) =	sbr.rel @p0 .LBB2_1-.Ltmp4, $3  }
0x4cb: {  	_ =	sdelay $0x1  }
0x4cc: {  	[sflag:s1] =	ssyncset.done $0x0  }
0x4cd: {  	s9 =	simm.s32 $0x3;
	[sflag:s1] =	ssyncadd.s32 $0xFFFF8000  }
0x4ce: {  	_ =	sfence.sel $0x180000  }
0x4cf: {  	[bflag:$0x0] =	sbarrier.arrive $0xFFFF  }
0x4d0: {  	_ =	strace $0x90000047  }
0x4d1: {  	s0 =	stileid.u32;
	[bflag:$0x2] =	sbarrier.arrive $0xFFFF  }
0x4d2: {  	p0 =	sne.s32 s0, $0x0;
	s0 =	rddreg [dreg:$0x4]  }
0x4d3: {  	s0 =	sadd.s32 @!p0 $0x100000, s0  }
0x4d4: {  	[sflag:s0] =	ssyncadd.tile.s32 @!p0 $0x1;
	_ =	shalt  }
.Lfunc_end2:
_tile_overlayer_lowered:
.L_overlay_start_2:
0x4d5: {  	(tag) =	ssettag $0x2  }
0x4d6: {  	s0 =	rddreg [dreg:$0x0];
	s2 =	stileid.u32  }
0x4d7: {  	s1 =	rddreg [dreg:$0x1];
	p0 =	sne.s32 s2, $0x0  }
0x4d8: {  	s3 =	rddreg [dreg:$0x2];
	[bflag:$0x3] =	sbarrier.arrive $0xFFFF;
	s2 =	simm.s32 @!p0 $0x1C03  }
0x4d9: {  	[timem:s3], [sflag:s2] =	dma.local @!p0 [hbm:s0], s1  }
0x4da: {  	s0 =	simm.s32 @!p0 $0x3  }
0x4db: {  	_ =	swait.ge @!p0 [sflag:s0], s1  }
0x4dc: {  	s1 =	ssub.s32 @!p0 $0x0, s1;
	[sflag:s0] =	ssyncset.done @!p0 $0x0  }
0x4dd: {  	[sflag:s0] =	ssyncadd.s32 @!p0 s1  }
0x4de: {  	[bflag:$0x3] =	sbarrier.arrive $0xFFFF  }
0x4df: {  	_ =	shalt  }

</sc_bundles>
